<compile_context>
chip_gen: v7x
topology: tpu7x:2x2x1
jax: 0.10.2.dev20260603
libtpu: 0.0.44.dev20260713+nightly
codegen_flags: <defaults>
</compile_context>

<pallas_src>
import functools

import jax
import jax.numpy as jnp
import numpy as np
from jax import lax
from jax.experimental import pallas as pl
from jax.experimental.pallas import tpu as pltpu
from jax.experimental.pallas import tpu_sc as plsc

_N, _E, _D, _H, _O, _G, _L = 10000, 320000, 128, 128, 128, 64, 3

_NC, _NS = 2, 16
_NW = _NC * _NS
_CH = 128
_CPT = 80
_EPAD = _NW * _CPT * _CH
_NCHUNK = _EPAD // _CH
_TRASH = 112
_NACC = _N + _TRASH
_RPT = _NACC // _NS
_HCPT = _CPT // 2

_R = 5000
_NB = _N // _R

_HIGH = None

_PADS = np.stack([
    (np.arange(_EPAD - _E) * 997) % _N,
    _N + (np.arange(_EPAD - _E) % _TRASH),
]).astype(np.int32)


def _sc_agg_body(h_hbm, e_hbm, out_hbm,
                 srcv, dstv, rows0, rows1, acc, g0, g1, s0, s1):
    c = lax.axis_index("c")
    s = lax.axis_index("s")
    tile = c * _NS + s
    r0 = s * _RPT

    def stage(half):
        ch0 = tile * _CPT + half * _HCPT
        pltpu.sync_copy(e_hbm.at[0, pl.ds(ch0, _HCPT)], srcv)
        pltpu.sync_copy(e_hbm.at[1, pl.ds(ch0, _HCPT)], dstv)

    stage(0)
    pltpu.async_copy(h_hbm.at[srcv.at[0]], rows0, g0)

    def zfill(k, carry):
        for q in range(8):
            rows1[k, pl.ds(q * 16, 16)] = jnp.zeros((16,), jnp.float32)
        return carry

    lax.fori_loop(0, _CH, zfill, 0)
    for q in range(4):
        pltpu.sync_copy(rows1, acc.at[pl.ds(r0 + q * _CH, _CH)])
    pltpu.sync_copy(rows1.at[pl.ds(0, _RPT - 4 * _CH)],
                    acc.at[pl.ds(r0 + 4 * _CH, _RPT - 4 * _CH)])
    plsc.subcore_barrier()

    def step(jj, ra, ga, sa, rb, gb, sb):
        pltpu.make_async_copy(h_hbm.at[srcv.at[jj]], ra, ga).wait()
        pltpu.async_copy(ra, acc.at[dstv.at[jj]], sa, add=True)

        @pl.when(jj > 0)
        def _():
            pltpu.make_async_copy(rb, acc.at[dstv.at[jj - 1]], sb).wait()

        @pl.when(jj + 1 < _HCPT)
        def _():
            pltpu.async_copy(h_hbm.at[srcv.at[jj + 1]], rb, gb)

    for half in range(2):
        if half:
            stage(half)
            pltpu.async_copy(h_hbm.at[srcv.at[0]], rows0, g0)

        def pair(k, carry):
            step(2 * k, rows0, g0, s0, rows1, g1, s1)
            step(2 * k + 1, rows1, g1, s1, rows0, g0, s0)
            return carry

        lax.fori_loop(0, _HCPT // 2, pair, 0)
        pltpu.make_async_copy(rows1, acc.at[dstv.at[_HCPT - 1]], s1).wait()

    plsc.subcore_barrier()
    pltpu.sync_copy(acc.at[pl.ds(r0, _RPT)], out_hbm.at[c, pl.ds(r0, _RPT)])


_sc_agg = functools.partial(
    pl.kernel,
    out_type=jax.ShapeDtypeStruct((_NC, _NACC, _H), jnp.float32),
    mesh=plsc.VectorSubcoreMesh(core_axis_name="c", subcore_axis_name="s",
                                num_cores=_NC, num_subcores=_NS),
    scratch_types=[
        pltpu.VMEM((_HCPT, _CH), jnp.int32),
        pltpu.VMEM((_HCPT, _CH), jnp.int32),
        pltpu.VMEM((_CH, _H), jnp.float32),
        pltpu.VMEM((_CH, _H), jnp.float32),
        pltpu.VMEM_SHARED((_NACC, _H), jnp.float32),
        pltpu.SemaphoreType.DMA,
        pltpu.SemaphoreType.DMA,
        pltpu.SemaphoreType.DMA,
        pltpu.SemaphoreType.DMA,
    ],
)(_sc_agg_body)


def _mlp_body_common(seps_ref, batch_ref, h_ref, p0_ref, p1_ref,
                     W1_ref, b1_ref, scale_ref, shift_ref, W2_ref, b2_ref,
                     hout_ref, pooled_ref):
    i = pl.program_id(0)
    h = h_ref[...]
    agg = p0_ref[0] + p1_ref[0]
    t = h * seps_ref[0, 0] + agg
    t = jnp.maximum(jnp.dot(t, W1_ref[...], precision=_HIGH,
                            preferred_element_type=jnp.float32) + b1_ref[...], 0.0)
    t = jnp.maximum(t * scale_ref[...] + shift_ref[...], 0.0)
    t = jnp.dot(t, W2_ref[...], precision=_HIGH,
                preferred_element_type=jnp.float32) + b2_ref[...]
    t = jnp.maximum(t, 0.0)
    hout_ref[...] = t

    bb = batch_ref[0, 0, :]
    seg = lax.broadcasted_iota(jnp.int32, (_G, _R), 0)
    oht = (seg == jnp.reshape(bb, (1, _R))).astype(jnp.float32)
    contrib = jnp.dot(oht, t, precision=_HIGH,
                      preferred_element_type=jnp.float32)

    @pl.when(i == 0)
    def _():
        pooled_ref[...] = contrib

    @pl.when(i != 0)
    def _():
        pooled_ref[...] += contrib

    return i


def _mlp_body(seps_ref, batch_ref, h_ref, p0_ref, p1_ref,
              W1_ref, b1_ref, scale_ref, shift_ref, W2_ref, b2_ref,
              hout_ref, pooled_ref):
    _mlp_body_common(seps_ref, batch_ref, h_ref, p0_ref, p1_ref,
                     W1_ref, b1_ref, scale_ref, shift_ref, W2_ref, b2_ref,
                     hout_ref, pooled_ref)


def _mlp_head_body(seps_ref, batch_ref, h_ref, p0_ref, p1_ref,
                   W1_ref, b1_ref, scale_ref, shift_ref, W2_ref, b2_ref,
                   l1W_ref, l1b_ref, l2W_ref, l2b_ref,
                   hout_ref, pooled_ref, out_ref):
    i = _mlp_body_common(seps_ref, batch_ref, h_ref, p0_ref, p1_ref,
                         W1_ref, b1_ref, scale_ref, shift_ref, W2_ref, b2_ref,
                         hout_ref, pooled_ref)

    @pl.when(i == _NB - 1)
    def _():
        pld = pooled_ref[...]
        po = jnp.maximum(jnp.dot(pld, l1W_ref[...], precision=_HIGH,
                                 preferred_element_type=jnp.float32)
                         + l1b_ref[...], 0.0)
        out_ref[...] = (jnp.dot(po, l2W_ref[...], precision=_HIGH,
                                preferred_element_type=jnp.float32)
                        + l2b_ref[...])


def _mk_mlp(with_head):
    full = lambda sh: pl.BlockSpec(sh, lambda i: (0,) * len(sh))
    row = pl.BlockSpec((_R, _H), lambda i: (i, 0))
    in_specs = [
        pl.BlockSpec(memory_space=pltpu.SMEM),
        pl.BlockSpec((1, 1, _R), lambda i: (i, 0, 0)),
        row,
        pl.BlockSpec((1, _R, _H), lambda i: (0, i, 0)),
        pl.BlockSpec((1, _R, _H), lambda i: (1, i, 0)),
        full((_H, _H)),
        full((1, _H)),
        full((1, _H)),
        full((1, _H)),
        full((_H, _H)),
        full((1, _H)),
    ]
    out_shapes = [
        jax.ShapeDtypeStruct((_N, _H), jnp.float32),
        jax.ShapeDtypeStruct((_G, _H), jnp.float32),
    ]
    out_specs = [row, full((_G, _H))]
    body = _mlp_body
    if with_head:
        in_specs += [full((_H, _H)), full((1, _H)), full((_H, _O)), full((1, _O))]
        out_shapes.append(jax.ShapeDtypeStruct((_G, _O), jnp.float32))
        out_specs.append(full((_G, _O)))
        body = _mlp_head_body
    return pl.pallas_call(
        body,
        grid=(_NB,),
        in_specs=in_specs,
        out_specs=out_specs,
        out_shape=out_shapes,
    )


_mlp_plain = _mk_mlp(False)
_mlp_head = _mk_mlp(True)


def kernel(x, edge_index, batch, W1_0, b1_0, gamma_0, beta_0, rm_0, rv_0, W2_0, b2_0, eps_0, W1_1, b1_1, gamma_1, beta_1, rm_1, rv_1, W2_1, b2_1, eps_1, W1_2, b1_2, gamma_2, beta_2, rm_2, rv_2, W2_2, b2_2, eps_2, lin1_W, lin1_b, lin2_W, lin2_b):
    p = dict(locals())
    e3d = jnp.reshape(
        jnp.concatenate([edge_index.astype(jnp.int32), jnp.asarray(_PADS)], axis=1),
        (2, _NCHUNK, _CH))
    batch3d = jnp.reshape(batch.astype(jnp.int32), (_NB, 1, _R))

    h = x
    pooled = []
    outp = None
    for i in range(_L):
        partials = _sc_agg(h, e3d)
        seps = jnp.reshape(1.0 + p[f"eps_{i}"], (1, 1))
        scale = p[f"gamma_{i}"] / jnp.sqrt(p[f"rv_{i}"] + 1e-5)
        shift = p[f"beta_{i}"] - p[f"rm_{i}"] * scale
        args = (seps, batch3d, h, partials, partials,
                p[f"W1_{i}"], jnp.reshape(p[f"b1_{i}"], (1, _H)),
                jnp.reshape(scale, (1, _H)), jnp.reshape(shift, (1, _H)),
                p[f"W2_{i}"], jnp.reshape(p[f"b2_{i}"], (1, _H)))
        if i == _L - 1:
            h, pk, outp = _mlp_head(*args, lin1_W,
                                    jnp.reshape(lin1_b, (1, _H)),
                                    lin2_W, jnp.reshape(lin2_b, (1, _O)))
        else:
            h, pk = _mlp_plain(*args)
        pooled.append(pk)
    return (outp, *pooled)

# --- scband reference (transcript-rebuilt; emitter-appended) ---
"""Pipeline reference for scband-gin-54228257079641 (READ-ONLY COPY).

The authoritative reference and input builder live on the scoring server;
editing this copy changes nothing except your own understanding.
"""

import jax, jax.numpy as jnp
import numpy as np

N, E, D, H, O, G, L = 10000, 320000, 128, 128, 128, 64, 3

def setup_inputs(seed: int = 0):
    key = jax.random.key(seed)
    ks = jax.random.split(key, 64)
    inp = {}
    inp["x"] = jax.random.normal(ks[0], (N, D), dtype=jnp.float32)
    inp["edge_index"] = jax.random.randint(ks[1], (2, E), 0, N)
    inp["batch"] = jnp.sort(jax.random.randint(ks[2], (N,), 0, G))
    ki = 3
    for i in range(L):
        din = D if i == 0 else H
        inp[f"W1_{i}"] = jax.random.normal(ks[ki], (din, H), dtype=jnp.float32) * (1.0 / np.sqrt(din)); ki += 1
        inp[f"b1_{i}"] = jnp.zeros((H,), dtype=jnp.float32)
        inp[f"gamma_{i}"] = jnp.ones((H,), dtype=jnp.float32)
        inp[f"beta_{i}"] = jnp.zeros((H,), dtype=jnp.float32)
        inp[f"rm_{i}"] = jnp.zeros((H,), dtype=jnp.float32)
        inp[f"rv_{i}"] = jnp.ones((H,), dtype=jnp.float32)
        inp[f"W2_{i}"] = jax.random.normal(ks[ki], (H, H), dtype=jnp.float32) * (1.0 / np.sqrt(H)); ki += 1
        inp[f"b2_{i}"] = jnp.zeros((H,), dtype=jnp.float32)
        inp[f"eps_{i}"] = jnp.zeros((), dtype=jnp.float32)
    inp["lin1_W"] = jax.random.normal(ks[ki], (H, H), dtype=jnp.float32) * (1.0 / np.sqrt(H)); ki += 1
    inp["lin1_b"] = jnp.zeros((H,), dtype=jnp.float32)
    inp["lin2_W"] = jax.random.normal(ks[ki], (H, O), dtype=jnp.float32) * (1.0 / np.sqrt(H)); ki += 1
    inp["lin2_b"] = jnp.zeros((O,), dtype=jnp.float32)
    return inp

def _bn_eval(x, g, b, rm, rv):
    return g * (x - rm) / jnp.sqrt(rv + 1e-5) + b

def _gin_conv(x, src, dst, eps, W1, b1, g, be, rm, rv, W2, b2):
    agg = jax.ops.segment_sum(x[src], dst, num_segments=x.shape[0])
    h = (1.0 + eps) * x + agg
    h = jax.nn.relu(h @ W1 + b1)
    h = jax.nn.relu(_bn_eval(h, g, be, rm, rv))
    return h @ W2 + b2

def reference(x, edge_index, batch,
              W1_0, b1_0, gamma_0, beta_0, rm_0, rv_0, W2_0, b2_0, eps_0,
              W1_1, b1_1, gamma_1, beta_1, rm_1, rv_1, W2_1, b2_1, eps_1,
              W1_2, b1_2, gamma_2, beta_2, rm_2, rv_2, W2_2, b2_2, eps_2,
              lin1_W, lin1_b, lin2_W, lin2_b):
    p = dict(locals())
    src, dst = edge_index[0], edge_index[1]
    h = x
    pooled = []
    for i in range(L):
        h = _gin_conv(h, src, dst, p[f"eps_{i}"], p[f"W1_{i}"], p[f"b1_{i}"], p[f"gamma_{i}"], p[f"beta_{i}"], p[f"rm_{i}"], p[f"rv_{i}"], p[f"W2_{i}"], p[f"b2_{i}"])
        h = jax.nn.relu(h)
        pooled.append(jax.ops.segment_sum(h, batch, num_segments=G))
    po = jax.nn.relu(pooled[-1] @ p["lin1_W"] + p["lin1_b"])
    out = po @ p["lin2_W"] + p["lin2_b"]
    return (out, *pooled)

if __name__ == "__main__":
    import jax
    _d = setup_inputs()
    print(jax.jit(kernel)(*tuple(_d.values())))

</pallas_src>

<mosaic_0001>
#map = affine_map<(d0, d1) -> (0, 0)>
#map1 = affine_map<(d0, d1) -> (0, 0, 0)>
module attributes {stable_mosaic.version = 14 : i64} {
  func.func @_sc_agg_body(%arg0: i32, %arg1: i32, %arg2: memref<10000x128xf32, #tpu.memory_space<hbm>>, %arg3: memref<2x2560x128xi32, #tpu.memory_space<hbm>>, %arg4: memref<2x10112x128xf32, #tpu.memory_space<hbm>>, %arg5: memref<40x128xi32, #tpu.memory_space<vmem>>, %arg6: memref<40x128xi32, #tpu.memory_space<vmem>>, %arg7: memref<128x128xf32, #tpu.memory_space<vmem>>, %arg8: memref<128x128xf32, #tpu.memory_space<vmem>>, %arg9: memref<10112x128xf32, #tpu.memory_space<vmem_shared>>, %arg10: memref<!tpu.dma_semaphore, #tpu.memory_space<semaphore_mem>>, %arg11: memref<!tpu.dma_semaphore, #tpu.memory_space<semaphore_mem>>, %arg12: memref<!tpu.dma_semaphore, #tpu.memory_space<semaphore_mem>>, %arg13: memref<!tpu.dma_semaphore, #tpu.memory_space<semaphore_mem>>) attributes {dimension_semantics = [#tpu.dimension_semantics<core_parallel>, #tpu.dimension_semantics<subcore_parallel>], iteration_bounds = array<i64: 2, 16>, scalar_prefetch = 0 : i64, scratch_operands = 9 : i64, tpu.core_type = #tpu.core_type<sc_vector_subcore>, window_params = [{transform_indices = #map}, {transform_indices = #map1}, {transform_indices = #map1}]} {
    %mul3A = arith.constant 16 : i32
    %mul3A_0 = arith.muli %arg0, %mul3A : i32
    %add3A = arith.addi %mul3A_0, %arg1 : i32
    %mul3A_1 = arith.constant 632 : i32
    %mul3A_2 = arith.muli %arg1, %mul3A_1 : i32
    %mul3A_3 = arith.constant 80 : i32
    %mul3A_4 = arith.muli %add3A, %mul3A_3 : i32
    %add3A_5 = arith.constant 0 : i32
    %add3A_6 = arith.addi %mul3A_4, %add3A_5 : i32
    %run_scoped3A = arith.constant 0 : i32
    "tpu.region"() ({
      %run_scoped3A_68 = tpu.sem_alloc : memref<!tpu.dma_semaphore, #tpu.memory_space<semaphore_mem>>
      %dma_start3A_69 = arith.constant 0 : i32
      %dma_start3A_70 = tpu.memref_slice %arg3[%run_scoped3A, %add3A_6, %dma_start3A_69] : memref<2x2560x128xi32, #tpu.memory_space<hbm>> -> memref<1x40x128xi32, #tpu.memory_space<hbm>>
      %dma_start3A_71 = tpu.memref_squeeze %dma_start3A_70 : memref<1x40x128xi32, #tpu.memory_space<hbm>> -> memref<40x128xi32, #tpu.memory_space<hbm>>
      %dma_start3A_72 = arith.constant 0 : i32
      %dma_start3A_73 = tpu.memref_slice %arg3[%run_scoped3A, %add3A_6, %dma_start3A_72] : memref<2x2560x128xi32, #tpu.memory_space<hbm>> -> memref<1x40x128xi32, #tpu.memory_space<hbm>>
      %dma_start3A_74 = tpu.memref_squeeze %dma_start3A_73 : memref<1x40x128xi32, #tpu.memory_space<hbm>> -> memref<40x128xi32, #tpu.memory_space<hbm>>
      tpu.enqueue_dma source(%dma_start3A_74 : memref<40x128xi32, #tpu.memory_space<hbm>>) target(%arg5 : memref<40x128xi32, #tpu.memory_space<vmem>>) target_semaphore(%run_scoped3A_68 : memref<!tpu.dma_semaphore, #tpu.memory_space<semaphore_mem>>)
      %dma_wait3A_75 = arith.constant 0 : i32
      %dma_wait3A_76 = tpu.memref_slice %arg3[%run_scoped3A, %add3A_6, %dma_wait3A_75] : memref<2x2560x128xi32, #tpu.memory_space<hbm>> -> memref<1x40x128xi32, #tpu.memory_space<hbm>>
      %dma_wait3A_77 = tpu.memref_squeeze %dma_wait3A_76 : memref<1x40x128xi32, #tpu.memory_space<hbm>> -> memref<40x128xi32, #tpu.memory_space<hbm>>
      %dma_wait3A_78 = arith.constant 0 : i32
      %dma_wait3A_79 = tpu.memref_slice %arg3[%run_scoped3A, %add3A_6, %dma_wait3A_78] : memref<2x2560x128xi32, #tpu.memory_space<hbm>> -> memref<1x40x128xi32, #tpu.memory_space<hbm>>
      %dma_wait3A_80 = tpu.memref_squeeze %dma_wait3A_79 : memref<1x40x128xi32, #tpu.memory_space<hbm>> -> memref<40x128xi32, #tpu.memory_space<hbm>>
      tpu.wait_dma2 semaphore(%run_scoped3A_68 : memref<!tpu.dma_semaphore, #tpu.memory_space<semaphore_mem>>) src(%dma_wait3A_80 : memref<40x128xi32, #tpu.memory_space<hbm>>) dst(%arg5 : memref<40x128xi32, #tpu.memory_space<vmem>>)
      tpu.yield
    }) : () -> ()
    %run_scoped3A_7 = arith.constant 1 : i32
    "tpu.region"() ({
      %run_scoped3A_68 = tpu.sem_alloc : memref<!tpu.dma_semaphore, #tpu.memory_space<semaphore_mem>>
      %dma_start3A_69 = arith.constant 0 : i32
      %dma_start3A_70 = tpu.memref_slice %arg3[%run_scoped3A_7, %add3A_6, %dma_start3A_69] : memref<2x2560x128xi32, #tpu.memory_space<hbm>> -> memref<1x40x128xi32, #tpu.memory_space<hbm>>
      %dma_start3A_71 = tpu.memref_squeeze %dma_start3A_70 : memref<1x40x128xi32, #tpu.memory_space<hbm>> -> memref<40x128xi32, #tpu.memory_space<hbm>>
      %dma_start3A_72 = arith.constant 0 : i32
      %dma_start3A_73 = tpu.memref_slice %arg3[%run_scoped3A_7, %add3A_6, %dma_start3A_72] : memref<2x2560x128xi32, #tpu.memory_space<hbm>> -> memref<1x40x128xi32, #tpu.memory_space<hbm>>
      %dma_start3A_74 = tpu.memref_squeeze %dma_start3A_73 : memref<1x40x128xi32, #tpu.memory_space<hbm>> -> memref<40x128xi32, #tpu.memory_space<hbm>>
      tpu.enqueue_dma source(%dma_start3A_74 : memref<40x128xi32, #tpu.memory_space<hbm>>) target(%arg6 : memref<40x128xi32, #tpu.memory_space<vmem>>) target_semaphore(%run_scoped3A_68 : memref<!tpu.dma_semaphore, #tpu.memory_space<semaphore_mem>>)
      %dma_wait3A_75 = arith.constant 0 : i32
      %dma_wait3A_76 = tpu.memref_slice %arg3[%run_scoped3A_7, %add3A_6, %dma_wait3A_75] : memref<2x2560x128xi32, #tpu.memory_space<hbm>> -> memref<1x40x128xi32, #tpu.memory_space<hbm>>
      %dma_wait3A_77 = tpu.memref_squeeze %dma_wait3A_76 : memref<1x40x128xi32, #tpu.memory_space<hbm>> -> memref<40x128xi32, #tpu.memory_space<hbm>>
      %dma_wait3A_78 = arith.constant 0 : i32
      %dma_wait3A_79 = tpu.memref_slice %arg3[%run_scoped3A_7, %add3A_6, %dma_wait3A_78] : memref<2x2560x128xi32, #tpu.memory_space<hbm>> -> memref<1x40x128xi32, #tpu.memory_space<hbm>>
      %dma_wait3A_80 = tpu.memref_squeeze %dma_wait3A_79 : memref<1x40x128xi32, #tpu.memory_space<hbm>> -> memref<40x128xi32, #tpu.memory_space<hbm>>
      tpu.wait_dma2 semaphore(%run_scoped3A_68 : memref<!tpu.dma_semaphore, #tpu.memory_space<semaphore_mem>>) src(%dma_wait3A_80 : memref<40x128xi32, #tpu.memory_space<hbm>>) dst(%arg6 : memref<40x128xi32, #tpu.memory_space<vmem>>)
      tpu.yield
    }) : () -> ()
    %dma_start3A = arith.constant 0 : i32
    %dma_start3A_8 = arith.constant 0 : i32
    %dma_start3A_9 = tpu.memref_slice %arg5[%dma_start3A, %dma_start3A_8] : memref<40x128xi32, #tpu.memory_space<vmem>> -> memref<1x128xi32, #tpu.memory_space<vmem>>
    %dma_start3A_10 = tpu.memref_squeeze %dma_start3A_9 : memref<1x128xi32, #tpu.memory_space<vmem>> -> memref<128xi32, #tpu.memory_space<vmem>>
    %dma_start3A_11 = arith.constant 0 : i32
    %dma_start3A_12 = arith.constant 0 : i32
    %dma_start3A_13 = tpu.memref_slice %arg2[%dma_start3A_11, %dma_start3A_12] : memref<10000x128xf32, #tpu.memory_space<hbm>> -> memref<10000x128xf32, #tpu.memory_space<hbm>>
    tpu.enqueue_indirect_dma source(%dma_start3A_13 : memref<10000x128xf32, #tpu.memory_space<hbm>>) target(%arg7 : memref<128x128xf32, #tpu.memory_space<vmem>>) offsets(%dma_start3A_10 : memref<128xi32, #tpu.memory_space<vmem>>) semaphore(%arg10 : memref<!tpu.dma_semaphore, #tpu.memory_space<semaphore_mem>>)
    %scan3A = arith.constant 0 : i32
    %scan3A_14 = arith.constant 0 : i32
    %scan3A_15 = arith.constant 128 : i32
    %scan3A_16 = arith.addi %scan3A_14, %scan3A_15 : i32
    %scan3A_17 = arith.constant 1 : i32
    scf.for %scan3A_68 = %scan3A_14 to %scan3A_16 step %scan3A_17  : i32 {
      %broadcast_in_dim3A = arith.constant 0.000000e+00 : f32
      %broadcast_in_dim3A_69 = vector.broadcast %broadcast_in_dim3A : f32 to vector<16xf32>
      %swap3A = arith.index_cast %scan3A_68 : i32 to index
      %swap3A_70 = arith.constant 0 : index
      %swap3A_71 = tpu.vector_load %arg8[%swap3A, %swap3A_70] {strides = array<i32>} : memref<128x128xf32, #tpu.memory_space<vmem>>, vector<1x16xf32>,
      %swap3A_72 = vector.shape_cast %swap3A_71 : vector<1x16xf32> to vector<16xf32>
      %swap3A_73 = vector.shape_cast %broadcast_in_dim3A_69 : vector<16xf32> to vector<1x16xf32>
      tpu.vector_store %arg8[%swap3A, %swap3A_70], %swap3A_73 {strides = array<i32>} : memref<128x128xf32, #tpu.memory_space<vmem>>, vector<1x16xf32>,
      %broadcast_in_dim3A_74 = arith.constant 0.000000e+00 : f32
      %broadcast_in_dim3A_75 = vector.broadcast %broadcast_in_dim3A_74 : f32 to vector<16xf32>
      %swap3A_76 = arith.index_cast %scan3A_68 : i32 to index
      %swap3A_77 = arith.constant 16 : index
      %swap3A_78 = tpu.vector_load %arg8[%swap3A_76, %swap3A_77] {strides = array<i32>} : memref<128x128xf32, #tpu.memory_space<vmem>>, vector<1x16xf32>,
      %swap3A_79 = vector.shape_cast %swap3A_78 : vector<1x16xf32> to vector<16xf32>
      %swap3A_80 = vector.shape_cast %broadcast_in_dim3A_75 : vector<16xf32> to vector<1x16xf32>
      tpu.vector_store %arg8[%swap3A_76, %swap3A_77], %swap3A_80 {strides = array<i32>} : memref<128x128xf32, #tpu.memory_space<vmem>>, vector<1x16xf32>,
      %broadcast_in_dim3A_81 = arith.constant 0.000000e+00 : f32
      %broadcast_in_dim3A_82 = vector.broadcast %broadcast_in_dim3A_81 : f32 to vector<16xf32>
      %swap3A_83 = arith.index_cast %scan3A_68 : i32 to index
      %swap3A_84 = arith.constant 32 : index
      %swap3A_85 = tpu.vector_load %arg8[%swap3A_83, %swap3A_84] {strides = array<i32>} : memref<128x128xf32, #tpu.memory_space<vmem>>, vector<1x16xf32>,
      %swap3A_86 = vector.shape_cast %swap3A_85 : vector<1x16xf32> to vector<16xf32>
      %swap3A_87 = vector.shape_cast %broadcast_in_dim3A_82 : vector<16xf32> to vector<1x16xf32>
      tpu.vector_store %arg8[%swap3A_83, %swap3A_84], %swap3A_87 {strides = array<i32>} : memref<128x128xf32, #tpu.memory_space<vmem>>, vector<1x16xf32>,
      %broadcast_in_dim3A_88 = arith.constant 0.000000e+00 : f32
      %broadcast_in_dim3A_89 = vector.broadcast %broadcast_in_dim3A_88 : f32 to vector<16xf32>
      %swap3A_90 = arith.index_cast %scan3A_68 : i32 to index
      %swap3A_91 = arith.constant 48 : index
      %swap3A_92 = tpu.vector_load %arg8[%swap3A_90, %swap3A_91] {strides = array<i32>} : memref<128x128xf32, #tpu.memory_space<vmem>>, vector<1x16xf32>,
      %swap3A_93 = vector.shape_cast %swap3A_92 : vector<1x16xf32> to vector<16xf32>
      %swap3A_94 = vector.shape_cast %broadcast_in_dim3A_89 : vector<16xf32> to vector<1x16xf32>
      tpu.vector_store %arg8[%swap3A_90, %swap3A_91], %swap3A_94 {strides = array<i32>} : memref<128x128xf32, #tpu.memory_space<vmem>>, vector<1x16xf32>,
      %broadcast_in_dim3A_95 = arith.constant 0.000000e+00 : f32
      %broadcast_in_dim3A_96 = vector.broadcast %broadcast_in_dim3A_95 : f32 to vector<16xf32>
      %swap3A_97 = arith.index_cast %scan3A_68 : i32 to index
      %swap3A_98 = arith.constant 64 : index
      %swap3A_99 = tpu.vector_load %arg8[%swap3A_97, %swap3A_98] {strides = array<i32>} : memref<128x128xf32, #tpu.memory_space<vmem>>, vector<1x16xf32>,
      %swap3A_100 = vector.shape_cast %swap3A_99 : vector<1x16xf32> to vector<16xf32>
      %swap3A_101 = vector.shape_cast %broadcast_in_dim3A_96 : vector<16xf32> to vector<1x16xf32>
      tpu.vector_store %arg8[%swap3A_97, %swap3A_98], %swap3A_101 {strides = array<i32>} : memref<128x128xf32, #tpu.memory_space<vmem>>, vector<1x16xf32>,
      %broadcast_in_dim3A_102 = arith.constant 0.000000e+00 : f32
      %broadcast_in_dim3A_103 = vector.broadcast %broadcast_in_dim3A_102 : f32 to vector<16xf32>
      %swap3A_104 = arith.index_cast %scan3A_68 : i32 to index
      %swap3A_105 = arith.constant 80 : index
      %swap3A_106 = tpu.vector_load %arg8[%swap3A_104, %swap3A_105] {strides = array<i32>} : memref<128x128xf32, #tpu.memory_space<vmem>>, vector<1x16xf32>,
      %swap3A_107 = vector.shape_cast %swap3A_106 : vector<1x16xf32> to vector<16xf32>
      %swap3A_108 = vector.shape_cast %broadcast_in_dim3A_103 : vector<16xf32> to vector<1x16xf32>
      tpu.vector_store %arg8[%swap3A_104, %swap3A_105], %swap3A_108 {strides = array<i32>} : memref<128x128xf32, #tpu.memory_space<vmem>>, vector<1x16xf32>,
      %broadcast_in_dim3A_109 = arith.constant 0.000000e+00 : f32
      %broadcast_in_dim3A_110 = vector.broadcast %broadcast_in_dim3A_109 : f32 to vector<16xf32>
      %swap3A_111 = arith.index_cast %scan3A_68 : i32 to index
      %swap3A_112 = arith.constant 96 : index
      %swap3A_113 = tpu.vector_load %arg8[%swap3A_111, %swap3A_112] {strides = array<i32>} : memref<128x128xf32, #tpu.memory_space<vmem>>, vector<1x16xf32>,
      %swap3A_114 = vector.shape_cast %swap3A_113 : vector<1x16xf32> to vector<16xf32>
      %swap3A_115 = vector.shape_cast %broadcast_in_dim3A_110 : vector<16xf32> to vector<1x16xf32>
      tpu.vector_store %arg8[%swap3A_111, %swap3A_112], %swap3A_115 {strides = array<i32>} : memref<128x128xf32, #tpu.memory_space<vmem>>, vector<1x16xf32>,
      %broadcast_in_dim3A_116 = arith.constant 0.000000e+00 : f32
      %broadcast_in_dim3A_117 = vector.broadcast %broadcast_in_dim3A_116 : f32 to vector<16xf32>
      %swap3A_118 = arith.index_cast %scan3A_68 : i32 to index
      %swap3A_119 = arith.constant 112 : index
      %swap3A_120 = tpu.vector_load %arg8[%swap3A_118, %swap3A_119] {strides = array<i32>} : memref<128x128xf32, #tpu.memory_space<vmem>>, vector<1x16xf32>,
      %swap3A_121 = vector.shape_cast %swap3A_120 : vector<1x16xf32> to vector<16xf32>
      %swap3A_122 = vector.shape_cast %broadcast_in_dim3A_117 : vector<16xf32> to vector<1x16xf32>
      tpu.vector_store %arg8[%swap3A_118, %swap3A_119], %swap3A_122 {strides = array<i32>} : memref<128x128xf32, #tpu.memory_space<vmem>>, vector<1x16xf32>,
    }
    %scan3A_18 = arith.constant 128 : i32
    %add3A_19 = arith.constant 0 : i32
    %add3A_20 = arith.addi %mul3A_2, %add3A_19 : i32
    "tpu.region"() ({
      %run_scoped3A_68 = tpu.sem_alloc : memref<!tpu.dma_semaphore, #tpu.memory_space<semaphore_mem>>
      %dma_start3A_69 = arith.constant 0 : i32
      %dma_start3A_70 = tpu.memref_slice %arg9[%add3A_20, %dma_start3A_69] : memref<10112x128xf32, #tpu.memory_space<vmem_shared>> -> memref<128x128xf32, #tpu.memory_space<vmem_shared>>
      %dma_start3A_71 = arith.constant 0 : i32
      %dma_start3A_72 = tpu.memref_slice %arg9[%add3A_20, %dma_start3A_71] : memref<10112x128xf32, #tpu.memory_space<vmem_shared>> -> memref<128x128xf32, #tpu.memory_space<vmem_shared>>
      tpu.enqueue_dma source(%arg8 : memref<128x128xf32, #tpu.memory_space<vmem>>) target(%dma_start3A_72 : memref<128x128xf32, #tpu.memory_space<vmem_shared>>) target_semaphore(%run_scoped3A_68 : memref<!tpu.dma_semaphore, #tpu.memory_space<semaphore_mem>>)
      %dma_wait3A_73 = arith.constant 0 : i32
      %dma_wait3A_74 = tpu.memref_slice %arg9[%add3A_20, %dma_wait3A_73] : memref<10112x128xf32, #tpu.memory_space<vmem_shared>> -> memref<128x128xf32, #tpu.memory_space<vmem_shared>>
      %dma_wait3A_75 = arith.constant 0 : i32
      %dma_wait3A_76 = tpu.memref_slice %arg9[%add3A_20, %dma_wait3A_75] : memref<10112x128xf32, #tpu.memory_space<vmem_shared>> -> memref<128x128xf32, #tpu.memory_space<vmem_shared>>
      tpu.wait_dma2 semaphore(%run_scoped3A_68 : memref<!tpu.dma_semaphore, #tpu.memory_space<semaphore_mem>>) src(%arg8 : memref<128x128xf32, #tpu.memory_space<vmem>>) dst(%dma_wait3A_76 : memref<128x128xf32, #tpu.memory_space<vmem_shared>>)
      tpu.yield
    }) : () -> ()
    %add3A_21 = arith.constant 128 : i32
    %add3A_22 = arith.addi %mul3A_2, %add3A_21 : i32
    "tpu.region"() ({
      %run_scoped3A_68 = tpu.sem_alloc : memref<!tpu.dma_semaphore, #tpu.memory_space<semaphore_mem>>
      %dma_start3A_69 = arith.constant 0 : i32
      %dma_start3A_70 = tpu.memref_slice %arg9[%add3A_22, %dma_start3A_69] : memref<10112x128xf32, #tpu.memory_space<vmem_shared>> -> memref<128x128xf32, #tpu.memory_space<vmem_shared>>
      %dma_start3A_71 = arith.constant 0 : i32
      %dma_start3A_72 = tpu.memref_slice %arg9[%add3A_22, %dma_start3A_71] : memref<10112x128xf32, #tpu.memory_space<vmem_shared>> -> memref<128x128xf32, #tpu.memory_space<vmem_shared>>
      tpu.enqueue_dma source(%arg8 : memref<128x128xf32, #tpu.memory_space<vmem>>) target(%dma_start3A_72 : memref<128x128xf32, #tpu.memory_space<vmem_shared>>) target_semaphore(%run_scoped3A_68 : memref<!tpu.dma_semaphore, #tpu.memory_space<semaphore_mem>>)
      %dma_wait3A_73 = arith.constant 0 : i32
      %dma_wait3A_74 = tpu.memref_slice %arg9[%add3A_22, %dma_wait3A_73] : memref<10112x128xf32, #tpu.memory_space<vmem_shared>> -> memref<128x128xf32, #tpu.memory_space<vmem_shared>>
      %dma_wait3A_75 = arith.constant 0 : i32
      %dma_wait3A_76 = tpu.memref_slice %arg9[%add3A_22, %dma_wait3A_75] : memref<10112x128xf32, #tpu.memory_space<vmem_shared>> -> memref<128x128xf32, #tpu.memory_space<vmem_shared>>
      tpu.wait_dma2 semaphore(%run_scoped3A_68 : memref<!tpu.dma_semaphore, #tpu.memory_space<semaphore_mem>>) src(%arg8 : memref<128x128xf32, #tpu.memory_space<vmem>>) dst(%dma_wait3A_76 : memref<128x128xf32, #tpu.memory_space<vmem_shared>>)
      tpu.yield
    }) : () -> ()
    %add3A_23 = arith.constant 256 : i32
    %add3A_24 = arith.addi %mul3A_2, %add3A_23 : i32
    "tpu.region"() ({
      %run_scoped3A_68 = tpu.sem_alloc : memref<!tpu.dma_semaphore, #tpu.memory_space<semaphore_mem>>
      %dma_start3A_69 = arith.constant 0 : i32
      %dma_start3A_70 = tpu.memref_slice %arg9[%add3A_24, %dma_start3A_69] : memref<10112x128xf32, #tpu.memory_space<vmem_shared>> -> memref<128x128xf32, #tpu.memory_space<vmem_shared>>
      %dma_start3A_71 = arith.constant 0 : i32
      %dma_start3A_72 = tpu.memref_slice %arg9[%add3A_24, %dma_start3A_71] : memref<10112x128xf32, #tpu.memory_space<vmem_shared>> -> memref<128x128xf32, #tpu.memory_space<vmem_shared>>
      tpu.enqueue_dma source(%arg8 : memref<128x128xf32, #tpu.memory_space<vmem>>) target(%dma_start3A_72 : memref<128x128xf32, #tpu.memory_space<vmem_shared>>) target_semaphore(%run_scoped3A_68 : memref<!tpu.dma_semaphore, #tpu.memory_space<semaphore_mem>>)
      %dma_wait3A_73 = arith.constant 0 : i32
      %dma_wait3A_74 = tpu.memref_slice %arg9[%add3A_24, %dma_wait3A_73] : memref<10112x128xf32, #tpu.memory_space<vmem_shared>> -> memref<128x128xf32, #tpu.memory_space<vmem_shared>>
      %dma_wait3A_75 = arith.constant 0 : i32
      %dma_wait3A_76 = tpu.memref_slice %arg9[%add3A_24, %dma_wait3A_75] : memref<10112x128xf32, #tpu.memory_space<vmem_shared>> -> memref<128x128xf32, #tpu.memory_space<vmem_shared>>
      tpu.wait_dma2 semaphore(%run_scoped3A_68 : memref<!tpu.dma_semaphore, #tpu.memory_space<semaphore_mem>>) src(%arg8 : memref<128x128xf32, #tpu.memory_space<vmem>>) dst(%dma_wait3A_76 : memref<128x128xf32, #tpu.memory_space<vmem_shared>>)
      tpu.yield
    }) : () -> ()
    %add3A_25 = arith.constant 384 : i32
    %add3A_26 = arith.addi %mul3A_2, %add3A_25 : i32
    "tpu.region"() ({
      %run_scoped3A_68 = tpu.sem_alloc : memref<!tpu.dma_semaphore, #tpu.memory_space<semaphore_mem>>
      %dma_start3A_69 = arith.constant 0 : i32
      %dma_start3A_70 = tpu.memref_slice %arg9[%add3A_26, %dma_start3A_69] : memref<10112x128xf32, #tpu.memory_space<vmem_shared>> -> memref<128x128xf32, #tpu.memory_space<vmem_shared>>
      %dma_start3A_71 = arith.constant 0 : i32
      %dma_start3A_72 = tpu.memref_slice %arg9[%add3A_26, %dma_start3A_71] : memref<10112x128xf32, #tpu.memory_space<vmem_shared>> -> memref<128x128xf32, #tpu.memory_space<vmem_shared>>
      tpu.enqueue_dma source(%arg8 : memref<128x128xf32, #tpu.memory_space<vmem>>) target(%dma_start3A_72 : memref<128x128xf32, #tpu.memory_space<vmem_shared>>) target_semaphore(%run_scoped3A_68 : memref<!tpu.dma_semaphore, #tpu.memory_space<semaphore_mem>>)
      %dma_wait3A_73 = arith.constant 0 : i32
      %dma_wait3A_74 = tpu.memref_slice %arg9[%add3A_26, %dma_wait3A_73] : memref<10112x128xf32, #tpu.memory_space<vmem_shared>> -> memref<128x128xf32, #tpu.memory_space<vmem_shared>>
      %dma_wait3A_75 = arith.constant 0 : i32
      %dma_wait3A_76 = tpu.memref_slice %arg9[%add3A_26, %dma_wait3A_75] : memref<10112x128xf32, #tpu.memory_space<vmem_shared>> -> memref<128x128xf32, #tpu.memory_space<vmem_shared>>
      tpu.wait_dma2 semaphore(%run_scoped3A_68 : memref<!tpu.dma_semaphore, #tpu.memory_space<semaphore_mem>>) src(%arg8 : memref<128x128xf32, #tpu.memory_space<vmem>>) dst(%dma_wait3A_76 : memref<128x128xf32, #tpu.memory_space<vmem_shared>>)
      tpu.yield
    }) : () -> ()
    %add3A_27 = arith.constant 512 : i32
    %add3A_28 = arith.addi %mul3A_2, %add3A_27 : i32
    "tpu.region"() ({
      %run_scoped3A_68 = tpu.sem_alloc : memref<!tpu.dma_semaphore, #tpu.memory_space<semaphore_mem>>
      %dma_start3A_69 = arith.constant 0 : i32
      %dma_start3A_70 = arith.constant 0 : i32
      %dma_start3A_71 = tpu.memref_slice %arg8[%dma_start3A_69, %dma_start3A_70] : memref<128x128xf32, #tpu.memory_space<vmem>> -> memref<120x128xf32, #tpu.memory_space<vmem>>
      %dma_start3A_72 = arith.constant 0 : i32
      %dma_start3A_73 = tpu.memref_slice %arg9[%add3A_28, %dma_start3A_72] : memref<10112x128xf32, #tpu.memory_space<vmem_shared>> -> memref<120x128xf32, #tpu.memory_space<vmem_shared>>
      %dma_start3A_74 = arith.constant 0 : i32
      %dma_start3A_75 = tpu.memref_slice %arg9[%add3A_28, %dma_start3A_74] : memref<10112x128xf32, #tpu.memory_space<vmem_shared>> -> memref<120x128xf32, #tpu.memory_space<vmem_shared>>
      %dma_start3A_76 = arith.constant 0 : i32
      %dma_start3A_77 = arith.constant 0 : i32
      %dma_start3A_78 = tpu.memref_slice %arg8[%dma_start3A_76, %dma_start3A_77] : memref<128x128xf32, #tpu.memory_space<vmem>> -> memref<120x128xf32, #tpu.memory_space<vmem>>
      tpu.enqueue_dma source(%dma_start3A_78 : memref<120x128xf32, #tpu.memory_space<vmem>>) target(%dma_start3A_75 : memref<120x128xf32, #tpu.memory_space<vmem_shared>>) target_semaphore(%run_scoped3A_68 : memref<!tpu.dma_semaphore, #tpu.memory_space<semaphore_mem>>)
      %dma_wait3A_79 = arith.constant 0 : i32
      %dma_wait3A_80 = arith.constant 0 : i32
      %dma_wait3A_81 = tpu.memref_slice %arg8[%dma_wait3A_79, %dma_wait3A_80] : memref<128x128xf32, #tpu.memory_space<vmem>> -> memref<120x128xf32, #tpu.memory_space<vmem>>
      %dma_wait3A_82 = arith.constant 0 : i32
      %dma_wait3A_83 = tpu.memref_slice %arg9[%add3A_28, %dma_wait3A_82] : memref<10112x128xf32, #tpu.memory_space<vmem_shared>> -> memref<120x128xf32, #tpu.memory_space<vmem_shared>>
      %dma_wait3A_84 = arith.constant 0 : i32
      %dma_wait3A_85 = tpu.memref_slice %arg9[%add3A_28, %dma_wait3A_84] : memref<10112x128xf32, #tpu.memory_space<vmem_shared>> -> memref<120x128xf32, #tpu.memory_space<vmem_shared>>
      %dma_wait3A_86 = arith.constant 0 : i32
      %dma_wait3A_87 = arith.constant 0 : i32
      %dma_wait3A_88 = tpu.memref_slice %arg8[%dma_wait3A_86, %dma_wait3A_87] : memref<128x128xf32, #tpu.memory_space<vmem>> -> memref<120x128xf32, #tpu.memory_space<vmem>>
      tpu.wait_dma2 semaphore(%run_scoped3A_68 : memref<!tpu.dma_semaphore, #tpu.memory_space<semaphore_mem>>) src(%dma_wait3A_88 : memref<120x128xf32, #tpu.memory_space<vmem>>) dst(%dma_wait3A_85 : memref<120x128xf32, #tpu.memory_space<vmem_shared>>)
      tpu.yield
    }) : () -> ()
    %barrier3A = arith.constant 0 : index
    tpu.barrier barrier_id(%barrier3A)
    %scan3A_29 = arith.constant 0 : i32
    %scan3A_30 = arith.constant 0 : i32
    %scan3A_31 = arith.constant 20 : i32
    %scan3A_32 = arith.addi %scan3A_30, %scan3A_31 : i32
    %scan3A_33 = arith.constant 1 : i32
    scf.for %scan3A_68 = %scan3A_30 to %scan3A_32 step %scan3A_33  : i32 {
      %mul3A_69 = arith.constant 2 : i32
      %mul3A_70 = arith.muli %mul3A_69, %scan3A_68 : i32
      %dma_wait3A_71 = arith.constant 0 : i32
      %dma_wait3A_72 = tpu.memref_slice %arg5[%mul3A_70, %dma_wait3A_71] : memref<40x128xi32, #tpu.memory_space<vmem>> -> memref<1x128xi32, #tpu.memory_space<vmem>>
      %dma_wait3A_73 = tpu.memref_squeeze %dma_wait3A_72 : memref<1x128xi32, #tpu.memory_space<vmem>> -> memref<128xi32, #tpu.memory_space<vmem>>
      %dma_wait3A_74 = arith.constant 0 : i32
      %dma_wait3A_75 = arith.constant 0 : i32
      %dma_wait3A_76 = tpu.memref_slice %arg2[%dma_wait3A_74, %dma_wait3A_75] : memref<10000x128xf32, #tpu.memory_space<hbm>> -> memref<10000x128xf32, #tpu.memory_space<hbm>>
      tpu.wait_indirect_dma semaphore(%arg10 : memref<!tpu.dma_semaphore, #tpu.memory_space<semaphore_mem>>) src(%dma_wait3A_76 : memref<10000x128xf32, #tpu.memory_space<hbm>>) dst(%arg7 : memref<128x128xf32, #tpu.memory_space<vmem>>)
      %dma_start3A_77 = arith.constant 0 : i32
      %dma_start3A_78 = tpu.memref_slice %arg6[%mul3A_70, %dma_start3A_77] : memref<40x128xi32, #tpu.memory_space<vmem>> -> memref<1x128xi32, #tpu.memory_space<vmem>>
      %dma_start3A_79 = tpu.memref_squeeze %dma_start3A_78 : memref<1x128xi32, #tpu.memory_space<vmem>> -> memref<128xi32, #tpu.memory_space<vmem>>
      %dma_start3A_80 = arith.constant 0 : i32
      %dma_start3A_81 = arith.constant 0 : i32
      %dma_start3A_82 = tpu.memref_slice %arg9[%dma_start3A_80, %dma_start3A_81] : memref<10112x128xf32, #tpu.memory_space<vmem_shared>> -> memref<10112x128xf32, #tpu.memory_space<vmem_shared>>
      tpu.enqueue_indirect_dma source(%arg7 : memref<128x128xf32, #tpu.memory_space<vmem>>) target(%dma_start3A_82 : memref<10112x128xf32, #tpu.memory_space<vmem_shared>>) offsets(%dma_start3A_79 : memref<128xi32, #tpu.memory_space<vmem>>) semaphore(%arg12 : memref<!tpu.dma_semaphore, #tpu.memory_space<semaphore_mem>>) {add = true}
      %gt3A = arith.constant 0 : i32
      %gt3A_83 = arith.cmpi sgt, %mul3A_70, %gt3A : i32
      %convert_element_type3A = arith.extui %gt3A_83 : i1 to i32
      %cond3A = arith.constant 0 : i32
      %cond3A_84 = arith.cmpi ne, %convert_element_type3A, %cond3A : i32
      scf.if %cond3A_84 {
        %sub3A = arith.constant 1 : i32
        %sub3A_119 = arith.subi %mul3A_70, %sub3A : i32
        %dma_wait3A_120 = arith.constant 0 : i32
        %dma_wait3A_121 = tpu.memref_slice %arg6[%sub3A_119, %dma_wait3A_120] : memref<40x128xi32, #tpu.memory_space<vmem>> -> memref<1x128xi32, #tpu.memory_space<vmem>>
        %dma_wait3A_122 = tpu.memref_squeeze %dma_wait3A_121 : memref<1x128xi32, #tpu.memory_space<vmem>> -> memref<128xi32, #tpu.memory_space<vmem>>
        %dma_wait3A_123 = arith.constant 0 : i32
        %dma_wait3A_124 = arith.constant 0 : i32
        %dma_wait3A_125 = tpu.memref_slice %arg9[%dma_wait3A_123, %dma_wait3A_124] : memref<10112x128xf32, #tpu.memory_space<vmem_shared>> -> memref<10112x128xf32, #tpu.memory_space<vmem_shared>>
        tpu.wait_indirect_dma semaphore(%arg13 : memref<!tpu.dma_semaphore, #tpu.memory_space<semaphore_mem>>) src(%arg8 : memref<128x128xf32, #tpu.memory_space<vmem>>) dst(%dma_wait3A_125 : memref<10112x128xf32, #tpu.memory_space<vmem_shared>>)
      } else {
      }
      %add3A_85 = arith.constant 1 : i32
      %add3A_86 = arith.addi %mul3A_70, %add3A_85 : i32
      %lt3A = arith.constant 40 : i32
      %lt3A_87 = arith.cmpi slt, %add3A_86, %lt3A : i32
      %convert_element_type3A_88 = arith.extui %lt3A_87 : i1 to i32
      %cond3A_89 = arith.constant 0 : i32
      %cond3A_90 = arith.cmpi ne, %convert_element_type3A_88, %cond3A_89 : i32
      scf.if %cond3A_90 {
        %add3A_119 = arith.constant 1 : i32
        %add3A_120 = arith.addi %mul3A_70, %add3A_119 : i32
        %dma_start3A_121 = arith.constant 0 : i32
        %dma_start3A_122 = tpu.memref_slice %arg5[%add3A_120, %dma_start3A_121] : memref<40x128xi32, #tpu.memory_space<vmem>> -> memref<1x128xi32, #tpu.memory_space<vmem>>
        %dma_start3A_123 = tpu.memref_squeeze %dma_start3A_122 : memref<1x128xi32, #tpu.memory_space<vmem>> -> memref<128xi32, #tpu.memory_space<vmem>>
        %dma_start3A_124 = arith.constant 0 : i32
        %dma_start3A_125 = arith.constant 0 : i32
        %dma_start3A_126 = tpu.memref_slice %arg2[%dma_start3A_124, %dma_start3A_125] : memref<10000x128xf32, #tpu.memory_space<hbm>> -> memref<10000x128xf32, #tpu.memory_space<hbm>>
        tpu.enqueue_indirect_dma source(%dma_start3A_126 : memref<10000x128xf32, #tpu.memory_space<hbm>>) target(%arg8 : memref<128x128xf32, #tpu.memory_space<vmem>>) offsets(%dma_start3A_123 : memref<128xi32, #tpu.memory_space<vmem>>) semaphore(%arg11 : memref<!tpu.dma_semaphore, #tpu.memory_space<semaphore_mem>>)
      } else {
      }
      %mul3A_91 = arith.constant 2 : i32
      %mul3A_92 = arith.muli %mul3A_91, %scan3A_68 : i32
      %add3A_93 = arith.constant 1 : i32
      %add3A_94 = arith.addi %mul3A_92, %add3A_93 : i32
      %dma_wait3A_95 = arith.constant 0 : i32
      %dma_wait3A_96 = tpu.memref_slice %arg5[%add3A_94, %dma_wait3A_95] : memref<40x128xi32, #tpu.memory_space<vmem>> -> memref<1x128xi32, #tpu.memory_space<vmem>>
      %dma_wait3A_97 = tpu.memref_squeeze %dma_wait3A_96 : memref<1x128xi32, #tpu.memory_space<vmem>> -> memref<128xi32, #tpu.memory_space<vmem>>
      %dma_wait3A_98 = arith.constant 0 : i32
      %dma_wait3A_99 = arith.constant 0 : i32
      %dma_wait3A_100 = tpu.memref_slice %arg2[%dma_wait3A_98, %dma_wait3A_99] : memref<10000x128xf32, #tpu.memory_space<hbm>> -> memref<10000x128xf32, #tpu.memory_space<hbm>>
      tpu.wait_indirect_dma semaphore(%arg11 : memref<!tpu.dma_semaphore, #tpu.memory_space<semaphore_mem>>) src(%dma_wait3A_100 : memref<10000x128xf32, #tpu.memory_space<hbm>>) dst(%arg8 : memref<128x128xf32, #tpu.memory_space<vmem>>)
      %dma_start3A_101 = arith.constant 0 : i32
      %dma_start3A_102 = tpu.memref_slice %arg6[%add3A_94, %dma_start3A_101] : memref<40x128xi32, #tpu.memory_space<vmem>> -> memref<1x128xi32, #tpu.memory_space<vmem>>
      %dma_start3A_103 = tpu.memref_squeeze %dma_start3A_102 : memref<1x128xi32, #tpu.memory_space<vmem>> -> memref<128xi32, #tpu.memory_space<vmem>>
      %dma_start3A_104 = arith.constant 0 : i32
      %dma_start3A_105 = arith.constant 0 : i32
      %dma_start3A_106 = tpu.memref_slice %arg9[%dma_start3A_104, %dma_start3A_105] : memref<10112x128xf32, #tpu.memory_space<vmem_shared>> -> memref<10112x128xf32, #tpu.memory_space<vmem_shared>>
      tpu.enqueue_indirect_dma source(%arg8 : memref<128x128xf32, #tpu.memory_space<vmem>>) target(%dma_start3A_106 : memref<10112x128xf32, #tpu.memory_space<vmem_shared>>) offsets(%dma_start3A_103 : memref<128xi32, #tpu.memory_space<vmem>>) semaphore(%arg13 : memref<!tpu.dma_semaphore, #tpu.memory_space<semaphore_mem>>) {add = true}
      %gt3A_107 = arith.constant 0 : i32
      %gt3A_108 = arith.cmpi sgt, %add3A_94, %gt3A_107 : i32
      %convert_element_type3A_109 = arith.extui %gt3A_108 : i1 to i32
      %cond3A_110 = arith.constant 0 : i32
      %cond3A_111 = arith.cmpi ne, %convert_element_type3A_109, %cond3A_110 : i32
      scf.if %cond3A_111 {
        %sub3A = arith.constant 1 : i32
        %sub3A_119 = arith.subi %add3A_94, %sub3A : i32
        %dma_wait3A_120 = arith.constant 0 : i32
        %dma_wait3A_121 = tpu.memref_slice %arg6[%sub3A_119, %dma_wait3A_120] : memref<40x128xi32, #tpu.memory_space<vmem>> -> memref<1x128xi32, #tpu.memory_space<vmem>>
        %dma_wait3A_122 = tpu.memref_squeeze %dma_wait3A_121 : memref<1x128xi32, #tpu.memory_space<vmem>> -> memref<128xi32, #tpu.memory_space<vmem>>
        %dma_wait3A_123 = arith.constant 0 : i32
        %dma_wait3A_124 = arith.constant 0 : i32
        %dma_wait3A_125 = tpu.memref_slice %arg9[%dma_wait3A_123, %dma_wait3A_124] : memref<10112x128xf32, #tpu.memory_space<vmem_shared>> -> memref<10112x128xf32, #tpu.memory_space<vmem_shared>>
        tpu.wait_indirect_dma semaphore(%arg12 : memref<!tpu.dma_semaphore, #tpu.memory_space<semaphore_mem>>) src(%arg7 : memref<128x128xf32, #tpu.memory_space<vmem>>) dst(%dma_wait3A_125 : memref<10112x128xf32, #tpu.memory_space<vmem_shared>>)
      } else {
      }
      %add3A_112 = arith.constant 1 : i32
      %add3A_113 = arith.addi %add3A_94, %add3A_112 : i32
      %lt3A_114 = arith.constant 40 : i32
      %lt3A_115 = arith.cmpi slt, %add3A_113, %lt3A_114 : i32
      %convert_element_type3A_116 = arith.extui %lt3A_115 : i1 to i32
      %cond3A_117 = arith.constant 0 : i32
      %cond3A_118 = arith.cmpi ne, %convert_element_type3A_116, %cond3A_117 : i32
      scf.if %cond3A_118 {
        %add3A_119 = arith.constant 1 : i32
        %add3A_120 = arith.addi %add3A_94, %add3A_119 : i32
        %dma_start3A_121 = arith.constant 0 : i32
        %dma_start3A_122 = tpu.memref_slice %arg5[%add3A_120, %dma_start3A_121] : memref<40x128xi32, #tpu.memory_space<vmem>> -> memref<1x128xi32, #tpu.memory_space<vmem>>
        %dma_start3A_123 = tpu.memref_squeeze %dma_start3A_122 : memref<1x128xi32, #tpu.memory_space<vmem>> -> memref<128xi32, #tpu.memory_space<vmem>>
        %dma_start3A_124 = arith.constant 0 : i32
        %dma_start3A_125 = arith.constant 0 : i32
        %dma_start3A_126 = tpu.memref_slice %arg2[%dma_start3A_124, %dma_start3A_125] : memref<10000x128xf32, #tpu.memory_space<hbm>> -> memref<10000x128xf32, #tpu.memory_space<hbm>>
        tpu.enqueue_indirect_dma source(%dma_start3A_126 : memref<10000x128xf32, #tpu.memory_space<hbm>>) target(%arg7 : memref<128x128xf32, #tpu.memory_space<vmem>>) offsets(%dma_start3A_123 : memref<128xi32, #tpu.memory_space<vmem>>) semaphore(%arg10 : memref<!tpu.dma_semaphore, #tpu.memory_space<semaphore_mem>>)
      } else {
      }
    }
    %scan3A_34 = arith.constant 20 : i32
    %dma_wait3A = arith.constant 39 : i32
    %dma_wait3A_35 = arith.constant 0 : i32
    %dma_wait3A_36 = tpu.memref_slice %arg6[%dma_wait3A, %dma_wait3A_35] : memref<40x128xi32, #tpu.memory_space<vmem>> -> memref<1x128xi32, #tpu.memory_space<vmem>>
    %dma_wait3A_37 = tpu.memref_squeeze %dma_wait3A_36 : memref<1x128xi32, #tpu.memory_space<vmem>> -> memref<128xi32, #tpu.memory_space<vmem>>
    %dma_wait3A_38 = arith.constant 0 : i32
    %dma_wait3A_39 = arith.constant 0 : i32
    %dma_wait3A_40 = tpu.memref_slice %arg9[%dma_wait3A_38, %dma_wait3A_39] : memref<10112x128xf32, #tpu.memory_space<vmem_shared>> -> memref<10112x128xf32, #tpu.memory_space<vmem_shared>>
    tpu.wait_indirect_dma semaphore(%arg13 : memref<!tpu.dma_semaphore, #tpu.memory_space<semaphore_mem>>) src(%arg8 : memref<128x128xf32, #tpu.memory_space<vmem>>) dst(%dma_wait3A_40 : memref<10112x128xf32, #tpu.memory_space<vmem_shared>>)
    %mul3A_41 = arith.constant 80 : i32
    %mul3A_42 = arith.muli %add3A, %mul3A_41 : i32
    %add3A_43 = arith.constant 40 : i32
    %add3A_44 = arith.addi %mul3A_42, %add3A_43 : i32
    %run_scoped3A_45 = arith.constant 0 : i32
    "tpu.region"() ({
      %run_scoped3A_68 = tpu.sem_alloc : memref<!tpu.dma_semaphore, #tpu.memory_space<semaphore_mem>>
      %dma_start3A_69 = arith.constant 0 : i32
      %dma_start3A_70 = tpu.memref_slice %arg3[%run_scoped3A_45, %add3A_44, %dma_start3A_69] : memref<2x2560x128xi32, #tpu.memory_space<hbm>> -> memref<1x40x128xi32, #tpu.memory_space<hbm>>
      %dma_start3A_71 = tpu.memref_squeeze %dma_start3A_70 : memref<1x40x128xi32, #tpu.memory_space<hbm>> -> memref<40x128xi32, #tpu.memory_space<hbm>>
      %dma_start3A_72 = arith.constant 0 : i32
      %dma_start3A_73 = tpu.memref_slice %arg3[%run_scoped3A_45, %add3A_44, %dma_start3A_72] : memref<2x2560x128xi32, #tpu.memory_space<hbm>> -> memref<1x40x128xi32, #tpu.memory_space<hbm>>
      %dma_start3A_74 = tpu.memref_squeeze %dma_start3A_73 : memref<1x40x128xi32, #tpu.memory_space<hbm>> -> memref<40x128xi32, #tpu.memory_space<hbm>>
      tpu.enqueue_dma source(%dma_start3A_74 : memref<40x128xi32, #tpu.memory_space<hbm>>) target(%arg5 : memref<40x128xi32, #tpu.memory_space<vmem>>) target_semaphore(%run_scoped3A_68 : memref<!tpu.dma_semaphore, #tpu.memory_space<semaphore_mem>>)
      %dma_wait3A_75 = arith.constant 0 : i32
      %dma_wait3A_76 = tpu.memref_slice %arg3[%run_scoped3A_45, %add3A_44, %dma_wait3A_75] : memref<2x2560x128xi32, #tpu.memory_space<hbm>> -> memref<1x40x128xi32, #tpu.memory_space<hbm>>
      %dma_wait3A_77 = tpu.memref_squeeze %dma_wait3A_76 : memref<1x40x128xi32, #tpu.memory_space<hbm>> -> memref<40x128xi32, #tpu.memory_space<hbm>>
      %dma_wait3A_78 = arith.constant 0 : i32
      %dma_wait3A_79 = tpu.memref_slice %arg3[%run_scoped3A_45, %add3A_44, %dma_wait3A_78] : memref<2x2560x128xi32, #tpu.memory_space<hbm>> -> memref<1x40x128xi32, #tpu.memory_space<hbm>>
      %dma_wait3A_80 = tpu.memref_squeeze %dma_wait3A_79 : memref<1x40x128xi32, #tpu.memory_space<hbm>> -> memref<40x128xi32, #tpu.memory_space<hbm>>
      tpu.wait_dma2 semaphore(%run_scoped3A_68 : memref<!tpu.dma_semaphore, #tpu.memory_space<semaphore_mem>>) src(%dma_wait3A_80 : memref<40x128xi32, #tpu.memory_space<hbm>>) dst(%arg5 : memref<40x128xi32, #tpu.memory_space<vmem>>)
      tpu.yield
    }) : () -> ()
    %run_scoped3A_46 = arith.constant 1 : i32
    "tpu.region"() ({
      %run_scoped3A_68 = tpu.sem_alloc : memref<!tpu.dma_semaphore, #tpu.memory_space<semaphore_mem>>
      %dma_start3A_69 = arith.constant 0 : i32
      %dma_start3A_70 = tpu.memref_slice %arg3[%run_scoped3A_46, %add3A_44, %dma_start3A_69] : memref<2x2560x128xi32, #tpu.memory_space<hbm>> -> memref<1x40x128xi32, #tpu.memory_space<hbm>>
      %dma_start3A_71 = tpu.memref_squeeze %dma_start3A_70 : memref<1x40x128xi32, #tpu.memory_space<hbm>> -> memref<40x128xi32, #tpu.memory_space<hbm>>
      %dma_start3A_72 = arith.constant 0 : i32
      %dma_start3A_73 = tpu.memref_slice %arg3[%run_scoped3A_46, %add3A_44, %dma_start3A_72] : memref<2x2560x128xi32, #tpu.memory_space<hbm>> -> memref<1x40x128xi32, #tpu.memory_space<hbm>>
      %dma_start3A_74 = tpu.memref_squeeze %dma_start3A_73 : memref<1x40x128xi32, #tpu.memory_space<hbm>> -> memref<40x128xi32, #tpu.memory_space<hbm>>
      tpu.enqueue_dma source(%dma_start3A_74 : memref<40x128xi32, #tpu.memory_space<hbm>>) target(%arg6 : memref<40x128xi32, #tpu.memory_space<vmem>>) target_semaphore(%run_scoped3A_68 : memref<!tpu.dma_semaphore, #tpu.memory_space<semaphore_mem>>)
      %dma_wait3A_75 = arith.constant 0 : i32
      %dma_wait3A_76 = tpu.memref_slice %arg3[%run_scoped3A_46, %add3A_44, %dma_wait3A_75] : memref<2x2560x128xi32, #tpu.memory_space<hbm>> -> memref<1x40x128xi32, #tpu.memory_space<hbm>>
      %dma_wait3A_77 = tpu.memref_squeeze %dma_wait3A_76 : memref<1x40x128xi32, #tpu.memory_space<hbm>> -> memref<40x128xi32, #tpu.memory_space<hbm>>
      %dma_wait3A_78 = arith.constant 0 : i32
      %dma_wait3A_79 = tpu.memref_slice %arg3[%run_scoped3A_46, %add3A_44, %dma_wait3A_78] : memref<2x2560x128xi32, #tpu.memory_space<hbm>> -> memref<1x40x128xi32, #tpu.memory_space<hbm>>
      %dma_wait3A_80 = tpu.memref_squeeze %dma_wait3A_79 : memref<1x40x128xi32, #tpu.memory_space<hbm>> -> memref<40x128xi32, #tpu.memory_space<hbm>>
      tpu.wait_dma2 semaphore(%run_scoped3A_68 : memref<!tpu.dma_semaphore, #tpu.memory_space<semaphore_mem>>) src(%dma_wait3A_80 : memref<40x128xi32, #tpu.memory_space<hbm>>) dst(%arg6 : memref<40x128xi32, #tpu.memory_space<vmem>>)
      tpu.yield
    }) : () -> ()
    %dma_start3A_47 = arith.constant 0 : i32
    %dma_start3A_48 = arith.constant 0 : i32
    %dma_start3A_49 = tpu.memref_slice %arg5[%dma_start3A_47, %dma_start3A_48] : memref<40x128xi32, #tpu.memory_space<vmem>> -> memref<1x128xi32, #tpu.memory_space<vmem>>
    %dma_start3A_50 = tpu.memref_squeeze %dma_start3A_49 : memref<1x128xi32, #tpu.memory_space<vmem>> -> memref<128xi32, #tpu.memory_space<vmem>>
    %dma_start3A_51 = arith.constant 0 : i32
    %dma_start3A_52 = arith.constant 0 : i32
    %dma_start3A_53 = tpu.memref_slice %arg2[%dma_start3A_51, %dma_start3A_52] : memref<10000x128xf32, #tpu.memory_space<hbm>> -> memref<10000x128xf32, #tpu.memory_space<hbm>>
    tpu.enqueue_indirect_dma source(%dma_start3A_53 : memref<10000x128xf32, #tpu.memory_space<hbm>>) target(%arg7 : memref<128x128xf32, #tpu.memory_space<vmem>>) offsets(%dma_start3A_50 : memref<128xi32, #tpu.memory_space<vmem>>) semaphore(%arg10 : memref<!tpu.dma_semaphore, #tpu.memory_space<semaphore_mem>>)
    %scan3A_54 = arith.constant 0 : i32
    %scan3A_55 = arith.constant 0 : i32
    %scan3A_56 = arith.constant 20 : i32
    %scan3A_57 = arith.addi %scan3A_55, %scan3A_56 : i32
    %scan3A_58 = arith.constant 1 : i32
    scf.for %scan3A_68 = %scan3A_55 to %scan3A_57 step %scan3A_58  : i32 {
      %mul3A_69 = arith.constant 2 : i32
      %mul3A_70 = arith.muli %mul3A_69, %scan3A_68 : i32
      %dma_wait3A_71 = arith.constant 0 : i32
      %dma_wait3A_72 = tpu.memref_slice %arg5[%mul3A_70, %dma_wait3A_71] : memref<40x128xi32, #tpu.memory_space<vmem>> -> memref<1x128xi32, #tpu.memory_space<vmem>>
      %dma_wait3A_73 = tpu.memref_squeeze %dma_wait3A_72 : memref<1x128xi32, #tpu.memory_space<vmem>> -> memref<128xi32, #tpu.memory_space<vmem>>
      %dma_wait3A_74 = arith.constant 0 : i32
      %dma_wait3A_75 = arith.constant 0 : i32
      %dma_wait3A_76 = tpu.memref_slice %arg2[%dma_wait3A_74, %dma_wait3A_75] : memref<10000x128xf32, #tpu.memory_space<hbm>> -> memref<10000x128xf32, #tpu.memory_space<hbm>>
      tpu.wait_indirect_dma semaphore(%arg10 : memref<!tpu.dma_semaphore, #tpu.memory_space<semaphore_mem>>) src(%dma_wait3A_76 : memref<10000x128xf32, #tpu.memory_space<hbm>>) dst(%arg7 : memref<128x128xf32, #tpu.memory_space<vmem>>)
      %dma_start3A_77 = arith.constant 0 : i32
      %dma_start3A_78 = tpu.memref_slice %arg6[%mul3A_70, %dma_start3A_77] : memref<40x128xi32, #tpu.memory_space<vmem>> -> memref<1x128xi32, #tpu.memory_space<vmem>>
      %dma_start3A_79 = tpu.memref_squeeze %dma_start3A_78 : memref<1x128xi32, #tpu.memory_space<vmem>> -> memref<128xi32, #tpu.memory_space<vmem>>
      %dma_start3A_80 = arith.constant 0 : i32
      %dma_start3A_81 = arith.constant 0 : i32
      %dma_start3A_82 = tpu.memref_slice %arg9[%dma_start3A_80, %dma_start3A_81] : memref<10112x128xf32, #tpu.memory_space<vmem_shared>> -> memref<10112x128xf32, #tpu.memory_space<vmem_shared>>
      tpu.enqueue_indirect_dma source(%arg7 : memref<128x128xf32, #tpu.memory_space<vmem>>) target(%dma_start3A_82 : memref<10112x128xf32, #tpu.memory_space<vmem_shared>>) offsets(%dma_start3A_79 : memref<128xi32, #tpu.memory_space<vmem>>) semaphore(%arg12 : memref<!tpu.dma_semaphore, #tpu.memory_space<semaphore_mem>>) {add = true}
      %gt3A = arith.constant 0 : i32
      %gt3A_83 = arith.cmpi sgt, %mul3A_70, %gt3A : i32
      %convert_element_type3A = arith.extui %gt3A_83 : i1 to i32
      %cond3A = arith.constant 0 : i32
      %cond3A_84 = arith.cmpi ne, %convert_element_type3A, %cond3A : i32
      scf.if %cond3A_84 {
        %sub3A = arith.constant 1 : i32
        %sub3A_119 = arith.subi %mul3A_70, %sub3A : i32
        %dma_wait3A_120 = arith.constant 0 : i32
        %dma_wait3A_121 = tpu.memref_slice %arg6[%sub3A_119, %dma_wait3A_120] : memref<40x128xi32, #tpu.memory_space<vmem>> -> memref<1x128xi32, #tpu.memory_space<vmem>>
        %dma_wait3A_122 = tpu.memref_squeeze %dma_wait3A_121 : memref<1x128xi32, #tpu.memory_space<vmem>> -> memref<128xi32, #tpu.memory_space<vmem>>
        %dma_wait3A_123 = arith.constant 0 : i32
        %dma_wait3A_124 = arith.constant 0 : i32
        %dma_wait3A_125 = tpu.memref_slice %arg9[%dma_wait3A_123, %dma_wait3A_124] : memref<10112x128xf32, #tpu.memory_space<vmem_shared>> -> memref<10112x128xf32, #tpu.memory_space<vmem_shared>>
        tpu.wait_indirect_dma semaphore(%arg13 : memref<!tpu.dma_semaphore, #tpu.memory_space<semaphore_mem>>) src(%arg8 : memref<128x128xf32, #tpu.memory_space<vmem>>) dst(%dma_wait3A_125 : memref<10112x128xf32, #tpu.memory_space<vmem_shared>>)
      } else {
      }
      %add3A_85 = arith.constant 1 : i32
      %add3A_86 = arith.addi %mul3A_70, %add3A_85 : i32
      %lt3A = arith.constant 40 : i32
      %lt3A_87 = arith.cmpi slt, %add3A_86, %lt3A : i32
      %convert_element_type3A_88 = arith.extui %lt3A_87 : i1 to i32
      %cond3A_89 = arith.constant 0 : i32
      %cond3A_90 = arith.cmpi ne, %convert_element_type3A_88, %cond3A_89 : i32
      scf.if %cond3A_90 {
        %add3A_119 = arith.constant 1 : i32
        %add3A_120 = arith.addi %mul3A_70, %add3A_119 : i32
        %dma_start3A_121 = arith.constant 0 : i32
        %dma_start3A_122 = tpu.memref_slice %arg5[%add3A_120, %dma_start3A_121] : memref<40x128xi32, #tpu.memory_space<vmem>> -> memref<1x128xi32, #tpu.memory_space<vmem>>
        %dma_start3A_123 = tpu.memref_squeeze %dma_start3A_122 : memref<1x128xi32, #tpu.memory_space<vmem>> -> memref<128xi32, #tpu.memory_space<vmem>>
        %dma_start3A_124 = arith.constant 0 : i32
        %dma_start3A_125 = arith.constant 0 : i32
        %dma_start3A_126 = tpu.memref_slice %arg2[%dma_start3A_124, %dma_start3A_125] : memref<10000x128xf32, #tpu.memory_space<hbm>> -> memref<10000x128xf32, #tpu.memory_space<hbm>>
        tpu.enqueue_indirect_dma source(%dma_start3A_126 : memref<10000x128xf32, #tpu.memory_space<hbm>>) target(%arg8 : memref<128x128xf32, #tpu.memory_space<vmem>>) offsets(%dma_start3A_123 : memref<128xi32, #tpu.memory_space<vmem>>) semaphore(%arg11 : memref<!tpu.dma_semaphore, #tpu.memory_space<semaphore_mem>>)
      } else {
      }
      %mul3A_91 = arith.constant 2 : i32
      %mul3A_92 = arith.muli %mul3A_91, %scan3A_68 : i32
      %add3A_93 = arith.constant 1 : i32
      %add3A_94 = arith.addi %mul3A_92, %add3A_93 : i32
      %dma_wait3A_95 = arith.constant 0 : i32
      %dma_wait3A_96 = tpu.memref_slice %arg5[%add3A_94, %dma_wait3A_95] : memref<40x128xi32, #tpu.memory_space<vmem>> -> memref<1x128xi32, #tpu.memory_space<vmem>>
      %dma_wait3A_97 = tpu.memref_squeeze %dma_wait3A_96 : memref<1x128xi32, #tpu.memory_space<vmem>> -> memref<128xi32, #tpu.memory_space<vmem>>
      %dma_wait3A_98 = arith.constant 0 : i32
      %dma_wait3A_99 = arith.constant 0 : i32
      %dma_wait3A_100 = tpu.memref_slice %arg2[%dma_wait3A_98, %dma_wait3A_99] : memref<10000x128xf32, #tpu.memory_space<hbm>> -> memref<10000x128xf32, #tpu.memory_space<hbm>>
      tpu.wait_indirect_dma semaphore(%arg11 : memref<!tpu.dma_semaphore, #tpu.memory_space<semaphore_mem>>) src(%dma_wait3A_100 : memref<10000x128xf32, #tpu.memory_space<hbm>>) dst(%arg8 : memref<128x128xf32, #tpu.memory_space<vmem>>)
      %dma_start3A_101 = arith.constant 0 : i32
      %dma_start3A_102 = tpu.memref_slice %arg6[%add3A_94, %dma_start3A_101] : memref<40x128xi32, #tpu.memory_space<vmem>> -> memref<1x128xi32, #tpu.memory_space<vmem>>
      %dma_start3A_103 = tpu.memref_squeeze %dma_start3A_102 : memref<1x128xi32, #tpu.memory_space<vmem>> -> memref<128xi32, #tpu.memory_space<vmem>>
      %dma_start3A_104 = arith.constant 0 : i32
      %dma_start3A_105 = arith.constant 0 : i32
      %dma_start3A_106 = tpu.memref_slice %arg9[%dma_start3A_104, %dma_start3A_105] : memref<10112x128xf32, #tpu.memory_space<vmem_shared>> -> memref<10112x128xf32, #tpu.memory_space<vmem_shared>>
      tpu.enqueue_indirect_dma source(%arg8 : memref<128x128xf32, #tpu.memory_space<vmem>>) target(%dma_start3A_106 : memref<10112x128xf32, #tpu.memory_space<vmem_shared>>) offsets(%dma_start3A_103 : memref<128xi32, #tpu.memory_space<vmem>>) semaphore(%arg13 : memref<!tpu.dma_semaphore, #tpu.memory_space<semaphore_mem>>) {add = true}
      %gt3A_107 = arith.constant 0 : i32
      %gt3A_108 = arith.cmpi sgt, %add3A_94, %gt3A_107 : i32
      %convert_element_type3A_109 = arith.extui %gt3A_108 : i1 to i32
      %cond3A_110 = arith.constant 0 : i32
      %cond3A_111 = arith.cmpi ne, %convert_element_type3A_109, %cond3A_110 : i32
      scf.if %cond3A_111 {
        %sub3A = arith.constant 1 : i32
        %sub3A_119 = arith.subi %add3A_94, %sub3A : i32
        %dma_wait3A_120 = arith.constant 0 : i32
        %dma_wait3A_121 = tpu.memref_slice %arg6[%sub3A_119, %dma_wait3A_120] : memref<40x128xi32, #tpu.memory_space<vmem>> -> memref<1x128xi32, #tpu.memory_space<vmem>>
        %dma_wait3A_122 = tpu.memref_squeeze %dma_wait3A_121 : memref<1x128xi32, #tpu.memory_space<vmem>> -> memref<128xi32, #tpu.memory_space<vmem>>
        %dma_wait3A_123 = arith.constant 0 : i32
        %dma_wait3A_124 = arith.constant 0 : i32
        %dma_wait3A_125 = tpu.memref_slice %arg9[%dma_wait3A_123, %dma_wait3A_124] : memref<10112x128xf32, #tpu.memory_space<vmem_shared>> -> memref<10112x128xf32, #tpu.memory_space<vmem_shared>>
        tpu.wait_indirect_dma semaphore(%arg12 : memref<!tpu.dma_semaphore, #tpu.memory_space<semaphore_mem>>) src(%arg7 : memref<128x128xf32, #tpu.memory_space<vmem>>) dst(%dma_wait3A_125 : memref<10112x128xf32, #tpu.memory_space<vmem_shared>>)
      } else {
      }
      %add3A_112 = arith.constant 1 : i32
      %add3A_113 = arith.addi %add3A_94, %add3A_112 : i32
      %lt3A_114 = arith.constant 40 : i32
      %lt3A_115 = arith.cmpi slt, %add3A_113, %lt3A_114 : i32
      %convert_element_type3A_116 = arith.extui %lt3A_115 : i1 to i32
      %cond3A_117 = arith.constant 0 : i32
      %cond3A_118 = arith.cmpi ne, %convert_element_type3A_116, %cond3A_117 : i32
      scf.if %cond3A_118 {
        %add3A_119 = arith.constant 1 : i32
        %add3A_120 = arith.addi %add3A_94, %add3A_119 : i32
        %dma_start3A_121 = arith.constant 0 : i32
        %dma_start3A_122 = tpu.memref_slice %arg5[%add3A_120, %dma_start3A_121] : memref<40x128xi32, #tpu.memory_space<vmem>> -> memref<1x128xi32, #tpu.memory_space<vmem>>
        %dma_start3A_123 = tpu.memref_squeeze %dma_start3A_122 : memref<1x128xi32, #tpu.memory_space<vmem>> -> memref<128xi32, #tpu.memory_space<vmem>>
        %dma_start3A_124 = arith.constant 0 : i32
        %dma_start3A_125 = arith.constant 0 : i32
        %dma_start3A_126 = tpu.memref_slice %arg2[%dma_start3A_124, %dma_start3A_125] : memref<10000x128xf32, #tpu.memory_space<hbm>> -> memref<10000x128xf32, #tpu.memory_space<hbm>>
        tpu.enqueue_indirect_dma source(%dma_start3A_126 : memref<10000x128xf32, #tpu.memory_space<hbm>>) target(%arg7 : memref<128x128xf32, #tpu.memory_space<vmem>>) offsets(%dma_start3A_123 : memref<128xi32, #tpu.memory_space<vmem>>) semaphore(%arg10 : memref<!tpu.dma_semaphore, #tpu.memory_space<semaphore_mem>>)
      } else {
      }
    }
    %scan3A_59 = arith.constant 20 : i32
    %dma_wait3A_60 = arith.constant 39 : i32
    %dma_wait3A_61 = arith.constant 0 : i32
    %dma_wait3A_62 = tpu.memref_slice %arg6[%dma_wait3A_60, %dma_wait3A_61] : memref<40x128xi32, #tpu.memory_space<vmem>> -> memref<1x128xi32, #tpu.memory_space<vmem>>
    %dma_wait3A_63 = tpu.memref_squeeze %dma_wait3A_62 : memref<1x128xi32, #tpu.memory_space<vmem>> -> memref<128xi32, #tpu.memory_space<vmem>>
    %dma_wait3A_64 = arith.constant 0 : i32
    %dma_wait3A_65 = arith.constant 0 : i32
    %dma_wait3A_66 = tpu.memref_slice %arg9[%dma_wait3A_64, %dma_wait3A_65] : memref<10112x128xf32, #tpu.memory_space<vmem_shared>> -> memref<10112x128xf32, #tpu.memory_space<vmem_shared>>
    tpu.wait_indirect_dma semaphore(%arg13 : memref<!tpu.dma_semaphore, #tpu.memory_space<semaphore_mem>>) src(%arg8 : memref<128x128xf32, #tpu.memory_space<vmem>>) dst(%dma_wait3A_66 : memref<10112x128xf32, #tpu.memory_space<vmem_shared>>)
    %barrier3A_67 = arith.constant 0 : index
    tpu.barrier barrier_id(%barrier3A_67)
    "tpu.region"() ({
      %run_scoped3A_68 = tpu.sem_alloc : memref<!tpu.dma_semaphore, #tpu.memory_space<semaphore_mem>>
      %dma_start3A_69 = arith.constant 0 : i32
      %dma_start3A_70 = tpu.memref_slice %arg4[%arg0, %mul3A_2, %dma_start3A_69] : memref<2x10112x128xf32, #tpu.memory_space<hbm>> -> memref<1x632x128xf32, #tpu.memory_space<hbm>>
      %dma_start3A_71 = tpu.memref_squeeze %dma_start3A_70 : memref<1x632x128xf32, #tpu.memory_space<hbm>> -> memref<632x128xf32, #tpu.memory_space<hbm>>
      %dma_start3A_72 = arith.constant 0 : i32
      %dma_start3A_73 = tpu.memref_slice %arg9[%mul3A_2, %dma_start3A_72] : memref<10112x128xf32, #tpu.memory_space<vmem_shared>> -> memref<632x128xf32, #tpu.memory_space<vmem_shared>>
      tpu.enqueue_dma source(%dma_start3A_73 : memref<632x128xf32, #tpu.memory_space<vmem_shared>>) target(%dma_start3A_71 : memref<632x128xf32, #tpu.memory_space<hbm>>) target_semaphore(%run_scoped3A_68 : memref<!tpu.dma_semaphore, #tpu.memory_space<semaphore_mem>>)
      %dma_wait3A_74 = arith.constant 0 : i32
      %dma_wait3A_75 = tpu.memref_slice %arg4[%arg0, %mul3A_2, %dma_wait3A_74] : memref<2x10112x128xf32, #tpu.memory_space<hbm>> -> memref<1x632x128xf32, #tpu.memory_space<hbm>>
      %dma_wait3A_76 = tpu.memref_squeeze %dma_wait3A_75 : memref<1x632x128xf32, #tpu.memory_space<hbm>> -> memref<632x128xf32, #tpu.memory_space<hbm>>
      %dma_wait3A_77 = arith.constant 0 : i32
      %dma_wait3A_78 = tpu.memref_slice %arg9[%mul3A_2, %dma_wait3A_77] : memref<10112x128xf32, #tpu.memory_space<vmem_shared>> -> memref<632x128xf32, #tpu.memory_space<vmem_shared>>
      tpu.wait_dma2 semaphore(%run_scoped3A_68 : memref<!tpu.dma_semaphore, #tpu.memory_space<semaphore_mem>>) src(%dma_wait3A_78 : memref<632x128xf32, #tpu.memory_space<vmem_shared>>) dst(%dma_wait3A_76 : memref<632x128xf32, #tpu.memory_space<hbm>>)
      tpu.yield
    }) : () -> ()
    return
  }
}

#map = affine_map<(d0, d1) -> (0, 0)>
#map1 = affine_map<(d0, d1) -> (0, 0, 0)>
module attributes {stable_mosaic.version = 14 : i64} {
  func.func @_sc_agg_body(%arg0: i32, %arg1: i32, %arg2: memref<10000x128xf32, #tpu.memory_space<hbm>>, %arg3: memref<2x2560x128xi32, #tpu.memory_space<hbm>>, %arg4: memref<2x10112x128xf32, #tpu.memory_space<hbm>>, %arg5: memref<40x128xi32, #tpu.memory_space<vmem>>, %arg6: memref<40x128xi32, #tpu.memory_space<vmem>>, %arg7: memref<128x128xf32, #tpu.memory_space<vmem>>, %arg8: memref<128x128xf32, #tpu.memory_space<vmem>>, %arg9: memref<10112x128xf32, #tpu.memory_space<vmem_shared>>, %arg10: memref<!tpu.dma_semaphore, #tpu.memory_space<semaphore_mem>>, %arg11: memref<!tpu.dma_semaphore, #tpu.memory_space<semaphore_mem>>, %arg12: memref<!tpu.dma_semaphore, #tpu.memory_space<semaphore_mem>>, %arg13: memref<!tpu.dma_semaphore, #tpu.memory_space<semaphore_mem>>) attributes {dimension_semantics = [#tpu.dimension_semantics<core_parallel>, #tpu.dimension_semantics<subcore_parallel>], iteration_bounds = array<i64: 2, 16>, scalar_prefetch = 0 : i64, scratch_operands = 9 : i64, tpu.core_type = #tpu.core_type<sc_vector_subcore>, window_params = [{transform_indices = #map}, {transform_indices = #map1}, {transform_indices = #map1}]} {
    %mul3A = arith.constant 16 : i32
    %mul3A_0 = arith.muli %arg0, %mul3A : i32
    %add3A = arith.addi %mul3A_0, %arg1 : i32
    %mul3A_1 = arith.constant 632 : i32
    %mul3A_2 = arith.muli %arg1, %mul3A_1 : i32
    %mul3A_3 = arith.constant 80 : i32
    %mul3A_4 = arith.muli %add3A, %mul3A_3 : i32
    %add3A_5 = arith.constant 0 : i32
    %add3A_6 = arith.addi %mul3A_4, %add3A_5 : i32
    %run_scoped3A = arith.constant 0 : i32
    "tpu.region"() ({
      %run_scoped3A_68 = tpu.sem_alloc : memref<!tpu.dma_semaphore, #tpu.memory_space<semaphore_mem>>
      %dma_start3A_69 = arith.constant 0 : i32
      %dma_start3A_70 = tpu.memref_slice %arg3[%run_scoped3A, %add3A_6, %dma_start3A_69] : memref<2x2560x128xi32, #tpu.memory_space<hbm>> -> memref<1x40x128xi32, #tpu.memory_space<hbm>>
      %dma_start3A_71 = tpu.memref_squeeze %dma_start3A_70 : memref<1x40x128xi32, #tpu.memory_space<hbm>> -> memref<40x128xi32, #tpu.memory_space<hbm>>
      %dma_start3A_72 = arith.constant 0 : i32
      %dma_start3A_73 = tpu.memref_slice %arg3[%run_scoped3A, %add3A_6, %dma_start3A_72] : memref<2x2560x128xi32, #tpu.memory_space<hbm>> -> memref<1x40x128xi32, #tpu.memory_space<hbm>>
      %dma_start3A_74 = tpu.memref_squeeze %dma_start3A_73 : memref<1x40x128xi32, #tpu.memory_space<hbm>> -> memref<40x128xi32, #tpu.memory_space<hbm>>
      tpu.enqueue_dma source(%dma_start3A_74 : memref<40x128xi32, #tpu.memory_space<hbm>>) target(%arg5 : memref<40x128xi32, #tpu.memory_space<vmem>>) target_semaphore(%run_scoped3A_68 : memref<!tpu.dma_semaphore, #tpu.memory_space<semaphore_mem>>)
      %dma_wait3A_75 = arith.constant 0 : i32
      %dma_wait3A_76 = tpu.memref_slice %arg3[%run_scoped3A, %add3A_6, %dma_wait3A_75] : memref<2x2560x128xi32, #tpu.memory_space<hbm>> -> memref<1x40x128xi32, #tpu.memory_space<hbm>>
      %dma_wait3A_77 = tpu.memref_squeeze %dma_wait3A_76 : memref<1x40x128xi32, #tpu.memory_space<hbm>> -> memref<40x128xi32, #tpu.memory_space<hbm>>
      %dma_wait3A_78 = arith.constant 0 : i32
      %dma_wait3A_79 = tpu.memref_slice %arg3[%run_scoped3A, %add3A_6, %dma_wait3A_78] : memref<2x2560x128xi32, #tpu.memory_space<hbm>> -> memref<1x40x128xi32, #tpu.memory_space<hbm>>
      %dma_wait3A_80 = tpu.memref_squeeze %dma_wait3A_79 : memref<1x40x128xi32, #tpu.memory_space<hbm>> -> memref<40x128xi32, #tpu.memory_space<hbm>>
      tpu.wait_dma2 semaphore(%run_scoped3A_68 : memref<!tpu.dma_semaphore, #tpu.memory_space<semaphore_mem>>) src(%dma_wait3A_80 : memref<40x128xi32, #tpu.memory_space<hbm>>) dst(%arg5 : memref<40x128xi32, #tpu.memory_space<vmem>>)
      tpu.yield
    }) : () -> ()
    %run_scoped3A_7 = arith.constant 1 : i32
    "tpu.region"() ({
      %run_scoped3A_68 = tpu.sem_alloc : memref<!tpu.dma_semaphore, #tpu.memory_space<semaphore_mem>>
      %dma_start3A_69 = arith.constant 0 : i32
      %dma_start3A_70 = tpu.memref_slice %arg3[%run_scoped3A_7, %add3A_6, %dma_start3A_69] : memref<2x2560x128xi32, #tpu.memory_space<hbm>> -> memref<1x40x128xi32, #tpu.memory_space<hbm>>
      %dma_start3A_71 = tpu.memref_squeeze %dma_start3A_70 : memref<1x40x128xi32, #tpu.memory_space<hbm>> -> memref<40x128xi32, #tpu.memory_space<hbm>>
      %dma_start3A_72 = arith.constant 0 : i32
      %dma_start3A_73 = tpu.memref_slice %arg3[%run_scoped3A_7, %add3A_6, %dma_start3A_72] : memref<2x2560x128xi32, #tpu.memory_space<hbm>> -> memref<1x40x128xi32, #tpu.memory_space<hbm>>
      %dma_start3A_74 = tpu.memref_squeeze %dma_start3A_73 : memref<1x40x128xi32, #tpu.memory_space<hbm>> -> memref<40x128xi32, #tpu.memory_space<hbm>>
      tpu.enqueue_dma source(%dma_start3A_74 : memref<40x128xi32, #tpu.memory_space<hbm>>) target(%arg6 : memref<40x128xi32, #tpu.memory_space<vmem>>) target_semaphore(%run_scoped3A_68 : memref<!tpu.dma_semaphore, #tpu.memory_space<semaphore_mem>>)
      %dma_wait3A_75 = arith.constant 0 : i32
      %dma_wait3A_76 = tpu.memref_slice %arg3[%run_scoped3A_7, %add3A_6, %dma_wait3A_75] : memref<2x2560x128xi32, #tpu.memory_space<hbm>> -> memref<1x40x128xi32, #tpu.memory_space<hbm>>
      %dma_wait3A_77 = tpu.memref_squeeze %dma_wait3A_76 : memref<1x40x128xi32, #tpu.memory_space<hbm>> -> memref<40x128xi32, #tpu.memory_space<hbm>>
      %dma_wait3A_78 = arith.constant 0 : i32
      %dma_wait3A_79 = tpu.memref_slice %arg3[%run_scoped3A_7, %add3A_6, %dma_wait3A_78] : memref<2x2560x128xi32, #tpu.memory_space<hbm>> -> memref<1x40x128xi32, #tpu.memory_space<hbm>>
      %dma_wait3A_80 = tpu.memref_squeeze %dma_wait3A_79 : memref<1x40x128xi32, #tpu.memory_space<hbm>> -> memref<40x128xi32, #tpu.memory_space<hbm>>
      tpu.wait_dma2 semaphore(%run_scoped3A_68 : memref<!tpu.dma_semaphore, #tpu.memory_space<semaphore_mem>>) src(%dma_wait3A_80 : memref<40x128xi32, #tpu.memory_space<hbm>>) dst(%arg6 : memref<40x128xi32, #tpu.memory_space<vmem>>)
      tpu.yield
    }) : () -> ()
    %dma_start3A = arith.constant 0 : i32
    %dma_start3A_8 = arith.constant 0 : i32
    %dma_start3A_9 = tpu.memref_slice %arg5[%dma_start3A, %dma_start3A_8] : memref<40x128xi32, #tpu.memory_space<vmem>> -> memref<1x128xi32, #tpu.memory_space<vmem>>
    %dma_start3A_10 = tpu.memref_squeeze %dma_start3A_9 : memref<1x128xi32, #tpu.memory_space<vmem>> -> memref<128xi32, #tpu.memory_space<vmem>>
    %dma_start3A_11 = arith.constant 0 : i32
    %dma_start3A_12 = arith.constant 0 : i32
    %dma_start3A_13 = tpu.memref_slice %arg2[%dma_start3A_11, %dma_start3A_12] : memref<10000x128xf32, #tpu.memory_space<hbm>> -> memref<10000x128xf32, #tpu.memory_space<hbm>>
    tpu.enqueue_indirect_dma source(%dma_start3A_13 : memref<10000x128xf32, #tpu.memory_space<hbm>>) target(%arg7 : memref<128x128xf32, #tpu.memory_space<vmem>>) offsets(%dma_start3A_10 : memref<128xi32, #tpu.memory_space<vmem>>) semaphore(%arg10 : memref<!tpu.dma_semaphore, #tpu.memory_space<semaphore_mem>>)
    %scan3A = arith.constant 0 : i32
    %scan3A_14 = arith.constant 0 : i32
    %scan3A_15 = arith.constant 128 : i32
    %scan3A_16 = arith.addi %scan3A_14, %scan3A_15 : i32
    %scan3A_17 = arith.constant 1 : i32
    scf.for %scan3A_68 = %scan3A_14 to %scan3A_16 step %scan3A_17  : i32 {
      %broadcast_in_dim3A = arith.constant 0.000000e+00 : f32
      %broadcast_in_dim3A_69 = vector.broadcast %broadcast_in_dim3A : f32 to vector<16xf32>
      %swap3A = arith.index_cast %scan3A_68 : i32 to index
      %swap3A_70 = arith.constant 0 : index
      %swap3A_71 = tpu.vector_load %arg8[%swap3A, %swap3A_70] {strides = array<i32>} : memref<128x128xf32, #tpu.memory_space<vmem>>, vector<1x16xf32>,
      %swap3A_72 = vector.shape_cast %swap3A_71 : vector<1x16xf32> to vector<16xf32>
      %swap3A_73 = vector.shape_cast %broadcast_in_dim3A_69 : vector<16xf32> to vector<1x16xf32>
      tpu.vector_store %arg8[%swap3A, %swap3A_70], %swap3A_73 {strides = array<i32>} : memref<128x128xf32, #tpu.memory_space<vmem>>, vector<1x16xf32>,
      %broadcast_in_dim3A_74 = arith.constant 0.000000e+00 : f32
      %broadcast_in_dim3A_75 = vector.broadcast %broadcast_in_dim3A_74 : f32 to vector<16xf32>
      %swap3A_76 = arith.index_cast %scan3A_68 : i32 to index
      %swap3A_77 = arith.constant 16 : index
      %swap3A_78 = tpu.vector_load %arg8[%swap3A_76, %swap3A_77] {strides = array<i32>} : memref<128x128xf32, #tpu.memory_space<vmem>>, vector<1x16xf32>,
      %swap3A_79 = vector.shape_cast %swap3A_78 : vector<1x16xf32> to vector<16xf32>
      %swap3A_80 = vector.shape_cast %broadcast_in_dim3A_75 : vector<16xf32> to vector<1x16xf32>
      tpu.vector_store %arg8[%swap3A_76, %swap3A_77], %swap3A_80 {strides = array<i32>} : memref<128x128xf32, #tpu.memory_space<vmem>>, vector<1x16xf32>,
      %broadcast_in_dim3A_81 = arith.constant 0.000000e+00 : f32
      %broadcast_in_dim3A_82 = vector.broadcast %broadcast_in_dim3A_81 : f32 to vector<16xf32>
      %swap3A_83 = arith.index_cast %scan3A_68 : i32 to index
      %swap3A_84 = arith.constant 32 : index
      %swap3A_85 = tpu.vector_load %arg8[%swap3A_83, %swap3A_84] {strides = array<i32>} : memref<128x128xf32, #tpu.memory_space<vmem>>, vector<1x16xf32>,
      %swap3A_86 = vector.shape_cast %swap3A_85 : vector<1x16xf32> to vector<16xf32>
      %swap3A_87 = vector.shape_cast %broadcast_in_dim3A_82 : vector<16xf32> to vector<1x16xf32>
      tpu.vector_store %arg8[%swap3A_83, %swap3A_84], %swap3A_87 {strides = array<i32>} : memref<128x128xf32, #tpu.memory_space<vmem>>, vector<1x16xf32>,
      %broadcast_in_dim3A_88 = arith.constant 0.000000e+00 : f32
      %broadcast_in_dim3A_89 = vector.broadcast %broadcast_in_dim3A_88 : f32 to vector<16xf32>
      %swap3A_90 = arith.index_cast %scan3A_68 : i32 to index
      %swap3A_91 = arith.constant 48 : index
      %swap3A_92 = tpu.vector_load %arg8[%swap3A_90, %swap3A_91] {strides = array<i32>} : memref<128x128xf32, #tpu.memory_space<vmem>>, vector<1x16xf32>,
      %swap3A_93 = vector.shape_cast %swap3A_92 : vector<1x16xf32> to vector<16xf32>
      %swap3A_94 = vector.shape_cast %broadcast_in_dim3A_89 : vector<16xf32> to vector<1x16xf32>
      tpu.vector_store %arg8[%swap3A_90, %swap3A_91], %swap3A_94 {strides = array<i32>} : memref<128x128xf32, #tpu.memory_space<vmem>>, vector<1x16xf32>,
      %broadcast_in_dim3A_95 = arith.constant 0.000000e+00 : f32
      %broadcast_in_dim3A_96 = vector.broadcast %broadcast_in_dim3A_95 : f32 to vector<16xf32>
      %swap3A_97 = arith.index_cast %scan3A_68 : i32 to index
      %swap3A_98 = arith.constant 64 : index
      %swap3A_99 = tpu.vector_load %arg8[%swap3A_97, %swap3A_98] {strides = array<i32>} : memref<128x128xf32, #tpu.memory_space<vmem>>, vector<1x16xf32>,
      %swap3A_100 = vector.shape_cast %swap3A_99 : vector<1x16xf32> to vector<16xf32>
      %swap3A_101 = vector.shape_cast %broadcast_in_dim3A_96 : vector<16xf32> to vector<1x16xf32>
      tpu.vector_store %arg8[%swap3A_97, %swap3A_98], %swap3A_101 {strides = array<i32>} : memref<128x128xf32, #tpu.memory_space<vmem>>, vector<1x16xf32>,
      %broadcast_in_dim3A_102 = arith.constant 0.000000e+00 : f32
      %broadcast_in_dim3A_103 = vector.broadcast %broadcast_in_dim3A_102 : f32 to vector<16xf32>
      %swap3A_104 = arith.index_cast %scan3A_68 : i32 to index
      %swap3A_105 = arith.constant 80 : index
      %swap3A_106 = tpu.vector_load %arg8[%swap3A_104, %swap3A_105] {strides = array<i32>} : memref<128x128xf32, #tpu.memory_space<vmem>>, vector<1x16xf32>,
      %swap3A_107 = vector.shape_cast %swap3A_106 : vector<1x16xf32> to vector<16xf32>
      %swap3A_108 = vector.shape_cast %broadcast_in_dim3A_103 : vector<16xf32> to vector<1x16xf32>
      tpu.vector_store %arg8[%swap3A_104, %swap3A_105], %swap3A_108 {strides = array<i32>} : memref<128x128xf32, #tpu.memory_space<vmem>>, vector<1x16xf32>,
      %broadcast_in_dim3A_109 = arith.constant 0.000000e+00 : f32
      %broadcast_in_dim3A_110 = vector.broadcast %broadcast_in_dim3A_109 : f32 to vector<16xf32>
      %swap3A_111 = arith.index_cast %scan3A_68 : i32 to index
      %swap3A_112 = arith.constant 96 : index
      %swap3A_113 = tpu.vector_load %arg8[%swap3A_111, %swap3A_112] {strides = array<i32>} : memref<128x128xf32, #tpu.memory_space<vmem>>, vector<1x16xf32>,
      %swap3A_114 = vector.shape_cast %swap3A_113 : vector<1x16xf32> to vector<16xf32>
      %swap3A_115 = vector.shape_cast %broadcast_in_dim3A_110 : vector<16xf32> to vector<1x16xf32>
      tpu.vector_store %arg8[%swap3A_111, %swap3A_112], %swap3A_115 {strides = array<i32>} : memref<128x128xf32, #tpu.memory_space<vmem>>, vector<1x16xf32>,
      %broadcast_in_dim3A_116 = arith.constant 0.000000e+00 : f32
      %broadcast_in_dim3A_117 = vector.broadcast %broadcast_in_dim3A_116 : f32 to vector<16xf32>
      %swap3A_118 = arith.index_cast %scan3A_68 : i32 to index
      %swap3A_119 = arith.constant 112 : index
      %swap3A_120 = tpu.vector_load %arg8[%swap3A_118, %swap3A_119] {strides = array<i32>} : memref<128x128xf32, #tpu.memory_space<vmem>>, vector<1x16xf32>,
      %swap3A_121 = vector.shape_cast %swap3A_120 : vector<1x16xf32> to vector<16xf32>
      %swap3A_122 = vector.shape_cast %broadcast_in_dim3A_117 : vector<16xf32> to vector<1x16xf32>
      tpu.vector_store %arg8[%swap3A_118, %swap3A_119], %swap3A_122 {strides = array<i32>} : memref<128x128xf32, #tpu.memory_space<vmem>>, vector<1x16xf32>,
    }
    %scan3A_18 = arith.constant 128 : i32
    %add3A_19 = arith.constant 0 : i32
    %add3A_20 = arith.addi %mul3A_2, %add3A_19 : i32
    "tpu.region"() ({
      %run_scoped3A_68 = tpu.sem_alloc : memref<!tpu.dma_semaphore, #tpu.memory_space<semaphore_mem>>
      %dma_start3A_69 = arith.constant 0 : i32
      %dma_start3A_70 = tpu.memref_slice %arg9[%add3A_20, %dma_start3A_69] : memref<10112x128xf32, #tpu.memory_space<vmem_shared>> -> memref<128x128xf32, #tpu.memory_space<vmem_shared>>
      %dma_start3A_71 = arith.constant 0 : i32
      %dma_start3A_72 = tpu.memref_slice %arg9[%add3A_20, %dma_start3A_71] : memref<10112x128xf32, #tpu.memory_space<vmem_shared>> -> memref<128x128xf32, #tpu.memory_space<vmem_shared>>
      tpu.enqueue_dma source(%arg8 : memref<128x128xf32, #tpu.memory_space<vmem>>) target(%dma_start3A_72 : memref<128x128xf32, #tpu.memory_space<vmem_shared>>) target_semaphore(%run_scoped3A_68 : memref<!tpu.dma_semaphore, #tpu.memory_space<semaphore_mem>>)
      %dma_wait3A_73 = arith.constant 0 : i32
      %dma_wait3A_74 = tpu.memref_slice %arg9[%add3A_20, %dma_wait3A_73] : memref<10112x128xf32, #tpu.memory_space<vmem_shared>> -> memref<128x128xf32, #tpu.memory_space<vmem_shared>>
      %dma_wait3A_75 = arith.constant 0 : i32
      %dma_wait3A_76 = tpu.memref_slice %arg9[%add3A_20, %dma_wait3A_75] : memref<10112x128xf32, #tpu.memory_space<vmem_shared>> -> memref<128x128xf32, #tpu.memory_space<vmem_shared>>
      tpu.wait_dma2 semaphore(%run_scoped3A_68 : memref<!tpu.dma_semaphore, #tpu.memory_space<semaphore_mem>>) src(%arg8 : memref<128x128xf32, #tpu.memory_space<vmem>>) dst(%dma_wait3A_76 : memref<128x128xf32, #tpu.memory_space<vmem_shared>>)
      tpu.yield
    }) : () -> ()
    %add3A_21 = arith.constant 128 : i32
    %add3A_22 = arith.addi %mul3A_2, %add3A_21 : i32
    "tpu.region"() ({
      %run_scoped3A_68 = tpu.sem_alloc : memref<!tpu.dma_semaphore, #tpu.memory_space<semaphore_mem>>
      %dma_start3A_69 = arith.constant 0 : i32
      %dma_start3A_70 = tpu.memref_slice %arg9[%add3A_22, %dma_start3A_69] : memref<10112x128xf32, #tpu.memory_space<vmem_shared>> -> memref<128x128xf32, #tpu.memory_space<vmem_shared>>
      %dma_start3A_71 = arith.constant 0 : i32
      %dma_start3A_72 = tpu.memref_slice %arg9[%add3A_22, %dma_start3A_71] : memref<10112x128xf32, #tpu.memory_space<vmem_shared>> -> memref<128x128xf32, #tpu.memory_space<vmem_shared>>
      tpu.enqueue_dma source(%arg8 : memref<128x128xf32, #tpu.memory_space<vmem>>) target(%dma_start3A_72 : memref<128x128xf32, #tpu.memory_space<vmem_shared>>) target_semaphore(%run_scoped3A_68 : memref<!tpu.dma_semaphore, #tpu.memory_space<semaphore_mem>>)
      %dma_wait3A_73 = arith.constant 0 : i32
      %dma_wait3A_74 = tpu.memref_slice %arg9[%add3A_22, %dma_wait3A_73] : memref<10112x128xf32, #tpu.memory_space<vmem_shared>> -> memref<128x128xf32, #tpu.memory_space<vmem_shared>>
      %dma_wait3A_75 = arith.constant 0 : i32
      %dma_wait3A_76 = tpu.memref_slice %arg9[%add3A_22, %dma_wait3A_75] : memref<10112x128xf32, #tpu.memory_space<vmem_shared>> -> memref<128x128xf32, #tpu.memory_space<vmem_shared>>
      tpu.wait_dma2 semaphore(%run_scoped3A_68 : memref<!tpu.dma_semaphore, #tpu.memory_space<semaphore_mem>>) src(%arg8 : memref<128x128xf32, #tpu.memory_space<vmem>>) dst(%dma_wait3A_76 : memref<128x128xf32, #tpu.memory_space<vmem_shared>>)
      tpu.yield
    }) : () -> ()
    %add3A_23 = arith.constant 256 : i32
    %add3A_24 = arith.addi %mul3A_2, %add3A_23 : i32
    "tpu.region"() ({
      %run_scoped3A_68 = tpu.sem_alloc : memref<!tpu.dma_semaphore, #tpu.memory_space<semaphore_mem>>
      %dma_start3A_69 = arith.constant 0 : i32
      %dma_start3A_70 = tpu.memref_slice %arg9[%add3A_24, %dma_start3A_69] : memref<10112x128xf32, #tpu.memory_space<vmem_shared>> -> memref<128x128xf32, #tpu.memory_space<vmem_shared>>
      %dma_start3A_71 = arith.constant 0 : i32
      %dma_start3A_72 = tpu.memref_slice %arg9[%add3A_24, %dma_start3A_71] : memref<10112x128xf32, #tpu.memory_space<vmem_shared>> -> memref<128x128xf32, #tpu.memory_space<vmem_shared>>
      tpu.enqueue_dma source(%arg8 : memref<128x128xf32, #tpu.memory_space<vmem>>) target(%dma_start3A_72 : memref<128x128xf32, #tpu.memory_space<vmem_shared>>) target_semaphore(%run_scoped3A_68 : memref<!tpu.dma_semaphore, #tpu.memory_space<semaphore_mem>>)
      %dma_wait3A_73 = arith.constant 0 : i32
      %dma_wait3A_74 = tpu.memref_slice %arg9[%add3A_24, %dma_wait3A_73] : memref<10112x128xf32, #tpu.memory_space<vmem_shared>> -> memref<128x128xf32, #tpu.memory_space<vmem_shared>>
      %dma_wait3A_75 = arith.constant 0 : i32
      %dma_wait3A_76 = tpu.memref_slice %arg9[%add3A_24, %dma_wait3A_75] : memref<10112x128xf32, #tpu.memory_space<vmem_shared>> -> memref<128x128xf32, #tpu.memory_space<vmem_shared>>
      tpu.wait_dma2 semaphore(%run_scoped3A_68 : memref<!tpu.dma_semaphore, #tpu.memory_space<semaphore_mem>>) src(%arg8 : memref<128x128xf32, #tpu.memory_space<vmem>>) dst(%dma_wait3A_76 : memref<128x128xf32, #tpu.memory_space<vmem_shared>>)
      tpu.yield
    }) : () -> ()
    %add3A_25 = arith.constant 384 : i32
    %add3A_26 = arith.addi %mul3A_2, %add3A_25 : i32
    "tpu.region"() ({
      %run_scoped3A_68 = tpu.sem_alloc : memref<!tpu.dma_semaphore, #tpu.memory_space<semaphore_mem>>
      %dma_start3A_69 = arith.constant 0 : i32
      %dma_start3A_70 = tpu.memref_slice %arg9[%add3A_26, %dma_start3A_69] : memref<10112x128xf32, #tpu.memory_space<vmem_shared>> -> memref<128x128xf32, #tpu.memory_space<vmem_shared>>
      %dma_start3A_71 = arith.constant 0 : i32
      %dma_start3A_72 = tpu.memref_slice %arg9[%add3A_26, %dma_start3A_71] : memref<10112x128xf32, #tpu.memory_space<vmem_shared>> -> memref<128x128xf32, #tpu.memory_space<vmem_shared>>
      tpu.enqueue_dma source(%arg8 : memref<128x128xf32, #tpu.memory_space<vmem>>) target(%dma_start3A_72 : memref<128x128xf32, #tpu.memory_space<vmem_shared>>) target_semaphore(%run_scoped3A_68 : memref<!tpu.dma_semaphore, #tpu.memory_space<semaphore_mem>>)
      %dma_wait3A_73 = arith.constant 0 : i32
      %dma_wait3A_74 = tpu.memref_slice %arg9[%add3A_26, %dma_wait3A_73] : memref<10112x128xf32, #tpu.memory_space<vmem_shared>> -> memref<128x128xf32, #tpu.memory_space<vmem_shared>>
      %dma_wait3A_75 = arith.constant 0 : i32
      %dma_wait3A_76 = tpu.memref_slice %arg9[%add3A_26, %dma_wait3A_75] : memref<10112x128xf32, #tpu.memory_space<vmem_shared>> -> memref<128x128xf32, #tpu.memory_space<vmem_shared>>
      tpu.wait_dma2 semaphore(%run_scoped3A_68 : memref<!tpu.dma_semaphore, #tpu.memory_space<semaphore_mem>>) src(%arg8 : memref<128x128xf32, #tpu.memory_space<vmem>>) dst(%dma_wait3A_76 : memref<128x128xf32, #tpu.memory_space<vmem_shared>>)
      tpu.yield
    }) : () -> ()
    %add3A_27 = arith.constant 512 : i32
    %add3A_28 = arith.addi %mul3A_2, %add3A_27 : i32
    "tpu.region"() ({
      %run_scoped3A_68 = tpu.sem_alloc : memref<!tpu.dma_semaphore, #tpu.memory_space<semaphore_mem>>
      %dma_start3A_69 = arith.constant 0 : i32
      %dma_start3A_70 = arith.constant 0 : i32
      %dma_start3A_71 = tpu.memref_slice %arg8[%dma_start3A_69, %dma_start3A_70] : memref<128x128xf32, #tpu.memory_space<vmem>> -> memref<120x128xf32, #tpu.memory_space<vmem>>
      %dma_start3A_72 = arith.constant 0 : i32
      %dma_start3A_73 = tpu.memref_slice %arg9[%add3A_28, %dma_start3A_72] : memref<10112x128xf32, #tpu.memory_space<vmem_shared>> -> memref<120x128xf32, #tpu.memory_space<vmem_shared>>
      %dma_start3A_74 = arith.constant 0 : i32
      %dma_start3A_75 = tpu.memref_slice %arg9[%add3A_28, %dma_start3A_74] : memref<10112x128xf32, #tpu.memory_space<vmem_shared>> -> memref<120x128xf32, #tpu.memory_space<vmem_shared>>
      %dma_start3A_76 = arith.constant 0 : i32
      %dma_start3A_77 = arith.constant 0 : i32
      %dma_start3A_78 = tpu.memref_slice %arg8[%dma_start3A_76, %dma_start3A_77] : memref<128x128xf32, #tpu.memory_space<vmem>> -> memref<120x128xf32, #tpu.memory_space<vmem>>
      tpu.enqueue_dma source(%dma_start3A_78 : memref<120x128xf32, #tpu.memory_space<vmem>>) target(%dma_start3A_75 : memref<120x128xf32, #tpu.memory_space<vmem_shared>>) target_semaphore(%run_scoped3A_68 : memref<!tpu.dma_semaphore, #tpu.memory_space<semaphore_mem>>)
      %dma_wait3A_79 = arith.constant 0 : i32
      %dma_wait3A_80 = arith.constant 0 : i32
      %dma_wait3A_81 = tpu.memref_slice %arg8[%dma_wait3A_79, %dma_wait3A_80] : memref<128x128xf32, #tpu.memory_space<vmem>> -> memref<120x128xf32, #tpu.memory_space<vmem>>
      %dma_wait3A_82 = arith.constant 0 : i32
      %dma_wait3A_83 = tpu.memref_slice %arg9[%add3A_28, %dma_wait3A_82] : memref<10112x128xf32, #tpu.memory_space<vmem_shared>> -> memref<120x128xf32, #tpu.memory_space<vmem_shared>>
      %dma_wait3A_84 = arith.constant 0 : i32
      %dma_wait3A_85 = tpu.memref_slice %arg9[%add3A_28, %dma_wait3A_84] : memref<10112x128xf32, #tpu.memory_space<vmem_shared>> -> memref<120x128xf32, #tpu.memory_space<vmem_shared>>
      %dma_wait3A_86 = arith.constant 0 : i32
      %dma_wait3A_87 = arith.constant 0 : i32
      %dma_wait3A_88 = tpu.memref_slice %arg8[%dma_wait3A_86, %dma_wait3A_87] : memref<128x128xf32, #tpu.memory_space<vmem>> -> memref<120x128xf32, #tpu.memory_space<vmem>>
      tpu.wait_dma2 semaphore(%run_scoped3A_68 : memref<!tpu.dma_semaphore, #tpu.memory_space<semaphore_mem>>) src(%dma_wait3A_88 : memref<120x128xf32, #tpu.memory_space<vmem>>) dst(%dma_wait3A_85 : memref<120x128xf32, #tpu.memory_space<vmem_shared>>)
      tpu.yield
    }) : () -> ()
    %barrier3A = arith.constant 0 : index
    tpu.barrier barrier_id(%barrier3A)
    %scan3A_29 = arith.constant 0 : i32
    %scan3A_30 = arith.constant 0 : i32
    %scan3A_31 = arith.constant 20 : i32
    %scan3A_32 = arith.addi %scan3A_30, %scan3A_31 : i32
    %scan3A_33 = arith.constant 1 : i32
    scf.for %scan3A_68 = %scan3A_30 to %scan3A_32 step %scan3A_33  : i32 {
      %mul3A_69 = arith.constant 2 : i32
      %mul3A_70 = arith.muli %mul3A_69, %scan3A_68 : i32
      %dma_wait3A_71 = arith.constant 0 : i32
      %dma_wait3A_72 = tpu.memref_slice %arg5[%mul3A_70, %dma_wait3A_71] : memref<40x128xi32, #tpu.memory_space<vmem>> -> memref<1x128xi32, #tpu.memory_space<vmem>>
      %dma_wait3A_73 = tpu.memref_squeeze %dma_wait3A_72 : memref<1x128xi32, #tpu.memory_space<vmem>> -> memref<128xi32, #tpu.memory_space<vmem>>
      %dma_wait3A_74 = arith.constant 0 : i32
      %dma_wait3A_75 = arith.constant 0 : i32
      %dma_wait3A_76 = tpu.memref_slice %arg2[%dma_wait3A_74, %dma_wait3A_75] : memref<10000x128xf32, #tpu.memory_space<hbm>> -> memref<10000x128xf32, #tpu.memory_space<hbm>>
      tpu.wait_indirect_dma semaphore(%arg10 : memref<!tpu.dma_semaphore, #tpu.memory_space<semaphore_mem>>) src(%dma_wait3A_76 : memref<10000x128xf32, #tpu.memory_space<hbm>>) dst(%arg7 : memref<128x128xf32, #tpu.memory_space<vmem>>)
      %dma_start3A_77 = arith.constant 0 : i32
      %dma_start3A_78 = tpu.memref_slice %arg6[%mul3A_70, %dma_start3A_77] : memref<40x128xi32, #tpu.memory_space<vmem>> -> memref<1x128xi32, #tpu.memory_space<vmem>>
      %dma_start3A_79 = tpu.memref_squeeze %dma_start3A_78 : memref<1x128xi32, #tpu.memory_space<vmem>> -> memref<128xi32, #tpu.memory_space<vmem>>
      %dma_start3A_80 = arith.constant 0 : i32
      %dma_start3A_81 = arith.constant 0 : i32
      %dma_start3A_82 = tpu.memref_slice %arg9[%dma_start3A_80, %dma_start3A_81] : memref<10112x128xf32, #tpu.memory_space<vmem_shared>> -> memref<10112x128xf32, #tpu.memory_space<vmem_shared>>
      tpu.enqueue_indirect_dma source(%arg7 : memref<128x128xf32, #tpu.memory_space<vmem>>) target(%dma_start3A_82 : memref<10112x128xf32, #tpu.memory_space<vmem_shared>>) offsets(%dma_start3A_79 : memref<128xi32, #tpu.memory_space<vmem>>) semaphore(%arg12 : memref<!tpu.dma_semaphore, #tpu.memory_space<semaphore_mem>>) {add = true}
      %gt3A = arith.constant 0 : i32
      %gt3A_83 = arith.cmpi sgt, %mul3A_70, %gt3A : i32
      %convert_element_type3A = arith.extui %gt3A_83 : i1 to i32
      %cond3A = arith.constant 0 : i32
      %cond3A_84 = arith.cmpi ne, %convert_element_type3A, %cond3A : i32
      scf.if %cond3A_84 {
        %sub3A = arith.constant 1 : i32
        %sub3A_119 = arith.subi %mul3A_70, %sub3A : i32
        %dma_wait3A_120 = arith.constant 0 : i32
        %dma_wait3A_121 = tpu.memref_slice %arg6[%sub3A_119, %dma_wait3A_120] : memref<40x128xi32, #tpu.memory_space<vmem>> -> memref<1x128xi32, #tpu.memory_space<vmem>>
        %dma_wait3A_122 = tpu.memref_squeeze %dma_wait3A_121 : memref<1x128xi32, #tpu.memory_space<vmem>> -> memref<128xi32, #tpu.memory_space<vmem>>
        %dma_wait3A_123 = arith.constant 0 : i32
        %dma_wait3A_124 = arith.constant 0 : i32
        %dma_wait3A_125 = tpu.memref_slice %arg9[%dma_wait3A_123, %dma_wait3A_124] : memref<10112x128xf32, #tpu.memory_space<vmem_shared>> -> memref<10112x128xf32, #tpu.memory_space<vmem_shared>>
        tpu.wait_indirect_dma semaphore(%arg13 : memref<!tpu.dma_semaphore, #tpu.memory_space<semaphore_mem>>) src(%arg8 : memref<128x128xf32, #tpu.memory_space<vmem>>) dst(%dma_wait3A_125 : memref<10112x128xf32, #tpu.memory_space<vmem_shared>>)
      } else {
      }
      %add3A_85 = arith.constant 1 : i32
      %add3A_86 = arith.addi %mul3A_70, %add3A_85 : i32
      %lt3A = arith.constant 40 : i32
      %lt3A_87 = arith.cmpi slt, %add3A_86, %lt3A : i32
      %convert_element_type3A_88 = arith.extui %lt3A_87 : i1 to i32
      %cond3A_89 = arith.constant 0 : i32
      %cond3A_90 = arith.cmpi ne, %convert_element_type3A_88, %cond3A_89 : i32
      scf.if %cond3A_90 {
        %add3A_119 = arith.constant 1 : i32
        %add3A_120 = arith.addi %mul3A_70, %add3A_119 : i32
        %dma_start3A_121 = arith.constant 0 : i32
        %dma_start3A_122 = tpu.memref_slice %arg5[%add3A_120, %dma_start3A_121] : memref<40x128xi32, #tpu.memory_space<vmem>> -> memref<1x128xi32, #tpu.memory_space<vmem>>
        %dma_start3A_123 = tpu.memref_squeeze %dma_start3A_122 : memref<1x128xi32, #tpu.memory_space<vmem>> -> memref<128xi32, #tpu.memory_space<vmem>>
        %dma_start3A_124 = arith.constant 0 : i32
        %dma_start3A_125 = arith.constant 0 : i32
        %dma_start3A_126 = tpu.memref_slice %arg2[%dma_start3A_124, %dma_start3A_125] : memref<10000x128xf32, #tpu.memory_space<hbm>> -> memref<10000x128xf32, #tpu.memory_space<hbm>>
        tpu.enqueue_indirect_dma source(%dma_start3A_126 : memref<10000x128xf32, #tpu.memory_space<hbm>>) target(%arg8 : memref<128x128xf32, #tpu.memory_space<vmem>>) offsets(%dma_start3A_123 : memref<128xi32, #tpu.memory_space<vmem>>) semaphore(%arg11 : memref<!tpu.dma_semaphore, #tpu.memory_space<semaphore_mem>>)
      } else {
      }
      %mul3A_91 = arith.constant 2 : i32
      %mul3A_92 = arith.muli %mul3A_91, %scan3A_68 : i32
      %add3A_93 = arith.constant 1 : i32
      %add3A_94 = arith.addi %mul3A_92, %add3A_93 : i32
      %dma_wait3A_95 = arith.constant 0 : i32
      %dma_wait3A_96 = tpu.memref_slice %arg5[%add3A_94, %dma_wait3A_95] : memref<40x128xi32, #tpu.memory_space<vmem>> -> memref<1x128xi32, #tpu.memory_space<vmem>>
      %dma_wait3A_97 = tpu.memref_squeeze %dma_wait3A_96 : memref<1x128xi32, #tpu.memory_space<vmem>> -> memref<128xi32, #tpu.memory_space<vmem>>
      %dma_wait3A_98 = arith.constant 0 : i32
      %dma_wait3A_99 = arith.constant 0 : i32
      %dma_wait3A_100 = tpu.memref_slice %arg2[%dma_wait3A_98, %dma_wait3A_99] : memref<10000x128xf32, #tpu.memory_space<hbm>> -> memref<10000x128xf32, #tpu.memory_space<hbm>>
      tpu.wait_indirect_dma semaphore(%arg11 : memref<!tpu.dma_semaphore, #tpu.memory_space<semaphore_mem>>) src(%dma_wait3A_100 : memref<10000x128xf32, #tpu.memory_space<hbm>>) dst(%arg8 : memref<128x128xf32, #tpu.memory_space<vmem>>)
      %dma_start3A_101 = arith.constant 0 : i32
      %dma_start3A_102 = tpu.memref_slice %arg6[%add3A_94, %dma_start3A_101] : memref<40x128xi32, #tpu.memory_space<vmem>> -> memref<1x128xi32, #tpu.memory_space<vmem>>
      %dma_start3A_103 = tpu.memref_squeeze %dma_start3A_102 : memref<1x128xi32, #tpu.memory_space<vmem>> -> memref<128xi32, #tpu.memory_space<vmem>>
      %dma_start3A_104 = arith.constant 0 : i32
      %dma_start3A_105 = arith.constant 0 : i32
      %dma_start3A_106 = tpu.memref_slice %arg9[%dma_start3A_104, %dma_start3A_105] : memref<10112x128xf32, #tpu.memory_space<vmem_shared>> -> memref<10112x128xf32, #tpu.memory_space<vmem_shared>>
      tpu.enqueue_indirect_dma source(%arg8 : memref<128x128xf32, #tpu.memory_space<vmem>>) target(%dma_start3A_106 : memref<10112x128xf32, #tpu.memory_space<vmem_shared>>) offsets(%dma_start3A_103 : memref<128xi32, #tpu.memory_space<vmem>>) semaphore(%arg13 : memref<!tpu.dma_semaphore, #tpu.memory_space<semaphore_mem>>) {add = true}
      %gt3A_107 = arith.constant 0 : i32
      %gt3A_108 = arith.cmpi sgt, %add3A_94, %gt3A_107 : i32
      %convert_element_type3A_109 = arith.extui %gt3A_108 : i1 to i32
      %cond3A_110 = arith.constant 0 : i32
      %cond3A_111 = arith.cmpi ne, %convert_element_type3A_109, %cond3A_110 : i32
      scf.if %cond3A_111 {
        %sub3A = arith.constant 1 : i32
        %sub3A_119 = arith.subi %add3A_94, %sub3A : i32
        %dma_wait3A_120 = arith.constant 0 : i32
        %dma_wait3A_121 = tpu.memref_slice %arg6[%sub3A_119, %dma_wait3A_120] : memref<40x128xi32, #tpu.memory_space<vmem>> -> memref<1x128xi32, #tpu.memory_space<vmem>>
        %dma_wait3A_122 = tpu.memref_squeeze %dma_wait3A_121 : memref<1x128xi32, #tpu.memory_space<vmem>> -> memref<128xi32, #tpu.memory_space<vmem>>
        %dma_wait3A_123 = arith.constant 0 : i32
        %dma_wait3A_124 = arith.constant 0 : i32
        %dma_wait3A_125 = tpu.memref_slice %arg9[%dma_wait3A_123, %dma_wait3A_124] : memref<10112x128xf32, #tpu.memory_space<vmem_shared>> -> memref<10112x128xf32, #tpu.memory_space<vmem_shared>>
        tpu.wait_indirect_dma semaphore(%arg12 : memref<!tpu.dma_semaphore, #tpu.memory_space<semaphore_mem>>) src(%arg7 : memref<128x128xf32, #tpu.memory_space<vmem>>) dst(%dma_wait3A_125 : memref<10112x128xf32, #tpu.memory_space<vmem_shared>>)
      } else {
      }
      %add3A_112 = arith.constant 1 : i32
      %add3A_113 = arith.addi %add3A_94, %add3A_112 : i32
      %lt3A_114 = arith.constant 40 : i32
      %lt3A_115 = arith.cmpi slt, %add3A_113, %lt3A_114 : i32
      %convert_element_type3A_116 = arith.extui %lt3A_115 : i1 to i32
      %cond3A_117 = arith.constant 0 : i32
      %cond3A_118 = arith.cmpi ne, %convert_element_type3A_116, %cond3A_117 : i32
      scf.if %cond3A_118 {
        %add3A_119 = arith.constant 1 : i32
        %add3A_120 = arith.addi %add3A_94, %add3A_119 : i32
        %dma_start3A_121 = arith.constant 0 : i32
        %dma_start3A_122 = tpu.memref_slice %arg5[%add3A_120, %dma_start3A_121] : memref<40x128xi32, #tpu.memory_space<vmem>> -> memref<1x128xi32, #tpu.memory_space<vmem>>
        %dma_start3A_123 = tpu.memref_squeeze %dma_start3A_122 : memref<1x128xi32, #tpu.memory_space<vmem>> -> memref<128xi32, #tpu.memory_space<vmem>>
        %dma_start3A_124 = arith.constant 0 : i32
        %dma_start3A_125 = arith.constant 0 : i32
        %dma_start3A_126 = tpu.memref_slice %arg2[%dma_start3A_124, %dma_start3A_125] : memref<10000x128xf32, #tpu.memory_space<hbm>> -> memref<10000x128xf32, #tpu.memory_space<hbm>>
        tpu.enqueue_indirect_dma source(%dma_start3A_126 : memref<10000x128xf32, #tpu.memory_space<hbm>>) target(%arg7 : memref<128x128xf32, #tpu.memory_space<vmem>>) offsets(%dma_start3A_123 : memref<128xi32, #tpu.memory_space<vmem>>) semaphore(%arg10 : memref<!tpu.dma_semaphore, #tpu.memory_space<semaphore_mem>>)
      } else {
      }
    }
    %scan3A_34 = arith.constant 20 : i32
    %dma_wait3A = arith.constant 39 : i32
    %dma_wait3A_35 = arith.constant 0 : i32
    %dma_wait3A_36 = tpu.memref_slice %arg6[%dma_wait3A, %dma_wait3A_35] : memref<40x128xi32, #tpu.memory_space<vmem>> -> memref<1x128xi32, #tpu.memory_space<vmem>>
    %dma_wait3A_37 = tpu.memref_squeeze %dma_wait3A_36 : memref<1x128xi32, #tpu.memory_space<vmem>> -> memref<128xi32, #tpu.memory_space<vmem>>
    %dma_wait3A_38 = arith.constant 0 : i32
    %dma_wait3A_39 = arith.constant 0 : i32
    %dma_wait3A_40 = tpu.memref_slice %arg9[%dma_wait3A_38, %dma_wait3A_39] : memref<10112x128xf32, #tpu.memory_space<vmem_shared>> -> memref<10112x128xf32, #tpu.memory_space<vmem_shared>>
    tpu.wait_indirect_dma semaphore(%arg13 : memref<!tpu.dma_semaphore, #tpu.memory_space<semaphore_mem>>) src(%arg8 : memref<128x128xf32, #tpu.memory_space<vmem>>) dst(%dma_wait3A_40 : memref<10112x128xf32, #tpu.memory_space<vmem_shared>>)
    %mul3A_41 = arith.constant 80 : i32
    %mul3A_42 = arith.muli %add3A, %mul3A_41 : i32
    %add3A_43 = arith.constant 40 : i32
    %add3A_44 = arith.addi %mul3A_42, %add3A_43 : i32
    %run_scoped3A_45 = arith.constant 0 : i32
    "tpu.region"() ({
      %run_scoped3A_68 = tpu.sem_alloc : memref<!tpu.dma_semaphore, #tpu.memory_space<semaphore_mem>>
      %dma_start3A_69 = arith.constant 0 : i32
      %dma_start3A_70 = tpu.memref_slice %arg3[%run_scoped3A_45, %add3A_44, %dma_start3A_69] : memref<2x2560x128xi32, #tpu.memory_space<hbm>> -> memref<1x40x128xi32, #tpu.memory_space<hbm>>
      %dma_start3A_71 = tpu.memref_squeeze %dma_start3A_70 : memref<1x40x128xi32, #tpu.memory_space<hbm>> -> memref<40x128xi32, #tpu.memory_space<hbm>>
      %dma_start3A_72 = arith.constant 0 : i32
      %dma_start3A_73 = tpu.memref_slice %arg3[%run_scoped3A_45, %add3A_44, %dma_start3A_72] : memref<2x2560x128xi32, #tpu.memory_space<hbm>> -> memref<1x40x128xi32, #tpu.memory_space<hbm>>
      %dma_start3A_74 = tpu.memref_squeeze %dma_start3A_73 : memref<1x40x128xi32, #tpu.memory_space<hbm>> -> memref<40x128xi32, #tpu.memory_space<hbm>>
      tpu.enqueue_dma source(%dma_start3A_74 : memref<40x128xi32, #tpu.memory_space<hbm>>) target(%arg5 : memref<40x128xi32, #tpu.memory_space<vmem>>) target_semaphore(%run_scoped3A_68 : memref<!tpu.dma_semaphore, #tpu.memory_space<semaphore_mem>>)
      %dma_wait3A_75 = arith.constant 0 : i32
      %dma_wait3A_76 = tpu.memref_slice %arg3[%run_scoped3A_45, %add3A_44, %dma_wait3A_75] : memref<2x2560x128xi32, #tpu.memory_space<hbm>> -> memref<1x40x128xi32, #tpu.memory_space<hbm>>
      %dma_wait3A_77 = tpu.memref_squeeze %dma_wait3A_76 : memref<1x40x128xi32, #tpu.memory_space<hbm>> -> memref<40x128xi32, #tpu.memory_space<hbm>>
      %dma_wait3A_78 = arith.constant 0 : i32
      %dma_wait3A_79 = tpu.memref_slice %arg3[%run_scoped3A_45, %add3A_44, %dma_wait3A_78] : memref<2x2560x128xi32, #tpu.memory_space<hbm>> -> memref<1x40x128xi32, #tpu.memory_space<hbm>>
      %dma_wait3A_80 = tpu.memref_squeeze %dma_wait3A_79 : memref<1x40x128xi32, #tpu.memory_space<hbm>> -> memref<40x128xi32, #tpu.memory_space<hbm>>
      tpu.wait_dma2 semaphore(%run_scoped3A_68 : memref<!tpu.dma_semaphore, #tpu.memory_space<semaphore_mem>>) src(%dma_wait3A_80 : memref<40x128xi32, #tpu.memory_space<hbm>>) dst(%arg5 : memref<40x128xi32, #tpu.memory_space<vmem>>)
      tpu.yield
    }) : () -> ()
    %run_scoped3A_46 = arith.constant 1 : i32
    "tpu.region"() ({
      %run_scoped3A_68 = tpu.sem_alloc : memref<!tpu.dma_semaphore, #tpu.memory_space<semaphore_mem>>
      %dma_start3A_69 = arith.constant 0 : i32
      %dma_start3A_70 = tpu.memref_slice %arg3[%run_scoped3A_46, %add3A_44, %dma_start3A_69] : memref<2x2560x128xi32, #tpu.memory_space<hbm>> -> memref<1x40x128xi32, #tpu.memory_space<hbm>>
      %dma_start3A_71 = tpu.memref_squeeze %dma_start3A_70 : memref<1x40x128xi32, #tpu.memory_space<hbm>> -> memref<40x128xi32, #tpu.memory_space<hbm>>
      %dma_start3A_72 = arith.constant 0 : i32
      %dma_start3A_73 = tpu.memref_slice %arg3[%run_scoped3A_46, %add3A_44, %dma_start3A_72] : memref<2x2560x128xi32, #tpu.memory_space<hbm>> -> memref<1x40x128xi32, #tpu.memory_space<hbm>>
      %dma_start3A_74 = tpu.memref_squeeze %dma_start3A_73 : memref<1x40x128xi32, #tpu.memory_space<hbm>> -> memref<40x128xi32, #tpu.memory_space<hbm>>
      tpu.enqueue_dma source(%dma_start3A_74 : memref<40x128xi32, #tpu.memory_space<hbm>>) target(%arg6 : memref<40x128xi32, #tpu.memory_space<vmem>>) target_semaphore(%run_scoped3A_68 : memref<!tpu.dma_semaphore, #tpu.memory_space<semaphore_mem>>)
      %dma_wait3A_75 = arith.constant 0 : i32
      %dma_wait3A_76 = tpu.memref_slice %arg3[%run_scoped3A_46, %add3A_44, %dma_wait3A_75] : memref<2x2560x128xi32, #tpu.memory_space<hbm>> -> memref<1x40x128xi32, #tpu.memory_space<hbm>>
      %dma_wait3A_77 = tpu.memref_squeeze %dma_wait3A_76 : memref<1x40x128xi32, #tpu.memory_space<hbm>> -> memref<40x128xi32, #tpu.memory_space<hbm>>
      %dma_wait3A_78 = arith.constant 0 : i32
      %dma_wait3A_79 = tpu.memref_slice %arg3[%run_scoped3A_46, %add3A_44, %dma_wait3A_78] : memref<2x2560x128xi32, #tpu.memory_space<hbm>> -> memref<1x40x128xi32, #tpu.memory_space<hbm>>
      %dma_wait3A_80 = tpu.memref_squeeze %dma_wait3A_79 : memref<1x40x128xi32, #tpu.memory_space<hbm>> -> memref<40x128xi32, #tpu.memory_space<hbm>>
      tpu.wait_dma2 semaphore(%run_scoped3A_68 : memref<!tpu.dma_semaphore, #tpu.memory_space<semaphore_mem>>) src(%dma_wait3A_80 : memref<40x128xi32, #tpu.memory_space<hbm>>) dst(%arg6 : memref<40x128xi32, #tpu.memory_space<vmem>>)
      tpu.yield
    }) : () -> ()
    %dma_start3A_47 = arith.constant 0 : i32
    %dma_start3A_48 = arith.constant 0 : i32
    %dma_start3A_49 = tpu.memref_slice %arg5[%dma_start3A_47, %dma_start3A_48] : memref<40x128xi32, #tpu.memory_space<vmem>> -> memref<1x128xi32, #tpu.memory_space<vmem>>
    %dma_start3A_50 = tpu.memref_squeeze %dma_start3A_49 : memref<1x128xi32, #tpu.memory_space<vmem>> -> memref<128xi32, #tpu.memory_space<vmem>>
    %dma_start3A_51 = arith.constant 0 : i32
    %dma_start3A_52 = arith.constant 0 : i32
    %dma_start3A_53 = tpu.memref_slice %arg2[%dma_start3A_51, %dma_start3A_52] : memref<10000x128xf32, #tpu.memory_space<hbm>> -> memref<10000x128xf32, #tpu.memory_space<hbm>>
    tpu.enqueue_indirect_dma source(%dma_start3A_53 : memref<10000x128xf32, #tpu.memory_space<hbm>>) target(%arg7 : memref<128x128xf32, #tpu.memory_space<vmem>>) offsets(%dma_start3A_50 : memref<128xi32, #tpu.memory_space<vmem>>) semaphore(%arg10 : memref<!tpu.dma_semaphore, #tpu.memory_space<semaphore_mem>>)
    %scan3A_54 = arith.constant 0 : i32
    %scan3A_55 = arith.constant 0 : i32
    %scan3A_56 = arith.constant 20 : i32
    %scan3A_57 = arith.addi %scan3A_55, %scan3A_56 : i32
    %scan3A_58 = arith.constant 1 : i32
    scf.for %scan3A_68 = %scan3A_55 to %scan3A_57 step %scan3A_58  : i32 {
      %mul3A_69 = arith.constant 2 : i32
      %mul3A_70 = arith.muli %mul3A_69, %scan3A_68 : i32
      %dma_wait3A_71 = arith.constant 0 : i32
      %dma_wait3A_72 = tpu.memref_slice %arg5[%mul3A_70, %dma_wait3A_71] : memref<40x128xi32, #tpu.memory_space<vmem>> -> memref<1x128xi32, #tpu.memory_space<vmem>>
      %dma_wait3A_73 = tpu.memref_squeeze %dma_wait3A_72 : memref<1x128xi32, #tpu.memory_space<vmem>> -> memref<128xi32, #tpu.memory_space<vmem>>
      %dma_wait3A_74 = arith.constant 0 : i32
      %dma_wait3A_75 = arith.constant 0 : i32
      %dma_wait3A_76 = tpu.memref_slice %arg2[%dma_wait3A_74, %dma_wait3A_75] : memref<10000x128xf32, #tpu.memory_space<hbm>> -> memref<10000x128xf32, #tpu.memory_space<hbm>>
      tpu.wait_indirect_dma semaphore(%arg10 : memref<!tpu.dma_semaphore, #tpu.memory_space<semaphore_mem>>) src(%dma_wait3A_76 : memref<10000x128xf32, #tpu.memory_space<hbm>>) dst(%arg7 : memref<128x128xf32, #tpu.memory_space<vmem>>)
      %dma_start3A_77 = arith.constant 0 : i32
      %dma_start3A_78 = tpu.memref_slice %arg6[%mul3A_70, %dma_start3A_77] : memref<40x128xi32, #tpu.memory_space<vmem>> -> memref<1x128xi32, #tpu.memory_space<vmem>>
      %dma_start3A_79 = tpu.memref_squeeze %dma_start3A_78 : memref<1x128xi32, #tpu.memory_space<vmem>> -> memref<128xi32, #tpu.memory_space<vmem>>
      %dma_start3A_80 = arith.constant 0 : i32
      %dma_start3A_81 = arith.constant 0 : i32
      %dma_start3A_82 = tpu.memref_slice %arg9[%dma_start3A_80, %dma_start3A_81] : memref<10112x128xf32, #tpu.memory_space<vmem_shared>> -> memref<10112x128xf32, #tpu.memory_space<vmem_shared>>
      tpu.enqueue_indirect_dma source(%arg7 : memref<128x128xf32, #tpu.memory_space<vmem>>) target(%dma_start3A_82 : memref<10112x128xf32, #tpu.memory_space<vmem_shared>>) offsets(%dma_start3A_79 : memref<128xi32, #tpu.memory_space<vmem>>) semaphore(%arg12 : memref<!tpu.dma_semaphore, #tpu.memory_space<semaphore_mem>>) {add = true}
      %gt3A = arith.constant 0 : i32
      %gt3A_83 = arith.cmpi sgt, %mul3A_70, %gt3A : i32
      %convert_element_type3A = arith.extui %gt3A_83 : i1 to i32
      %cond3A = arith.constant 0 : i32
      %cond3A_84 = arith.cmpi ne, %convert_element_type3A, %cond3A : i32
      scf.if %cond3A_84 {
        %sub3A = arith.constant 1 : i32
        %sub3A_119 = arith.subi %mul3A_70, %sub3A : i32
        %dma_wait3A_120 = arith.constant 0 : i32
        %dma_wait3A_121 = tpu.memref_slice %arg6[%sub3A_119, %dma_wait3A_120] : memref<40x128xi32, #tpu.memory_space<vmem>> -> memref<1x128xi32, #tpu.memory_space<vmem>>
        %dma_wait3A_122 = tpu.memref_squeeze %dma_wait3A_121 : memref<1x128xi32, #tpu.memory_space<vmem>> -> memref<128xi32, #tpu.memory_space<vmem>>
        %dma_wait3A_123 = arith.constant 0 : i32
        %dma_wait3A_124 = arith.constant 0 : i32
        %dma_wait3A_125 = tpu.memref_slice %arg9[%dma_wait3A_123, %dma_wait3A_124] : memref<10112x128xf32, #tpu.memory_space<vmem_shared>> -> memref<10112x128xf32, #tpu.memory_space<vmem_shared>>
        tpu.wait_indirect_dma semaphore(%arg13 : memref<!tpu.dma_semaphore, #tpu.memory_space<semaphore_mem>>) src(%arg8 : memref<128x128xf32, #tpu.memory_space<vmem>>) dst(%dma_wait3A_125 : memref<10112x128xf32, #tpu.memory_space<vmem_shared>>)
      } else {
      }
      %add3A_85 = arith.constant 1 : i32
      %add3A_86 = arith.addi %mul3A_70, %add3A_85 : i32
      %lt3A = arith.constant 40 : i32
      %lt3A_87 = arith.cmpi slt, %add3A_86, %lt3A : i32
      %convert_element_type3A_88 = arith.extui %lt3A_87 : i1 to i32
      %cond3A_89 = arith.constant 0 : i32
      %cond3A_90 = arith.cmpi ne, %convert_element_type3A_88, %cond3A_89 : i32
      scf.if %cond3A_90 {
        %add3A_119 = arith.constant 1 : i32
        %add3A_120 = arith.addi %mul3A_70, %add3A_119 : i32
        %dma_start3A_121 = arith.constant 0 : i32
        %dma_start3A_122 = tpu.memref_slice %arg5[%add3A_120, %dma_start3A_121] : memref<40x128xi32, #tpu.memory_space<vmem>> -> memref<1x128xi32, #tpu.memory_space<vmem>>
        %dma_start3A_123 = tpu.memref_squeeze %dma_start3A_122 : memref<1x128xi32, #tpu.memory_space<vmem>> -> memref<128xi32, #tpu.memory_space<vmem>>
        %dma_start3A_124 = arith.constant 0 : i32
        %dma_start3A_125 = arith.constant 0 : i32
        %dma_start3A_126 = tpu.memref_slice %arg2[%dma_start3A_124, %dma_start3A_125] : memref<10000x128xf32, #tpu.memory_space<hbm>> -> memref<10000x128xf32, #tpu.memory_space<hbm>>
        tpu.enqueue_indirect_dma source(%dma_start3A_126 : memref<10000x128xf32, #tpu.memory_space<hbm>>) target(%arg8 : memref<128x128xf32, #tpu.memory_space<vmem>>) offsets(%dma_start3A_123 : memref<128xi32, #tpu.memory_space<vmem>>) semaphore(%arg11 : memref<!tpu.dma_semaphore, #tpu.memory_space<semaphore_mem>>)
      } else {
      }
      %mul3A_91 = arith.constant 2 : i32
      %mul3A_92 = arith.muli %mul3A_91, %scan3A_68 : i32
      %add3A_93 = arith.constant 1 : i32
      %add3A_94 = arith.addi %mul3A_92, %add3A_93 : i32
      %dma_wait3A_95 = arith.constant 0 : i32
      %dma_wait3A_96 = tpu.memref_slice %arg5[%add3A_94, %dma_wait3A_95] : memref<40x128xi32, #tpu.memory_space<vmem>> -> memref<1x128xi32, #tpu.memory_space<vmem>>
      %dma_wait3A_97 = tpu.memref_squeeze %dma_wait3A_96 : memref<1x128xi32, #tpu.memory_space<vmem>> -> memref<128xi32, #tpu.memory_space<vmem>>
      %dma_wait3A_98 = arith.constant 0 : i32
      %dma_wait3A_99 = arith.constant 0 : i32
      %dma_wait3A_100 = tpu.memref_slice %arg2[%dma_wait3A_98, %dma_wait3A_99] : memref<10000x128xf32, #tpu.memory_space<hbm>> -> memref<10000x128xf32, #tpu.memory_space<hbm>>
      tpu.wait_indirect_dma semaphore(%arg11 : memref<!tpu.dma_semaphore, #tpu.memory_space<semaphore_mem>>) src(%dma_wait3A_100 : memref<10000x128xf32, #tpu.memory_space<hbm>>) dst(%arg8 : memref<128x128xf32, #tpu.memory_space<vmem>>)
      %dma_start3A_101 = arith.constant 0 : i32
      %dma_start3A_102 = tpu.memref_slice %arg6[%add3A_94, %dma_start3A_101] : memref<40x128xi32, #tpu.memory_space<vmem>> -> memref<1x128xi32, #tpu.memory_space<vmem>>
      %dma_start3A_103 = tpu.memref_squeeze %dma_start3A_102 : memref<1x128xi32, #tpu.memory_space<vmem>> -> memref<128xi32, #tpu.memory_space<vmem>>
      %dma_start3A_104 = arith.constant 0 : i32
      %dma_start3A_105 = arith.constant 0 : i32
      %dma_start3A_106 = tpu.memref_slice %arg9[%dma_start3A_104, %dma_start3A_105] : memref<10112x128xf32, #tpu.memory_space<vmem_shared>> -> memref<10112x128xf32, #tpu.memory_space<vmem_shared>>
      tpu.enqueue_indirect_dma source(%arg8 : memref<128x128xf32, #tpu.memory_space<vmem>>) target(%dma_start3A_106 : memref<10112x128xf32, #tpu.memory_space<vmem_shared>>) offsets(%dma_start3A_103 : memref<128xi32, #tpu.memory_space<vmem>>) semaphore(%arg13 : memref<!tpu.dma_semaphore, #tpu.memory_space<semaphore_mem>>) {add = true}
      %gt3A_107 = arith.constant 0 : i32
      %gt3A_108 = arith.cmpi sgt, %add3A_94, %gt3A_107 : i32
      %convert_element_type3A_109 = arith.extui %gt3A_108 : i1 to i32
      %cond3A_110 = arith.constant 0 : i32
      %cond3A_111 = arith.cmpi ne, %convert_element_type3A_109, %cond3A_110 : i32
      scf.if %cond3A_111 {
        %sub3A = arith.constant 1 : i32
        %sub3A_119 = arith.subi %add3A_94, %sub3A : i32
        %dma_wait3A_120 = arith.constant 0 : i32
        %dma_wait3A_121 = tpu.memref_slice %arg6[%sub3A_119, %dma_wait3A_120] : memref<40x128xi32, #tpu.memory_space<vmem>> -> memref<1x128xi32, #tpu.memory_space<vmem>>
        %dma_wait3A_122 = tpu.memref_squeeze %dma_wait3A_121 : memref<1x128xi32, #tpu.memory_space<vmem>> -> memref<128xi32, #tpu.memory_space<vmem>>
        %dma_wait3A_123 = arith.constant 0 : i32
        %dma_wait3A_124 = arith.constant 0 : i32
        %dma_wait3A_125 = tpu.memref_slice %arg9[%dma_wait3A_123, %dma_wait3A_124] : memref<10112x128xf32, #tpu.memory_space<vmem_shared>> -> memref<10112x128xf32, #tpu.memory_space<vmem_shared>>
        tpu.wait_indirect_dma semaphore(%arg12 : memref<!tpu.dma_semaphore, #tpu.memory_space<semaphore_mem>>) src(%arg7 : memref<128x128xf32, #tpu.memory_space<vmem>>) dst(%dma_wait3A_125 : memref<10112x128xf32, #tpu.memory_space<vmem_shared>>)
      } else {
      }
      %add3A_112 = arith.constant 1 : i32
      %add3A_113 = arith.addi %add3A_94, %add3A_112 : i32
      %lt3A_114 = arith.constant 40 : i32
      %lt3A_115 = arith.cmpi slt, %add3A_113, %lt3A_114 : i32
      %convert_element_type3A_116 = arith.extui %lt3A_115 : i1 to i32
      %cond3A_117 = arith.constant 0 : i32
      %cond3A_118 = arith.cmpi ne, %convert_element_type3A_116, %cond3A_117 : i32
      scf.if %cond3A_118 {
        %add3A_119 = arith.constant 1 : i32
        %add3A_120 = arith.addi %add3A_94, %add3A_119 : i32
        %dma_start3A_121 = arith.constant 0 : i32
        %dma_start3A_122 = tpu.memref_slice %arg5[%add3A_120, %dma_start3A_121] : memref<40x128xi32, #tpu.memory_space<vmem>> -> memref<1x128xi32, #tpu.memory_space<vmem>>
        %dma_start3A_123 = tpu.memref_squeeze %dma_start3A_122 : memref<1x128xi32, #tpu.memory_space<vmem>> -> memref<128xi32, #tpu.memory_space<vmem>>
        %dma_start3A_124 = arith.constant 0 : i32
        %dma_start3A_125 = arith.constant 0 : i32
        %dma_start3A_126 = tpu.memref_slice %arg2[%dma_start3A_124, %dma_start3A_125] : memref<10000x128xf32, #tpu.memory_space<hbm>> -> memref<10000x128xf32, #tpu.memory_space<hbm>>
        tpu.enqueue_indirect_dma source(%dma_start3A_126 : memref<10000x128xf32, #tpu.memory_space<hbm>>) target(%arg7 : memref<128x128xf32, #tpu.memory_space<vmem>>) offsets(%dma_start3A_123 : memref<128xi32, #tpu.memory_space<vmem>>) semaphore(%arg10 : memref<!tpu.dma_semaphore, #tpu.memory_space<semaphore_mem>>)
      } else {
      }
    }
    %scan3A_59 = arith.constant 20 : i32
    %dma_wait3A_60 = arith.constant 39 : i32
    %dma_wait3A_61 = arith.constant 0 : i32
    %dma_wait3A_62 = tpu.memref_slice %arg6[%dma_wait3A_60, %dma_wait3A_61] : memref<40x128xi32, #tpu.memory_space<vmem>> -> memref<1x128xi32, #tpu.memory_space<vmem>>
    %dma_wait3A_63 = tpu.memref_squeeze %dma_wait3A_62 : memref<1x128xi32, #tpu.memory_space<vmem>> -> memref<128xi32, #tpu.memory_space<vmem>>
    %dma_wait3A_64 = arith.constant 0 : i32
    %dma_wait3A_65 = arith.constant 0 : i32
    %dma_wait3A_66 = tpu.memref_slice %arg9[%dma_wait3A_64, %dma_wait3A_65] : memref<10112x128xf32, #tpu.memory_space<vmem_shared>> -> memref<10112x128xf32, #tpu.memory_space<vmem_shared>>
    tpu.wait_indirect_dma semaphore(%arg13 : memref<!tpu.dma_semaphore, #tpu.memory_space<semaphore_mem>>) src(%arg8 : memref<128x128xf32, #tpu.memory_space<vmem>>) dst(%dma_wait3A_66 : memref<10112x128xf32, #tpu.memory_space<vmem_shared>>)
    %barrier3A_67 = arith.constant 0 : index
    tpu.barrier barrier_id(%barrier3A_67)
    "tpu.region"() ({
      %run_scoped3A_68 = tpu.sem_alloc : memref<!tpu.dma_semaphore, #tpu.memory_space<semaphore_mem>>
      %dma_start3A_69 = arith.constant 0 : i32
      %dma_start3A_70 = tpu.memref_slice %arg4[%arg0, %mul3A_2, %dma_start3A_69] : memref<2x10112x128xf32, #tpu.memory_space<hbm>> -> memref<1x632x128xf32, #tpu.memory_space<hbm>>
      %dma_start3A_71 = tpu.memref_squeeze %dma_start3A_70 : memref<1x632x128xf32, #tpu.memory_space<hbm>> -> memref<632x128xf32, #tpu.memory_space<hbm>>
      %dma_start3A_72 = arith.constant 0 : i32
      %dma_start3A_73 = tpu.memref_slice %arg9[%mul3A_2, %dma_start3A_72] : memref<10112x128xf32, #tpu.memory_space<vmem_shared>> -> memref<632x128xf32, #tpu.memory_space<vmem_shared>>
      tpu.enqueue_dma source(%dma_start3A_73 : memref<632x128xf32, #tpu.memory_space<vmem_shared>>) target(%dma_start3A_71 : memref<632x128xf32, #tpu.memory_space<hbm>>) target_semaphore(%run_scoped3A_68 : memref<!tpu.dma_semaphore, #tpu.memory_space<semaphore_mem>>)
      %dma_wait3A_74 = arith.constant 0 : i32
      %dma_wait3A_75 = tpu.memref_slice %arg4[%arg0, %mul3A_2, %dma_wait3A_74] : memref<2x10112x128xf32, #tpu.memory_space<hbm>> -> memref<1x632x128xf32, #tpu.memory_space<hbm>>
      %dma_wait3A_76 = tpu.memref_squeeze %dma_wait3A_75 : memref<1x632x128xf32, #tpu.memory_space<hbm>> -> memref<632x128xf32, #tpu.memory_space<hbm>>
      %dma_wait3A_77 = arith.constant 0 : i32
      %dma_wait3A_78 = tpu.memref_slice %arg9[%mul3A_2, %dma_wait3A_77] : memref<10112x128xf32, #tpu.memory_space<vmem_shared>> -> memref<632x128xf32, #tpu.memory_space<vmem_shared>>
      tpu.wait_dma2 semaphore(%run_scoped3A_68 : memref<!tpu.dma_semaphore, #tpu.memory_space<semaphore_mem>>) src(%dma_wait3A_78 : memref<632x128xf32, #tpu.memory_space<vmem_shared>>) dst(%dma_wait3A_76 : memref<632x128xf32, #tpu.memory_space<hbm>>)
      tpu.yield
    }) : () -> ()
    return
  }
}

#map = affine_map<(d0, d1) -> (0, 0)>
#map1 = affine_map<(d0, d1) -> (0, 0, 0)>
module attributes {stable_mosaic.version = 14 : i64} {
  func.func @_sc_agg_body(%arg0: i32, %arg1: i32, %arg2: memref<10000x128xf32, #tpu.memory_space<hbm>>, %arg3: memref<2x2560x128xi32, #tpu.memory_space<hbm>>, %arg4: memref<2x10112x128xf32, #tpu.memory_space<hbm>>, %arg5: memref<40x128xi32, #tpu.memory_space<vmem>>, %arg6: memref<40x128xi32, #tpu.memory_space<vmem>>, %arg7: memref<128x128xf32, #tpu.memory_space<vmem>>, %arg8: memref<128x128xf32, #tpu.memory_space<vmem>>, %arg9: memref<10112x128xf32, #tpu.memory_space<vmem_shared>>, %arg10: memref<!tpu.dma_semaphore, #tpu.memory_space<semaphore_mem>>, %arg11: memref<!tpu.dma_semaphore, #tpu.memory_space<semaphore_mem>>, %arg12: memref<!tpu.dma_semaphore, #tpu.memory_space<semaphore_mem>>, %arg13: memref<!tpu.dma_semaphore, #tpu.memory_space<semaphore_mem>>) attributes {dimension_semantics = [#tpu.dimension_semantics<core_parallel>, #tpu.dimension_semantics<subcore_parallel>], iteration_bounds = array<i64: 2, 16>, scalar_prefetch = 0 : i64, scratch_operands = 9 : i64, tpu.core_type = #tpu.core_type<sc_vector_subcore>, window_params = [{transform_indices = #map}, {transform_indices = #map1}, {transform_indices = #map1}]} {
    %mul3A = arith.constant 16 : i32
    %mul3A_0 = arith.muli %arg0, %mul3A : i32
    %add3A = arith.addi %mul3A_0, %arg1 : i32
    %mul3A_1 = arith.constant 632 : i32
    %mul3A_2 = arith.muli %arg1, %mul3A_1 : i32
    %mul3A_3 = arith.constant 80 : i32
    %mul3A_4 = arith.muli %add3A, %mul3A_3 : i32
    %add3A_5 = arith.constant 0 : i32
    %add3A_6 = arith.addi %mul3A_4, %add3A_5 : i32
    %run_scoped3A = arith.constant 0 : i32
    "tpu.region"() ({
      %run_scoped3A_68 = tpu.sem_alloc : memref<!tpu.dma_semaphore, #tpu.memory_space<semaphore_mem>>
      %dma_start3A_69 = arith.constant 0 : i32
      %dma_start3A_70 = tpu.memref_slice %arg3[%run_scoped3A, %add3A_6, %dma_start3A_69] : memref<2x2560x128xi32, #tpu.memory_space<hbm>> -> memref<1x40x128xi32, #tpu.memory_space<hbm>>
      %dma_start3A_71 = tpu.memref_squeeze %dma_start3A_70 : memref<1x40x128xi32, #tpu.memory_space<hbm>> -> memref<40x128xi32, #tpu.memory_space<hbm>>
      %dma_start3A_72 = arith.constant 0 : i32
      %dma_start3A_73 = tpu.memref_slice %arg3[%run_scoped3A, %add3A_6, %dma_start3A_72] : memref<2x2560x128xi32, #tpu.memory_space<hbm>> -> memref<1x40x128xi32, #tpu.memory_space<hbm>>
      %dma_start3A_74 = tpu.memref_squeeze %dma_start3A_73 : memref<1x40x128xi32, #tpu.memory_space<hbm>> -> memref<40x128xi32, #tpu.memory_space<hbm>>
      tpu.enqueue_dma source(%dma_start3A_74 : memref<40x128xi32, #tpu.memory_space<hbm>>) target(%arg5 : memref<40x128xi32, #tpu.memory_space<vmem>>) target_semaphore(%run_scoped3A_68 : memref<!tpu.dma_semaphore, #tpu.memory_space<semaphore_mem>>)
      %dma_wait3A_75 = arith.constant 0 : i32
      %dma_wait3A_76 = tpu.memref_slice %arg3[%run_scoped3A, %add3A_6, %dma_wait3A_75] : memref<2x2560x128xi32, #tpu.memory_space<hbm>> -> memref<1x40x128xi32, #tpu.memory_space<hbm>>
      %dma_wait3A_77 = tpu.memref_squeeze %dma_wait3A_76 : memref<1x40x128xi32, #tpu.memory_space<hbm>> -> memref<40x128xi32, #tpu.memory_space<hbm>>
      %dma_wait3A_78 = arith.constant 0 : i32
      %dma_wait3A_79 = tpu.memref_slice %arg3[%run_scoped3A, %add3A_6, %dma_wait3A_78] : memref<2x2560x128xi32, #tpu.memory_space<hbm>> -> memref<1x40x128xi32, #tpu.memory_space<hbm>>
      %dma_wait3A_80 = tpu.memref_squeeze %dma_wait3A_79 : memref<1x40x128xi32, #tpu.memory_space<hbm>> -> memref<40x128xi32, #tpu.memory_space<hbm>>
      tpu.wait_dma2 semaphore(%run_scoped3A_68 : memref<!tpu.dma_semaphore, #tpu.memory_space<semaphore_mem>>) src(%dma_wait3A_80 : memref<40x128xi32, #tpu.memory_space<hbm>>) dst(%arg5 : memref<40x128xi32, #tpu.memory_space<vmem>>)
      tpu.yield
    }) : () -> ()
    %run_scoped3A_7 = arith.constant 1 : i32
    "tpu.region"() ({
      %run_scoped3A_68 = tpu.sem_alloc : memref<!tpu.dma_semaphore, #tpu.memory_space<semaphore_mem>>
      %dma_start3A_69 = arith.constant 0 : i32
      %dma_start3A_70 = tpu.memref_slice %arg3[%run_scoped3A_7, %add3A_6, %dma_start3A_69] : memref<2x2560x128xi32, #tpu.memory_space<hbm>> -> memref<1x40x128xi32, #tpu.memory_space<hbm>>
      %dma_start3A_71 = tpu.memref_squeeze %dma_start3A_70 : memref<1x40x128xi32, #tpu.memory_space<hbm>> -> memref<40x128xi32, #tpu.memory_space<hbm>>
      %dma_start3A_72 = arith.constant 0 : i32
      %dma_start3A_73 = tpu.memref_slice %arg3[%run_scoped3A_7, %add3A_6, %dma_start3A_72] : memref<2x2560x128xi32, #tpu.memory_space<hbm>> -> memref<1x40x128xi32, #tpu.memory_space<hbm>>
      %dma_start3A_74 = tpu.memref_squeeze %dma_start3A_73 : memref<1x40x128xi32, #tpu.memory_space<hbm>> -> memref<40x128xi32, #tpu.memory_space<hbm>>
      tpu.enqueue_dma source(%dma_start3A_74 : memref<40x128xi32, #tpu.memory_space<hbm>>) target(%arg6 : memref<40x128xi32, #tpu.memory_space<vmem>>) target_semaphore(%run_scoped3A_68 : memref<!tpu.dma_semaphore, #tpu.memory_space<semaphore_mem>>)
      %dma_wait3A_75 = arith.constant 0 : i32
      %dma_wait3A_76 = tpu.memref_slice %arg3[%run_scoped3A_7, %add3A_6, %dma_wait3A_75] : memref<2x2560x128xi32, #tpu.memory_space<hbm>> -> memref<1x40x128xi32, #tpu.memory_space<hbm>>
      %dma_wait3A_77 = tpu.memref_squeeze %dma_wait3A_76 : memref<1x40x128xi32, #tpu.memory_space<hbm>> -> memref<40x128xi32, #tpu.memory_space<hbm>>
      %dma_wait3A_78 = arith.constant 0 : i32
      %dma_wait3A_79 = tpu.memref_slice %arg3[%run_scoped3A_7, %add3A_6, %dma_wait3A_78] : memref<2x2560x128xi32, #tpu.memory_space<hbm>> -> memref<1x40x128xi32, #tpu.memory_space<hbm>>
      %dma_wait3A_80 = tpu.memref_squeeze %dma_wait3A_79 : memref<1x40x128xi32, #tpu.memory_space<hbm>> -> memref<40x128xi32, #tpu.memory_space<hbm>>
      tpu.wait_dma2 semaphore(%run_scoped3A_68 : memref<!tpu.dma_semaphore, #tpu.memory_space<semaphore_mem>>) src(%dma_wait3A_80 : memref<40x128xi32, #tpu.memory_space<hbm>>) dst(%arg6 : memref<40x128xi32, #tpu.memory_space<vmem>>)
      tpu.yield
    }) : () -> ()
    %dma_start3A = arith.constant 0 : i32
    %dma_start3A_8 = arith.constant 0 : i32
    %dma_start3A_9 = tpu.memref_slice %arg5[%dma_start3A, %dma_start3A_8] : memref<40x128xi32, #tpu.memory_space<vmem>> -> memref<1x128xi32, #tpu.memory_space<vmem>>
    %dma_start3A_10 = tpu.memref_squeeze %dma_start3A_9 : memref<1x128xi32, #tpu.memory_space<vmem>> -> memref<128xi32, #tpu.memory_space<vmem>>
    %dma_start3A_11 = arith.constant 0 : i32
    %dma_start3A_12 = arith.constant 0 : i32
    %dma_start3A_13 = tpu.memref_slice %arg2[%dma_start3A_11, %dma_start3A_12] : memref<10000x128xf32, #tpu.memory_space<hbm>> -> memref<10000x128xf32, #tpu.memory_space<hbm>>
    tpu.enqueue_indirect_dma source(%dma_start3A_13 : memref<10000x128xf32, #tpu.memory_space<hbm>>) target(%arg7 : memref<128x128xf32, #tpu.memory_space<vmem>>) offsets(%dma_start3A_10 : memref<128xi32, #tpu.memory_space<vmem>>) semaphore(%arg10 : memref<!tpu.dma_semaphore, #tpu.memory_space<semaphore_mem>>)
    %scan3A = arith.constant 0 : i32
    %scan3A_14 = arith.constant 0 : i32
    %scan3A_15 = arith.constant 128 : i32
    %scan3A_16 = arith.addi %scan3A_14, %scan3A_15 : i32
    %scan3A_17 = arith.constant 1 : i32
    scf.for %scan3A_68 = %scan3A_14 to %scan3A_16 step %scan3A_17  : i32 {
      %broadcast_in_dim3A = arith.constant 0.000000e+00 : f32
      %broadcast_in_dim3A_69 = vector.broadcast %broadcast_in_dim3A : f32 to vector<16xf32>
      %swap3A = arith.index_cast %scan3A_68 : i32 to index
      %swap3A_70 = arith.constant 0 : index
      %swap3A_71 = tpu.vector_load %arg8[%swap3A, %swap3A_70] {strides = array<i32>} : memref<128x128xf32, #tpu.memory_space<vmem>>, vector<1x16xf32>,
      %swap3A_72 = vector.shape_cast %swap3A_71 : vector<1x16xf32> to vector<16xf32>
      %swap3A_73 = vector.shape_cast %broadcast_in_dim3A_69 : vector<16xf32> to vector<1x16xf32>
      tpu.vector_store %arg8[%swap3A, %swap3A_70], %swap3A_73 {strides = array<i32>} : memref<128x128xf32, #tpu.memory_space<vmem>>, vector<1x16xf32>,
      %broadcast_in_dim3A_74 = arith.constant 0.000000e+00 : f32
      %broadcast_in_dim3A_75 = vector.broadcast %broadcast_in_dim3A_74 : f32 to vector<16xf32>
      %swap3A_76 = arith.index_cast %scan3A_68 : i32 to index
      %swap3A_77 = arith.constant 16 : index
      %swap3A_78 = tpu.vector_load %arg8[%swap3A_76, %swap3A_77] {strides = array<i32>} : memref<128x128xf32, #tpu.memory_space<vmem>>, vector<1x16xf32>,
      %swap3A_79 = vector.shape_cast %swap3A_78 : vector<1x16xf32> to vector<16xf32>
      %swap3A_80 = vector.shape_cast %broadcast_in_dim3A_75 : vector<16xf32> to vector<1x16xf32>
      tpu.vector_store %arg8[%swap3A_76, %swap3A_77], %swap3A_80 {strides = array<i32>} : memref<128x128xf32, #tpu.memory_space<vmem>>, vector<1x16xf32>,
      %broadcast_in_dim3A_81 = arith.constant 0.000000e+00 : f32
      %broadcast_in_dim3A_82 = vector.broadcast %broadcast_in_dim3A_81 : f32 to vector<16xf32>
      %swap3A_83 = arith.index_cast %scan3A_68 : i32 to index
      %swap3A_84 = arith.constant 32 : index
      %swap3A_85 = tpu.vector_load %arg8[%swap3A_83, %swap3A_84] {strides = array<i32>} : memref<128x128xf32, #tpu.memory_space<vmem>>, vector<1x16xf32>,
      %swap3A_86 = vector.shape_cast %swap3A_85 : vector<1x16xf32> to vector<16xf32>
      %swap3A_87 = vector.shape_cast %broadcast_in_dim3A_82 : vector<16xf32> to vector<1x16xf32>
      tpu.vector_store %arg8[%swap3A_83, %swap3A_84], %swap3A_87 {strides = array<i32>} : memref<128x128xf32, #tpu.memory_space<vmem>>, vector<1x16xf32>,
      %broadcast_in_dim3A_88 = arith.constant 0.000000e+00 : f32
      %broadcast_in_dim3A_89 = vector.broadcast %broadcast_in_dim3A_88 : f32 to vector<16xf32>
      %swap3A_90 = arith.index_cast %scan3A_68 : i32 to index
      %swap3A_91 = arith.constant 48 : index
      %swap3A_92 = tpu.vector_load %arg8[%swap3A_90, %swap3A_91] {strides = array<i32>} : memref<128x128xf32, #tpu.memory_space<vmem>>, vector<1x16xf32>,
      %swap3A_93 = vector.shape_cast %swap3A_92 : vector<1x16xf32> to vector<16xf32>
      %swap3A_94 = vector.shape_cast %broadcast_in_dim3A_89 : vector<16xf32> to vector<1x16xf32>
      tpu.vector_store %arg8[%swap3A_90, %swap3A_91], %swap3A_94 {strides = array<i32>} : memref<128x128xf32, #tpu.memory_space<vmem>>, vector<1x16xf32>,
      %broadcast_in_dim3A_95 = arith.constant 0.000000e+00 : f32
      %broadcast_in_dim3A_96 = vector.broadcast %broadcast_in_dim3A_95 : f32 to vector<16xf32>
      %swap3A_97 = arith.index_cast %scan3A_68 : i32 to index
      %swap3A_98 = arith.constant 64 : index
      %swap3A_99 = tpu.vector_load %arg8[%swap3A_97, %swap3A_98] {strides = array<i32>} : memref<128x128xf32, #tpu.memory_space<vmem>>, vector<1x16xf32>,
      %swap3A_100 = vector.shape_cast %swap3A_99 : vector<1x16xf32> to vector<16xf32>
      %swap3A_101 = vector.shape_cast %broadcast_in_dim3A_96 : vector<16xf32> to vector<1x16xf32>
      tpu.vector_store %arg8[%swap3A_97, %swap3A_98], %swap3A_101 {strides = array<i32>} : memref<128x128xf32, #tpu.memory_space<vmem>>, vector<1x16xf32>,
      %broadcast_in_dim3A_102 = arith.constant 0.000000e+00 : f32
      %broadcast_in_dim3A_103 = vector.broadcast %broadcast_in_dim3A_102 : f32 to vector<16xf32>
      %swap3A_104 = arith.index_cast %scan3A_68 : i32 to index
      %swap3A_105 = arith.constant 80 : index
      %swap3A_106 = tpu.vector_load %arg8[%swap3A_104, %swap3A_105] {strides = array<i32>} : memref<128x128xf32, #tpu.memory_space<vmem>>, vector<1x16xf32>,
      %swap3A_107 = vector.shape_cast %swap3A_106 : vector<1x16xf32> to vector<16xf32>
      %swap3A_108 = vector.shape_cast %broadcast_in_dim3A_103 : vector<16xf32> to vector<1x16xf32>
      tpu.vector_store %arg8[%swap3A_104, %swap3A_105], %swap3A_108 {strides = array<i32>} : memref<128x128xf32, #tpu.memory_space<vmem>>, vector<1x16xf32>,
      %broadcast_in_dim3A_109 = arith.constant 0.000000e+00 : f32
      %broadcast_in_dim3A_110 = vector.broadcast %broadcast_in_dim3A_109 : f32 to vector<16xf32>
      %swap3A_111 = arith.index_cast %scan3A_68 : i32 to index
      %swap3A_112 = arith.constant 96 : index
      %swap3A_113 = tpu.vector_load %arg8[%swap3A_111, %swap3A_112] {strides = array<i32>} : memref<128x128xf32, #tpu.memory_space<vmem>>, vector<1x16xf32>,
      %swap3A_114 = vector.shape_cast %swap3A_113 : vector<1x16xf32> to vector<16xf32>
      %swap3A_115 = vector.shape_cast %broadcast_in_dim3A_110 : vector<16xf32> to vector<1x16xf32>
      tpu.vector_store %arg8[%swap3A_111, %swap3A_112], %swap3A_115 {strides = array<i32>} : memref<128x128xf32, #tpu.memory_space<vmem>>, vector<1x16xf32>,
      %broadcast_in_dim3A_116 = arith.constant 0.000000e+00 : f32
      %broadcast_in_dim3A_117 = vector.broadcast %broadcast_in_dim3A_116 : f32 to vector<16xf32>
      %swap3A_118 = arith.index_cast %scan3A_68 : i32 to index
      %swap3A_119 = arith.constant 112 : index
      %swap3A_120 = tpu.vector_load %arg8[%swap3A_118, %swap3A_119] {strides = array<i32>} : memref<128x128xf32, #tpu.memory_space<vmem>>, vector<1x16xf32>,
      %swap3A_121 = vector.shape_cast %swap3A_120 : vector<1x16xf32> to vector<16xf32>
      %swap3A_122 = vector.shape_cast %broadcast_in_dim3A_117 : vector<16xf32> to vector<1x16xf32>
      tpu.vector_store %arg8[%swap3A_118, %swap3A_119], %swap3A_122 {strides = array<i32>} : memref<128x128xf32, #tpu.memory_space<vmem>>, vector<1x16xf32>,
    }
    %scan3A_18 = arith.constant 128 : i32
    %add3A_19 = arith.constant 0 : i32
    %add3A_20 = arith.addi %mul3A_2, %add3A_19 : i32
    "tpu.region"() ({
      %run_scoped3A_68 = tpu.sem_alloc : memref<!tpu.dma_semaphore, #tpu.memory_space<semaphore_mem>>
      %dma_start3A_69 = arith.constant 0 : i32
      %dma_start3A_70 = tpu.memref_slice %arg9[%add3A_20, %dma_start3A_69] : memref<10112x128xf32, #tpu.memory_space<vmem_shared>> -> memref<128x128xf32, #tpu.memory_space<vmem_shared>>
      %dma_start3A_71 = arith.constant 0 : i32
      %dma_start3A_72 = tpu.memref_slice %arg9[%add3A_20, %dma_start3A_71] : memref<10112x128xf32, #tpu.memory_space<vmem_shared>> -> memref<128x128xf32, #tpu.memory_space<vmem_shared>>
      tpu.enqueue_dma source(%arg8 : memref<128x128xf32, #tpu.memory_space<vmem>>) target(%dma_start3A_72 : memref<128x128xf32, #tpu.memory_space<vmem_shared>>) target_semaphore(%run_scoped3A_68 : memref<!tpu.dma_semaphore, #tpu.memory_space<semaphore_mem>>)
      %dma_wait3A_73 = arith.constant 0 : i32
      %dma_wait3A_74 = tpu.memref_slice %arg9[%add3A_20, %dma_wait3A_73] : memref<10112x128xf32, #tpu.memory_space<vmem_shared>> -> memref<128x128xf32, #tpu.memory_space<vmem_shared>>
      %dma_wait3A_75 = arith.constant 0 : i32
      %dma_wait3A_76 = tpu.memref_slice %arg9[%add3A_20, %dma_wait3A_75] : memref<10112x128xf32, #tpu.memory_space<vmem_shared>> -> memref<128x128xf32, #tpu.memory_space<vmem_shared>>
      tpu.wait_dma2 semaphore(%run_scoped3A_68 : memref<!tpu.dma_semaphore, #tpu.memory_space<semaphore_mem>>) src(%arg8 : memref<128x128xf32, #tpu.memory_space<vmem>>) dst(%dma_wait3A_76 : memref<128x128xf32, #tpu.memory_space<vmem_shared>>)
      tpu.yield
    }) : () -> ()
    %add3A_21 = arith.constant 128 : i32
    %add3A_22 = arith.addi %mul3A_2, %add3A_21 : i32
    "tpu.region"() ({
      %run_scoped3A_68 = tpu.sem_alloc : memref<!tpu.dma_semaphore, #tpu.memory_space<semaphore_mem>>
      %dma_start3A_69 = arith.constant 0 : i32
      %dma_start3A_70 = tpu.memref_slice %arg9[%add3A_22, %dma_start3A_69] : memref<10112x128xf32, #tpu.memory_space<vmem_shared>> -> memref<128x128xf32, #tpu.memory_space<vmem_shared>>
      %dma_start3A_71 = arith.constant 0 : i32
      %dma_start3A_72 = tpu.memref_slice %arg9[%add3A_22, %dma_start3A_71] : memref<10112x128xf32, #tpu.memory_space<vmem_shared>> -> memref<128x128xf32, #tpu.memory_space<vmem_shared>>
      tpu.enqueue_dma source(%arg8 : memref<128x128xf32, #tpu.memory_space<vmem>>) target(%dma_start3A_72 : memref<128x128xf32, #tpu.memory_space<vmem_shared>>) target_semaphore(%run_scoped3A_68 : memref<!tpu.dma_semaphore, #tpu.memory_space<semaphore_mem>>)
      %dma_wait3A_73 = arith.constant 0 : i32
      %dma_wait3A_74 = tpu.memref_slice %arg9[%add3A_22, %dma_wait3A_73] : memref<10112x128xf32, #tpu.memory_space<vmem_shared>> -> memref<128x128xf32, #tpu.memory_space<vmem_shared>>
      %dma_wait3A_75 = arith.constant 0 : i32
      %dma_wait3A_76 = tpu.memref_slice %arg9[%add3A_22, %dma_wait3A_75] : memref<10112x128xf32, #tpu.memory_space<vmem_shared>> -> memref<128x128xf32, #tpu.memory_space<vmem_shared>>
      tpu.wait_dma2 semaphore(%run_scoped3A_68 : memref<!tpu.dma_semaphore, #tpu.memory_space<semaphore_mem>>) src(%arg8 : memref<128x128xf32, #tpu.memory_space<vmem>>) dst(%dma_wait3A_76 : memref<128x128xf32, #tpu.memory_space<vmem_shared>>)
      tpu.yield
    }) : () -> ()
    %add3A_23 = arith.constant 256 : i32
    %add3A_24 = arith.addi %mul3A_2, %add3A_23 : i32
    "tpu.region"() ({
      %run_scoped3A_68 = tpu.sem_alloc : memref<!tpu.dma_semaphore, #tpu.memory_space<semaphore_mem>>
      %dma_start3A_69 = arith.constant 0 : i32
      %dma_start3A_70 = tpu.memref_slice %arg9[%add3A_24, %dma_start3A_69] : memref<10112x128xf32, #tpu.memory_space<vmem_shared>> -> memref<128x128xf32, #tpu.memory_space<vmem_shared>>
      %dma_start3A_71 = arith.constant 0 : i32
      %dma_start3A_72 = tpu.memref_slice %arg9[%add3A_24, %dma_start3A_71] : memref<10112x128xf32, #tpu.memory_space<vmem_shared>> -> memref<128x128xf32, #tpu.memory_space<vmem_shared>>
      tpu.enqueue_dma source(%arg8 : memref<128x128xf32, #tpu.memory_space<vmem>>) target(%dma_start3A_72 : memref<128x128xf32, #tpu.memory_space<vmem_shared>>) target_semaphore(%run_scoped3A_68 : memref<!tpu.dma_semaphore, #tpu.memory_space<semaphore_mem>>)
      %dma_wait3A_73 = arith.constant 0 : i32
      %dma_wait3A_74 = tpu.memref_slice %arg9[%add3A_24, %dma_wait3A_73] : memref<10112x128xf32, #tpu.memory_space<vmem_shared>> -> memref<128x128xf32, #tpu.memory_space<vmem_shared>>
      %dma_wait3A_75 = arith.constant 0 : i32
      %dma_wait3A_76 = tpu.memref_slice %arg9[%add3A_24, %dma_wait3A_75] : memref<10112x128xf32, #tpu.memory_space<vmem_shared>> -> memref<128x128xf32, #tpu.memory_space<vmem_shared>>
      tpu.wait_dma2 semaphore(%run_scoped3A_68 : memref<!tpu.dma_semaphore, #tpu.memory_space<semaphore_mem>>) src(%arg8 : memref<128x128xf32, #tpu.memory_space<vmem>>) dst(%dma_wait3A_76 : memref<128x128xf32, #tpu.memory_space<vmem_shared>>)
      tpu.yield
    }) : () -> ()
    %add3A_25 = arith.constant 384 : i32
    %add3A_26 = arith.addi %mul3A_2, %add3A_25 : i32
    "tpu.region"() ({
      %run_scoped3A_68 = tpu.sem_alloc : memref<!tpu.dma_semaphore, #tpu.memory_space<semaphore_mem>>
      %dma_start3A_69 = arith.constant 0 : i32
      %dma_start3A_70 = tpu.memref_slice %arg9[%add3A_26, %dma_start3A_69] : memref<10112x128xf32, #tpu.memory_space<vmem_shared>> -> memref<128x128xf32, #tpu.memory_space<vmem_shared>>
      %dma_start3A_71 = arith.constant 0 : i32
      %dma_start3A_72 = tpu.memref_slice %arg9[%add3A_26, %dma_start3A_71] : memref<10112x128xf32, #tpu.memory_space<vmem_shared>> -> memref<128x128xf32, #tpu.memory_space<vmem_shared>>
      tpu.enqueue_dma source(%arg8 : memref<128x128xf32, #tpu.memory_space<vmem>>) target(%dma_start3A_72 : memref<128x128xf32, #tpu.memory_space<vmem_shared>>) target_semaphore(%run_scoped3A_68 : memref<!tpu.dma_semaphore, #tpu.memory_space<semaphore_mem>>)
      %dma_wait3A_73 = arith.constant 0 : i32
      %dma_wait3A_74 = tpu.memref_slice %arg9[%add3A_26, %dma_wait3A_73] : memref<10112x128xf32, #tpu.memory_space<vmem_shared>> -> memref<128x128xf32, #tpu.memory_space<vmem_shared>>
      %dma_wait3A_75 = arith.constant 0 : i32
      %dma_wait3A_76 = tpu.memref_slice %arg9[%add3A_26, %dma_wait3A_75] : memref<10112x128xf32, #tpu.memory_space<vmem_shared>> -> memref<128x128xf32, #tpu.memory_space<vmem_shared>>
      tpu.wait_dma2 semaphore(%run_scoped3A_68 : memref<!tpu.dma_semaphore, #tpu.memory_space<semaphore_mem>>) src(%arg8 : memref<128x128xf32, #tpu.memory_space<vmem>>) dst(%dma_wait3A_76 : memref<128x128xf32, #tpu.memory_space<vmem_shared>>)
      tpu.yield
    }) : () -> ()
    %add3A_27 = arith.constant 512 : i32
    %add3A_28 = arith.addi %mul3A_2, %add3A_27 : i32
    "tpu.region"() ({
      %run_scoped3A_68 = tpu.sem_alloc : memref<!tpu.dma_semaphore, #tpu.memory_space<semaphore_mem>>
      %dma_start3A_69 = arith.constant 0 : i32
      %dma_start3A_70 = arith.constant 0 : i32
      %dma_start3A_71 = tpu.memref_slice %arg8[%dma_start3A_69, %dma_start3A_70] : memref<128x128xf32, #tpu.memory_space<vmem>> -> memref<120x128xf32, #tpu.memory_space<vmem>>
      %dma_start3A_72 = arith.constant 0 : i32
      %dma_start3A_73 = tpu.memref_slice %arg9[%add3A_28, %dma_start3A_72] : memref<10112x128xf32, #tpu.memory_space<vmem_shared>> -> memref<120x128xf32, #tpu.memory_space<vmem_shared>>
      %dma_start3A_74 = arith.constant 0 : i32
      %dma_start3A_75 = tpu.memref_slice %arg9[%add3A_28, %dma_start3A_74] : memref<10112x128xf32, #tpu.memory_space<vmem_shared>> -> memref<120x128xf32, #tpu.memory_space<vmem_shared>>
      %dma_start3A_76 = arith.constant 0 : i32
      %dma_start3A_77 = arith.constant 0 : i32
      %dma_start3A_78 = tpu.memref_slice %arg8[%dma_start3A_76, %dma_start3A_77] : memref<128x128xf32, #tpu.memory_space<vmem>> -> memref<120x128xf32, #tpu.memory_space<vmem>>
      tpu.enqueue_dma source(%dma_start3A_78 : memref<120x128xf32, #tpu.memory_space<vmem>>) target(%dma_start3A_75 : memref<120x128xf32, #tpu.memory_space<vmem_shared>>) target_semaphore(%run_scoped3A_68 : memref<!tpu.dma_semaphore, #tpu.memory_space<semaphore_mem>>)
      %dma_wait3A_79 = arith.constant 0 : i32
      %dma_wait3A_80 = arith.constant 0 : i32
      %dma_wait3A_81 = tpu.memref_slice %arg8[%dma_wait3A_79, %dma_wait3A_80] : memref<128x128xf32, #tpu.memory_space<vmem>> -> memref<120x128xf32, #tpu.memory_space<vmem>>
      %dma_wait3A_82 = arith.constant 0 : i32
      %dma_wait3A_83 = tpu.memref_slice %arg9[%add3A_28, %dma_wait3A_82] : memref<10112x128xf32, #tpu.memory_space<vmem_shared>> -> memref<120x128xf32, #tpu.memory_space<vmem_shared>>
      %dma_wait3A_84 = arith.constant 0 : i32
      %dma_wait3A_85 = tpu.memref_slice %arg9[%add3A_28, %dma_wait3A_84] : memref<10112x128xf32, #tpu.memory_space<vmem_shared>> -> memref<120x128xf32, #tpu.memory_space<vmem_shared>>
      %dma_wait3A_86 = arith.constant 0 : i32
      %dma_wait3A_87 = arith.constant 0 : i32
      %dma_wait3A_88 = tpu.memref_slice %arg8[%dma_wait3A_86, %dma_wait3A_87] : memref<128x128xf32, #tpu.memory_space<vmem>> -> memref<120x128xf32, #tpu.memory_space<vmem>>
      tpu.wait_dma2 semaphore(%run_scoped3A_68 : memref<!tpu.dma_semaphore, #tpu.memory_space<semaphore_mem>>) src(%dma_wait3A_88 : memref<120x128xf32, #tpu.memory_space<vmem>>) dst(%dma_wait3A_85 : memref<120x128xf32, #tpu.memory_space<vmem_shared>>)
      tpu.yield
    }) : () -> ()
    %barrier3A = arith.constant 0 : index
    tpu.barrier barrier_id(%barrier3A)
    %scan3A_29 = arith.constant 0 : i32
    %scan3A_30 = arith.constant 0 : i32
    %scan3A_31 = arith.constant 20 : i32
    %scan3A_32 = arith.addi %scan3A_30, %scan3A_31 : i32
    %scan3A_33 = arith.constant 1 : i32
    scf.for %scan3A_68 = %scan3A_30 to %scan3A_32 step %scan3A_33  : i32 {
      %mul3A_69 = arith.constant 2 : i32
      %mul3A_70 = arith.muli %mul3A_69, %scan3A_68 : i32
      %dma_wait3A_71 = arith.constant 0 : i32
      %dma_wait3A_72 = tpu.memref_slice %arg5[%mul3A_70, %dma_wait3A_71] : memref<40x128xi32, #tpu.memory_space<vmem>> -> memref<1x128xi32, #tpu.memory_space<vmem>>
      %dma_wait3A_73 = tpu.memref_squeeze %dma_wait3A_72 : memref<1x128xi32, #tpu.memory_space<vmem>> -> memref<128xi32, #tpu.memory_space<vmem>>
      %dma_wait3A_74 = arith.constant 0 : i32
      %dma_wait3A_75 = arith.constant 0 : i32
      %dma_wait3A_76 = tpu.memref_slice %arg2[%dma_wait3A_74, %dma_wait3A_75] : memref<10000x128xf32, #tpu.memory_space<hbm>> -> memref<10000x128xf32, #tpu.memory_space<hbm>>
      tpu.wait_indirect_dma semaphore(%arg10 : memref<!tpu.dma_semaphore, #tpu.memory_space<semaphore_mem>>) src(%dma_wait3A_76 : memref<10000x128xf32, #tpu.memory_space<hbm>>) dst(%arg7 : memref<128x128xf32, #tpu.memory_space<vmem>>)
      %dma_start3A_77 = arith.constant 0 : i32
      %dma_start3A_78 = tpu.memref_slice %arg6[%mul3A_70, %dma_start3A_77] : memref<40x128xi32, #tpu.memory_space<vmem>> -> memref<1x128xi32, #tpu.memory_space<vmem>>
      %dma_start3A_79 = tpu.memref_squeeze %dma_start3A_78 : memref<1x128xi32, #tpu.memory_space<vmem>> -> memref<128xi32, #tpu.memory_space<vmem>>
      %dma_start3A_80 = arith.constant 0 : i32
      %dma_start3A_81 = arith.constant 0 : i32
      %dma_start3A_82 = tpu.memref_slice %arg9[%dma_start3A_80, %dma_start3A_81] : memref<10112x128xf32, #tpu.memory_space<vmem_shared>> -> memref<10112x128xf32, #tpu.memory_space<vmem_shared>>
      tpu.enqueue_indirect_dma source(%arg7 : memref<128x128xf32, #tpu.memory_space<vmem>>) target(%dma_start3A_82 : memref<10112x128xf32, #tpu.memory_space<vmem_shared>>) offsets(%dma_start3A_79 : memref<128xi32, #tpu.memory_space<vmem>>) semaphore(%arg12 : memref<!tpu.dma_semaphore, #tpu.memory_space<semaphore_mem>>) {add = true}
      %gt3A = arith.constant 0 : i32
      %gt3A_83 = arith.cmpi sgt, %mul3A_70, %gt3A : i32
      %convert_element_type3A = arith.extui %gt3A_83 : i1 to i32
      %cond3A = arith.constant 0 : i32
      %cond3A_84 = arith.cmpi ne, %convert_element_type3A, %cond3A : i32
      scf.if %cond3A_84 {
        %sub3A = arith.constant 1 : i32
        %sub3A_119 = arith.subi %mul3A_70, %sub3A : i32
        %dma_wait3A_120 = arith.constant 0 : i32
        %dma_wait3A_121 = tpu.memref_slice %arg6[%sub3A_119, %dma_wait3A_120] : memref<40x128xi32, #tpu.memory_space<vmem>> -> memref<1x128xi32, #tpu.memory_space<vmem>>
        %dma_wait3A_122 = tpu.memref_squeeze %dma_wait3A_121 : memref<1x128xi32, #tpu.memory_space<vmem>> -> memref<128xi32, #tpu.memory_space<vmem>>
        %dma_wait3A_123 = arith.constant 0 : i32
        %dma_wait3A_124 = arith.constant 0 : i32
        %dma_wait3A_125 = tpu.memref_slice %arg9[%dma_wait3A_123, %dma_wait3A_124] : memref<10112x128xf32, #tpu.memory_space<vmem_shared>> -> memref<10112x128xf32, #tpu.memory_space<vmem_shared>>
        tpu.wait_indirect_dma semaphore(%arg13 : memref<!tpu.dma_semaphore, #tpu.memory_space<semaphore_mem>>) src(%arg8 : memref<128x128xf32, #tpu.memory_space<vmem>>) dst(%dma_wait3A_125 : memref<10112x128xf32, #tpu.memory_space<vmem_shared>>)
      } else {
      }
      %add3A_85 = arith.constant 1 : i32
      %add3A_86 = arith.addi %mul3A_70, %add3A_85 : i32
      %lt3A = arith.constant 40 : i32
      %lt3A_87 = arith.cmpi slt, %add3A_86, %lt3A : i32
      %convert_element_type3A_88 = arith.extui %lt3A_87 : i1 to i32
      %cond3A_89 = arith.constant 0 : i32
      %cond3A_90 = arith.cmpi ne, %convert_element_type3A_88, %cond3A_89 : i32
      scf.if %cond3A_90 {
        %add3A_119 = arith.constant 1 : i32
        %add3A_120 = arith.addi %mul3A_70, %add3A_119 : i32
        %dma_start3A_121 = arith.constant 0 : i32
        %dma_start3A_122 = tpu.memref_slice %arg5[%add3A_120, %dma_start3A_121] : memref<40x128xi32, #tpu.memory_space<vmem>> -> memref<1x128xi32, #tpu.memory_space<vmem>>
        %dma_start3A_123 = tpu.memref_squeeze %dma_start3A_122 : memref<1x128xi32, #tpu.memory_space<vmem>> -> memref<128xi32, #tpu.memory_space<vmem>>
        %dma_start3A_124 = arith.constant 0 : i32
        %dma_start3A_125 = arith.constant 0 : i32
        %dma_start3A_126 = tpu.memref_slice %arg2[%dma_start3A_124, %dma_start3A_125] : memref<10000x128xf32, #tpu.memory_space<hbm>> -> memref<10000x128xf32, #tpu.memory_space<hbm>>
        tpu.enqueue_indirect_dma source(%dma_start3A_126 : memref<10000x128xf32, #tpu.memory_space<hbm>>) target(%arg8 : memref<128x128xf32, #tpu.memory_space<vmem>>) offsets(%dma_start3A_123 : memref<128xi32, #tpu.memory_space<vmem>>) semaphore(%arg11 : memref<!tpu.dma_semaphore, #tpu.memory_space<semaphore_mem>>)
      } else {
      }
      %mul3A_91 = arith.constant 2 : i32
      %mul3A_92 = arith.muli %mul3A_91, %scan3A_68 : i32
      %add3A_93 = arith.constant 1 : i32
      %add3A_94 = arith.addi %mul3A_92, %add3A_93 : i32
      %dma_wait3A_95 = arith.constant 0 : i32
      %dma_wait3A_96 = tpu.memref_slice %arg5[%add3A_94, %dma_wait3A_95] : memref<40x128xi32, #tpu.memory_space<vmem>> -> memref<1x128xi32, #tpu.memory_space<vmem>>
      %dma_wait3A_97 = tpu.memref_squeeze %dma_wait3A_96 : memref<1x128xi32, #tpu.memory_space<vmem>> -> memref<128xi32, #tpu.memory_space<vmem>>
      %dma_wait3A_98 = arith.constant 0 : i32
      %dma_wait3A_99 = arith.constant 0 : i32
      %dma_wait3A_100 = tpu.memref_slice %arg2[%dma_wait3A_98, %dma_wait3A_99] : memref<10000x128xf32, #tpu.memory_space<hbm>> -> memref<10000x128xf32, #tpu.memory_space<hbm>>
      tpu.wait_indirect_dma semaphore(%arg11 : memref<!tpu.dma_semaphore, #tpu.memory_space<semaphore_mem>>) src(%dma_wait3A_100 : memref<10000x128xf32, #tpu.memory_space<hbm>>) dst(%arg8 : memref<128x128xf32, #tpu.memory_space<vmem>>)
      %dma_start3A_101 = arith.constant 0 : i32
      %dma_start3A_102 = tpu.memref_slice %arg6[%add3A_94, %dma_start3A_101] : memref<40x128xi32, #tpu.memory_space<vmem>> -> memref<1x128xi32, #tpu.memory_space<vmem>>
      %dma_start3A_103 = tpu.memref_squeeze %dma_start3A_102 : memref<1x128xi32, #tpu.memory_space<vmem>> -> memref<128xi32, #tpu.memory_space<vmem>>
      %dma_start3A_104 = arith.constant 0 : i32
      %dma_start3A_105 = arith.constant 0 : i32
      %dma_start3A_106 = tpu.memref_slice %arg9[%dma_start3A_104, %dma_start3A_105] : memref<10112x128xf32, #tpu.memory_space<vmem_shared>> -> memref<10112x128xf32, #tpu.memory_space<vmem_shared>>
      tpu.enqueue_indirect_dma source(%arg8 : memref<128x128xf32, #tpu.memory_space<vmem>>) target(%dma_start3A_106 : memref<10112x128xf32, #tpu.memory_space<vmem_shared>>) offsets(%dma_start3A_103 : memref<128xi32, #tpu.memory_space<vmem>>) semaphore(%arg13 : memref<!tpu.dma_semaphore, #tpu.memory_space<semaphore_mem>>) {add = true}
      %gt3A_107 = arith.constant 0 : i32
      %gt3A_108 = arith.cmpi sgt, %add3A_94, %gt3A_107 : i32
      %convert_element_type3A_109 = arith.extui %gt3A_108 : i1 to i32
      %cond3A_110 = arith.constant 0 : i32
      %cond3A_111 = arith.cmpi ne, %convert_element_type3A_109, %cond3A_110 : i32
      scf.if %cond3A_111 {
        %sub3A = arith.constant 1 : i32
        %sub3A_119 = arith.subi %add3A_94, %sub3A : i32
        %dma_wait3A_120 = arith.constant 0 : i32
        %dma_wait3A_121 = tpu.memref_slice %arg6[%sub3A_119, %dma_wait3A_120] : memref<40x128xi32, #tpu.memory_space<vmem>> -> memref<1x128xi32, #tpu.memory_space<vmem>>
        %dma_wait3A_122 = tpu.memref_squeeze %dma_wait3A_121 : memref<1x128xi32, #tpu.memory_space<vmem>> -> memref<128xi32, #tpu.memory_space<vmem>>
        %dma_wait3A_123 = arith.constant 0 : i32
        %dma_wait3A_124 = arith.constant 0 : i32
        %dma_wait3A_125 = tpu.memref_slice %arg9[%dma_wait3A_123, %dma_wait3A_124] : memref<10112x128xf32, #tpu.memory_space<vmem_shared>> -> memref<10112x128xf32, #tpu.memory_space<vmem_shared>>
        tpu.wait_indirect_dma semaphore(%arg12 : memref<!tpu.dma_semaphore, #tpu.memory_space<semaphore_mem>>) src(%arg7 : memref<128x128xf32, #tpu.memory_space<vmem>>) dst(%dma_wait3A_125 : memref<10112x128xf32, #tpu.memory_space<vmem_shared>>)
      } else {
      }
      %add3A_112 = arith.constant 1 : i32
      %add3A_113 = arith.addi %add3A_94, %add3A_112 : i32
      %lt3A_114 = arith.constant 40 : i32
      %lt3A_115 = arith.cmpi slt, %add3A_113, %lt3A_114 : i32
      %convert_element_type3A_116 = arith.extui %lt3A_115 : i1 to i32
      %cond3A_117 = arith.constant 0 : i32
      %cond3A_118 = arith.cmpi ne, %convert_element_type3A_116, %cond3A_117 : i32
      scf.if %cond3A_118 {
        %add3A_119 = arith.constant 1 : i32
        %add3A_120 = arith.addi %add3A_94, %add3A_119 : i32
        %dma_start3A_121 = arith.constant 0 : i32
        %dma_start3A_122 = tpu.memref_slice %arg5[%add3A_120, %dma_start3A_121] : memref<40x128xi32, #tpu.memory_space<vmem>> -> memref<1x128xi32, #tpu.memory_space<vmem>>
        %dma_start3A_123 = tpu.memref_squeeze %dma_start3A_122 : memref<1x128xi32, #tpu.memory_space<vmem>> -> memref<128xi32, #tpu.memory_space<vmem>>
        %dma_start3A_124 = arith.constant 0 : i32
        %dma_start3A_125 = arith.constant 0 : i32
        %dma_start3A_126 = tpu.memref_slice %arg2[%dma_start3A_124, %dma_start3A_125] : memref<10000x128xf32, #tpu.memory_space<hbm>> -> memref<10000x128xf32, #tpu.memory_space<hbm>>
        tpu.enqueue_indirect_dma source(%dma_start3A_126 : memref<10000x128xf32, #tpu.memory_space<hbm>>) target(%arg7 : memref<128x128xf32, #tpu.memory_space<vmem>>) offsets(%dma_start3A_123 : memref<128xi32, #tpu.memory_space<vmem>>) semaphore(%arg10 : memref<!tpu.dma_semaphore, #tpu.memory_space<semaphore_mem>>)
      } else {
      }
    }
    %scan3A_34 = arith.constant 20 : i32
    %dma_wait3A = arith.constant 39 : i32
    %dma_wait3A_35 = arith.constant 0 : i32
    %dma_wait3A_36 = tpu.memref_slice %arg6[%dma_wait3A, %dma_wait3A_35] : memref<40x128xi32, #tpu.memory_space<vmem>> -> memref<1x128xi32, #tpu.memory_space<vmem>>
    %dma_wait3A_37 = tpu.memref_squeeze %dma_wait3A_36 : memref<1x128xi32, #tpu.memory_space<vmem>> -> memref<128xi32, #tpu.memory_space<vmem>>
    %dma_wait3A_38 = arith.constant 0 : i32
    %dma_wait3A_39 = arith.constant 0 : i32
    %dma_wait3A_40 = tpu.memref_slice %arg9[%dma_wait3A_38, %dma_wait3A_39] : memref<10112x128xf32, #tpu.memory_space<vmem_shared>> -> memref<10112x128xf32, #tpu.memory_space<vmem_shared>>
    tpu.wait_indirect_dma semaphore(%arg13 : memref<!tpu.dma_semaphore, #tpu.memory_space<semaphore_mem>>) src(%arg8 : memref<128x128xf32, #tpu.memory_space<vmem>>) dst(%dma_wait3A_40 : memref<10112x128xf32, #tpu.memory_space<vmem_shared>>)
    %mul3A_41 = arith.constant 80 : i32
    %mul3A_42 = arith.muli %add3A, %mul3A_41 : i32
    %add3A_43 = arith.constant 40 : i32
    %add3A_44 = arith.addi %mul3A_42, %add3A_43 : i32
    %run_scoped3A_45 = arith.constant 0 : i32
    "tpu.region"() ({
      %run_scoped3A_68 = tpu.sem_alloc : memref<!tpu.dma_semaphore, #tpu.memory_space<semaphore_mem>>
      %dma_start3A_69 = arith.constant 0 : i32
      %dma_start3A_70 = tpu.memref_slice %arg3[%run_scoped3A_45, %add3A_44, %dma_start3A_69] : memref<2x2560x128xi32, #tpu.memory_space<hbm>> -> memref<1x40x128xi32, #tpu.memory_space<hbm>>
      %dma_start3A_71 = tpu.memref_squeeze %dma_start3A_70 : memref<1x40x128xi32, #tpu.memory_space<hbm>> -> memref<40x128xi32, #tpu.memory_space<hbm>>
      %dma_start3A_72 = arith.constant 0 : i32
      %dma_start3A_73 = tpu.memref_slice %arg3[%run_scoped3A_45, %add3A_44, %dma_start3A_72] : memref<2x2560x128xi32, #tpu.memory_space<hbm>> -> memref<1x40x128xi32, #tpu.memory_space<hbm>>
      %dma_start3A_74 = tpu.memref_squeeze %dma_start3A_73 : memref<1x40x128xi32, #tpu.memory_space<hbm>> -> memref<40x128xi32, #tpu.memory_space<hbm>>
      tpu.enqueue_dma source(%dma_start3A_74 : memref<40x128xi32, #tpu.memory_space<hbm>>) target(%arg5 : memref<40x128xi32, #tpu.memory_space<vmem>>) target_semaphore(%run_scoped3A_68 : memref<!tpu.dma_semaphore, #tpu.memory_space<semaphore_mem>>)
      %dma_wait3A_75 = arith.constant 0 : i32
      %dma_wait3A_76 = tpu.memref_slice %arg3[%run_scoped3A_45, %add3A_44, %dma_wait3A_75] : memref<2x2560x128xi32, #tpu.memory_space<hbm>> -> memref<1x40x128xi32, #tpu.memory_space<hbm>>
      %dma_wait3A_77 = tpu.memref_squeeze %dma_wait3A_76 : memref<1x40x128xi32, #tpu.memory_space<hbm>> -> memref<40x128xi32, #tpu.memory_space<hbm>>
      %dma_wait3A_78 = arith.constant 0 : i32
      %dma_wait3A_79 = tpu.memref_slice %arg3[%run_scoped3A_45, %add3A_44, %dma_wait3A_78] : memref<2x2560x128xi32, #tpu.memory_space<hbm>> -> memref<1x40x128xi32, #tpu.memory_space<hbm>>
      %dma_wait3A_80 = tpu.memref_squeeze %dma_wait3A_79 : memref<1x40x128xi32, #tpu.memory_space<hbm>> -> memref<40x128xi32, #tpu.memory_space<hbm>>
      tpu.wait_dma2 semaphore(%run_scoped3A_68 : memref<!tpu.dma_semaphore, #tpu.memory_space<semaphore_mem>>) src(%dma_wait3A_80 : memref<40x128xi32, #tpu.memory_space<hbm>>) dst(%arg5 : memref<40x128xi32, #tpu.memory_space<vmem>>)
      tpu.yield
    }) : () -> ()
    %run_scoped3A_46 = arith.constant 1 : i32
    "tpu.region"() ({
      %run_scoped3A_68 = tpu.sem_alloc : memref<!tpu.dma_semaphore, #tpu.memory_space<semaphore_mem>>
      %dma_start3A_69 = arith.constant 0 : i32
      %dma_start3A_70 = tpu.memref_slice %arg3[%run_scoped3A_46, %add3A_44, %dma_start3A_69] : memref<2x2560x128xi32, #tpu.memory_space<hbm>> -> memref<1x40x128xi32, #tpu.memory_space<hbm>>
      %dma_start3A_71 = tpu.memref_squeeze %dma_start3A_70 : memref<1x40x128xi32, #tpu.memory_space<hbm>> -> memref<40x128xi32, #tpu.memory_space<hbm>>
      %dma_start3A_72 = arith.constant 0 : i32
      %dma_start3A_73 = tpu.memref_slice %arg3[%run_scoped3A_46, %add3A_44, %dma_start3A_72] : memref<2x2560x128xi32, #tpu.memory_space<hbm>> -> memref<1x40x128xi32, #tpu.memory_space<hbm>>
      %dma_start3A_74 = tpu.memref_squeeze %dma_start3A_73 : memref<1x40x128xi32, #tpu.memory_space<hbm>> -> memref<40x128xi32, #tpu.memory_space<hbm>>
      tpu.enqueue_dma source(%dma_start3A_74 : memref<40x128xi32, #tpu.memory_space<hbm>>) target(%arg6 : memref<40x128xi32, #tpu.memory_space<vmem>>) target_semaphore(%run_scoped3A_68 : memref<!tpu.dma_semaphore, #tpu.memory_space<semaphore_mem>>)
      %dma_wait3A_75 = arith.constant 0 : i32
      %dma_wait3A_76 = tpu.memref_slice %arg3[%run_scoped3A_46, %add3A_44, %dma_wait3A_75] : memref<2x2560x128xi32, #tpu.memory_space<hbm>> -> memref<1x40x128xi32, #tpu.memory_space<hbm>>
      %dma_wait3A_77 = tpu.memref_squeeze %dma_wait3A_76 : memref<1x40x128xi32, #tpu.memory_space<hbm>> -> memref<40x128xi32, #tpu.memory_space<hbm>>
      %dma_wait3A_78 = arith.constant 0 : i32
      %dma_wait3A_79 = tpu.memref_slice %arg3[%run_scoped3A_46, %add3A_44, %dma_wait3A_78] : memref<2x2560x128xi32, #tpu.memory_space<hbm>> -> memref<1x40x128xi32, #tpu.memory_space<hbm>>
      %dma_wait3A_80 = tpu.memref_squeeze %dma_wait3A_79 : memref<1x40x128xi32, #tpu.memory_space<hbm>> -> memref<40x128xi32, #tpu.memory_space<hbm>>
      tpu.wait_dma2 semaphore(%run_scoped3A_68 : memref<!tpu.dma_semaphore, #tpu.memory_space<semaphore_mem>>) src(%dma_wait3A_80 : memref<40x128xi32, #tpu.memory_space<hbm>>) dst(%arg6 : memref<40x128xi32, #tpu.memory_space<vmem>>)
      tpu.yield
    }) : () -> ()
    %dma_start3A_47 = arith.constant 0 : i32
    %dma_start3A_48 = arith.constant 0 : i32
    %dma_start3A_49 = tpu.memref_slice %arg5[%dma_start3A_47, %dma_start3A_48] : memref<40x128xi32, #tpu.memory_space<vmem>> -> memref<1x128xi32, #tpu.memory_space<vmem>>
    %dma_start3A_50 = tpu.memref_squeeze %dma_start3A_49 : memref<1x128xi32, #tpu.memory_space<vmem>> -> memref<128xi32, #tpu.memory_space<vmem>>
    %dma_start3A_51 = arith.constant 0 : i32
    %dma_start3A_52 = arith.constant 0 : i32
    %dma_start3A_53 = tpu.memref_slice %arg2[%dma_start3A_51, %dma_start3A_52] : memref<10000x128xf32, #tpu.memory_space<hbm>> -> memref<10000x128xf32, #tpu.memory_space<hbm>>
    tpu.enqueue_indirect_dma source(%dma_start3A_53 : memref<10000x128xf32, #tpu.memory_space<hbm>>) target(%arg7 : memref<128x128xf32, #tpu.memory_space<vmem>>) offsets(%dma_start3A_50 : memref<128xi32, #tpu.memory_space<vmem>>) semaphore(%arg10 : memref<!tpu.dma_semaphore, #tpu.memory_space<semaphore_mem>>)
    %scan3A_54 = arith.constant 0 : i32
    %scan3A_55 = arith.constant 0 : i32
    %scan3A_56 = arith.constant 20 : i32
    %scan3A_57 = arith.addi %scan3A_55, %scan3A_56 : i32
    %scan3A_58 = arith.constant 1 : i32
    scf.for %scan3A_68 = %scan3A_55 to %scan3A_57 step %scan3A_58  : i32 {
      %mul3A_69 = arith.constant 2 : i32
      %mul3A_70 = arith.muli %mul3A_69, %scan3A_68 : i32
      %dma_wait3A_71 = arith.constant 0 : i32
      %dma_wait3A_72 = tpu.memref_slice %arg5[%mul3A_70, %dma_wait3A_71] : memref<40x128xi32, #tpu.memory_space<vmem>> -> memref<1x128xi32, #tpu.memory_space<vmem>>
      %dma_wait3A_73 = tpu.memref_squeeze %dma_wait3A_72 : memref<1x128xi32, #tpu.memory_space<vmem>> -> memref<128xi32, #tpu.memory_space<vmem>>
      %dma_wait3A_74 = arith.constant 0 : i32
      %dma_wait3A_75 = arith.constant 0 : i32
      %dma_wait3A_76 = tpu.memref_slice %arg2[%dma_wait3A_74, %dma_wait3A_75] : memref<10000x128xf32, #tpu.memory_space<hbm>> -> memref<10000x128xf32, #tpu.memory_space<hbm>>
      tpu.wait_indirect_dma semaphore(%arg10 : memref<!tpu.dma_semaphore, #tpu.memory_space<semaphore_mem>>) src(%dma_wait3A_76 : memref<10000x128xf32, #tpu.memory_space<hbm>>) dst(%arg7 : memref<128x128xf32, #tpu.memory_space<vmem>>)
      %dma_start3A_77 = arith.constant 0 : i32
      %dma_start3A_78 = tpu.memref_slice %arg6[%mul3A_70, %dma_start3A_77] : memref<40x128xi32, #tpu.memory_space<vmem>> -> memref<1x128xi32, #tpu.memory_space<vmem>>
      %dma_start3A_79 = tpu.memref_squeeze %dma_start3A_78 : memref<1x128xi32, #tpu.memory_space<vmem>> -> memref<128xi32, #tpu.memory_space<vmem>>
      %dma_start3A_80 = arith.constant 0 : i32
      %dma_start3A_81 = arith.constant 0 : i32
      %dma_start3A_82 = tpu.memref_slice %arg9[%dma_start3A_80, %dma_start3A_81] : memref<10112x128xf32, #tpu.memory_space<vmem_shared>> -> memref<10112x128xf32, #tpu.memory_space<vmem_shared>>
      tpu.enqueue_indirect_dma source(%arg7 : memref<128x128xf32, #tpu.memory_space<vmem>>) target(%dma_start3A_82 : memref<10112x128xf32, #tpu.memory_space<vmem_shared>>) offsets(%dma_start3A_79 : memref<128xi32, #tpu.memory_space<vmem>>) semaphore(%arg12 : memref<!tpu.dma_semaphore, #tpu.memory_space<semaphore_mem>>) {add = true}
      %gt3A = arith.constant 0 : i32
      %gt3A_83 = arith.cmpi sgt, %mul3A_70, %gt3A : i32
      %convert_element_type3A = arith.extui %gt3A_83 : i1 to i32
      %cond3A = arith.constant 0 : i32
      %cond3A_84 = arith.cmpi ne, %convert_element_type3A, %cond3A : i32
      scf.if %cond3A_84 {
        %sub3A = arith.constant 1 : i32
        %sub3A_119 = arith.subi %mul3A_70, %sub3A : i32
        %dma_wait3A_120 = arith.constant 0 : i32
        %dma_wait3A_121 = tpu.memref_slice %arg6[%sub3A_119, %dma_wait3A_120] : memref<40x128xi32, #tpu.memory_space<vmem>> -> memref<1x128xi32, #tpu.memory_space<vmem>>
        %dma_wait3A_122 = tpu.memref_squeeze %dma_wait3A_121 : memref<1x128xi32, #tpu.memory_space<vmem>> -> memref<128xi32, #tpu.memory_space<vmem>>
        %dma_wait3A_123 = arith.constant 0 : i32
        %dma_wait3A_124 = arith.constant 0 : i32
        %dma_wait3A_125 = tpu.memref_slice %arg9[%dma_wait3A_123, %dma_wait3A_124] : memref<10112x128xf32, #tpu.memory_space<vmem_shared>> -> memref<10112x128xf32, #tpu.memory_space<vmem_shared>>
        tpu.wait_indirect_dma semaphore(%arg13 : memref<!tpu.dma_semaphore, #tpu.memory_space<semaphore_mem>>) src(%arg8 : memref<128x128xf32, #tpu.memory_space<vmem>>) dst(%dma_wait3A_125 : memref<10112x128xf32, #tpu.memory_space<vmem_shared>>)
      } else {
      }
      %add3A_85 = arith.constant 1 : i32
      %add3A_86 = arith.addi %mul3A_70, %add3A_85 : i32
      %lt3A = arith.constant 40 : i32
      %lt3A_87 = arith.cmpi slt, %add3A_86, %lt3A : i32
      %convert_element_type3A_88 = arith.extui %lt3A_87 : i1 to i32
      %cond3A_89 = arith.constant 0 : i32
      %cond3A_90 = arith.cmpi ne, %convert_element_type3A_88, %cond3A_89 : i32
      scf.if %cond3A_90 {
        %add3A_119 = arith.constant 1 : i32
        %add3A_120 = arith.addi %mul3A_70, %add3A_119 : i32
        %dma_start3A_121 = arith.constant 0 : i32
        %dma_start3A_122 = tpu.memref_slice %arg5[%add3A_120, %dma_start3A_121] : memref<40x128xi32, #tpu.memory_space<vmem>> -> memref<1x128xi32, #tpu.memory_space<vmem>>
        %dma_start3A_123 = tpu.memref_squeeze %dma_start3A_122 : memref<1x128xi32, #tpu.memory_space<vmem>> -> memref<128xi32, #tpu.memory_space<vmem>>
        %dma_start3A_124 = arith.constant 0 : i32
        %dma_start3A_125 = arith.constant 0 : i32
        %dma_start3A_126 = tpu.memref_slice %arg2[%dma_start3A_124, %dma_start3A_125] : memref<10000x128xf32, #tpu.memory_space<hbm>> -> memref<10000x128xf32, #tpu.memory_space<hbm>>
        tpu.enqueue_indirect_dma source(%dma_start3A_126 : memref<10000x128xf32, #tpu.memory_space<hbm>>) target(%arg8 : memref<128x128xf32, #tpu.memory_space<vmem>>) offsets(%dma_start3A_123 : memref<128xi32, #tpu.memory_space<vmem>>) semaphore(%arg11 : memref<!tpu.dma_semaphore, #tpu.memory_space<semaphore_mem>>)
      } else {
      }
      %mul3A_91 = arith.constant 2 : i32
      %mul3A_92 = arith.muli %mul3A_91, %scan3A_68 : i32
      %add3A_93 = arith.constant 1 : i32
      %add3A_94 = arith.addi %mul3A_92, %add3A_93 : i32
      %dma_wait3A_95 = arith.constant 0 : i32
      %dma_wait3A_96 = tpu.memref_slice %arg5[%add3A_94, %dma_wait3A_95] : memref<40x128xi32, #tpu.memory_space<vmem>> -> memref<1x128xi32, #tpu.memory_space<vmem>>
      %dma_wait3A_97 = tpu.memref_squeeze %dma_wait3A_96 : memref<1x128xi32, #tpu.memory_space<vmem>> -> memref<128xi32, #tpu.memory_space<vmem>>
      %dma_wait3A_98 = arith.constant 0 : i32
      %dma_wait3A_99 = arith.constant 0 : i32
      %dma_wait3A_100 = tpu.memref_slice %arg2[%dma_wait3A_98, %dma_wait3A_99] : memref<10000x128xf32, #tpu.memory_space<hbm>> -> memref<10000x128xf32, #tpu.memory_space<hbm>>
      tpu.wait_indirect_dma semaphore(%arg11 : memref<!tpu.dma_semaphore, #tpu.memory_space<semaphore_mem>>) src(%dma_wait3A_100 : memref<10000x128xf32, #tpu.memory_space<hbm>>) dst(%arg8 : memref<128x128xf32, #tpu.memory_space<vmem>>)
      %dma_start3A_101 = arith.constant 0 : i32
      %dma_start3A_102 = tpu.memref_slice %arg6[%add3A_94, %dma_start3A_101] : memref<40x128xi32, #tpu.memory_space<vmem>> -> memref<1x128xi32, #tpu.memory_space<vmem>>
      %dma_start3A_103 = tpu.memref_squeeze %dma_start3A_102 : memref<1x128xi32, #tpu.memory_space<vmem>> -> memref<128xi32, #tpu.memory_space<vmem>>
      %dma_start3A_104 = arith.constant 0 : i32
      %dma_start3A_105 = arith.constant 0 : i32
      %dma_start3A_106 = tpu.memref_slice %arg9[%dma_start3A_104, %dma_start3A_105] : memref<10112x128xf32, #tpu.memory_space<vmem_shared>> -> memref<10112x128xf32, #tpu.memory_space<vmem_shared>>
      tpu.enqueue_indirect_dma source(%arg8 : memref<128x128xf32, #tpu.memory_space<vmem>>) target(%dma_start3A_106 : memref<10112x128xf32, #tpu.memory_space<vmem_shared>>) offsets(%dma_start3A_103 : memref<128xi32, #tpu.memory_space<vmem>>) semaphore(%arg13 : memref<!tpu.dma_semaphore, #tpu.memory_space<semaphore_mem>>) {add = true}
      %gt3A_107 = arith.constant 0 : i32
      %gt3A_108 = arith.cmpi sgt, %add3A_94, %gt3A_107 : i32
      %convert_element_type3A_109 = arith.extui %gt3A_108 : i1 to i32
      %cond3A_110 = arith.constant 0 : i32
      %cond3A_111 = arith.cmpi ne, %convert_element_type3A_109, %cond3A_110 : i32
      scf.if %cond3A_111 {
        %sub3A = arith.constant 1 : i32
        %sub3A_119 = arith.subi %add3A_94, %sub3A : i32
        %dma_wait3A_120 = arith.constant 0 : i32
        %dma_wait3A_121 = tpu.memref_slice %arg6[%sub3A_119, %dma_wait3A_120] : memref<40x128xi32, #tpu.memory_space<vmem>> -> memref<1x128xi32, #tpu.memory_space<vmem>>
        %dma_wait3A_122 = tpu.memref_squeeze %dma_wait3A_121 : memref<1x128xi32, #tpu.memory_space<vmem>> -> memref<128xi32, #tpu.memory_space<vmem>>
        %dma_wait3A_123 = arith.constant 0 : i32
        %dma_wait3A_124 = arith.constant 0 : i32
        %dma_wait3A_125 = tpu.memref_slice %arg9[%dma_wait3A_123, %dma_wait3A_124] : memref<10112x128xf32, #tpu.memory_space<vmem_shared>> -> memref<10112x128xf32, #tpu.memory_space<vmem_shared>>
        tpu.wait_indirect_dma semaphore(%arg12 : memref<!tpu.dma_semaphore, #tpu.memory_space<semaphore_mem>>) src(%arg7 : memref<128x128xf32, #tpu.memory_space<vmem>>) dst(%dma_wait3A_125 : memref<10112x128xf32, #tpu.memory_space<vmem_shared>>)
      } else {
      }
      %add3A_112 = arith.constant 1 : i32
      %add3A_113 = arith.addi %add3A_94, %add3A_112 : i32
      %lt3A_114 = arith.constant 40 : i32
      %lt3A_115 = arith.cmpi slt, %add3A_113, %lt3A_114 : i32
      %convert_element_type3A_116 = arith.extui %lt3A_115 : i1 to i32
      %cond3A_117 = arith.constant 0 : i32
      %cond3A_118 = arith.cmpi ne, %convert_element_type3A_116, %cond3A_117 : i32
      scf.if %cond3A_118 {
        %add3A_119 = arith.constant 1 : i32
        %add3A_120 = arith.addi %add3A_94, %add3A_119 : i32
        %dma_start3A_121 = arith.constant 0 : i32
        %dma_start3A_122 = tpu.memref_slice %arg5[%add3A_120, %dma_start3A_121] : memref<40x128xi32, #tpu.memory_space<vmem>> -> memref<1x128xi32, #tpu.memory_space<vmem>>
        %dma_start3A_123 = tpu.memref_squeeze %dma_start3A_122 : memref<1x128xi32, #tpu.memory_space<vmem>> -> memref<128xi32, #tpu.memory_space<vmem>>
        %dma_start3A_124 = arith.constant 0 : i32
        %dma_start3A_125 = arith.constant 0 : i32
        %dma_start3A_126 = tpu.memref_slice %arg2[%dma_start3A_124, %dma_start3A_125] : memref<10000x128xf32, #tpu.memory_space<hbm>> -> memref<10000x128xf32, #tpu.memory_space<hbm>>
        tpu.enqueue_indirect_dma source(%dma_start3A_126 : memref<10000x128xf32, #tpu.memory_space<hbm>>) target(%arg7 : memref<128x128xf32, #tpu.memory_space<vmem>>) offsets(%dma_start3A_123 : memref<128xi32, #tpu.memory_space<vmem>>) semaphore(%arg10 : memref<!tpu.dma_semaphore, #tpu.memory_space<semaphore_mem>>)
      } else {
      }
    }
    %scan3A_59 = arith.constant 20 : i32
    %dma_wait3A_60 = arith.constant 39 : i32
    %dma_wait3A_61 = arith.constant 0 : i32
    %dma_wait3A_62 = tpu.memref_slice %arg6[%dma_wait3A_60, %dma_wait3A_61] : memref<40x128xi32, #tpu.memory_space<vmem>> -> memref<1x128xi32, #tpu.memory_space<vmem>>
    %dma_wait3A_63 = tpu.memref_squeeze %dma_wait3A_62 : memref<1x128xi32, #tpu.memory_space<vmem>> -> memref<128xi32, #tpu.memory_space<vmem>>
    %dma_wait3A_64 = arith.constant 0 : i32
    %dma_wait3A_65 = arith.constant 0 : i32
    %dma_wait3A_66 = tpu.memref_slice %arg9[%dma_wait3A_64, %dma_wait3A_65] : memref<10112x128xf32, #tpu.memory_space<vmem_shared>> -> memref<10112x128xf32, #tpu.memory_space<vmem_shared>>
    tpu.wait_indirect_dma semaphore(%arg13 : memref<!tpu.dma_semaphore, #tpu.memory_space<semaphore_mem>>) src(%arg8 : memref<128x128xf32, #tpu.memory_space<vmem>>) dst(%dma_wait3A_66 : memref<10112x128xf32, #tpu.memory_space<vmem_shared>>)
    %barrier3A_67 = arith.constant 0 : index
    tpu.barrier barrier_id(%barrier3A_67)
    "tpu.region"() ({
      %run_scoped3A_68 = tpu.sem_alloc : memref<!tpu.dma_semaphore, #tpu.memory_space<semaphore_mem>>
      %dma_start3A_69 = arith.constant 0 : i32
      %dma_start3A_70 = tpu.memref_slice %arg4[%arg0, %mul3A_2, %dma_start3A_69] : memref<2x10112x128xf32, #tpu.memory_space<hbm>> -> memref<1x632x128xf32, #tpu.memory_space<hbm>>
      %dma_start3A_71 = tpu.memref_squeeze %dma_start3A_70 : memref<1x632x128xf32, #tpu.memory_space<hbm>> -> memref<632x128xf32, #tpu.memory_space<hbm>>
      %dma_start3A_72 = arith.constant 0 : i32
      %dma_start3A_73 = tpu.memref_slice %arg9[%mul3A_2, %dma_start3A_72] : memref<10112x128xf32, #tpu.memory_space<vmem_shared>> -> memref<632x128xf32, #tpu.memory_space<vmem_shared>>
      tpu.enqueue_dma source(%dma_start3A_73 : memref<632x128xf32, #tpu.memory_space<vmem_shared>>) target(%dma_start3A_71 : memref<632x128xf32, #tpu.memory_space<hbm>>) target_semaphore(%run_scoped3A_68 : memref<!tpu.dma_semaphore, #tpu.memory_space<semaphore_mem>>)
      %dma_wait3A_74 = arith.constant 0 : i32
      %dma_wait3A_75 = tpu.memref_slice %arg4[%arg0, %mul3A_2, %dma_wait3A_74] : memref<2x10112x128xf32, #tpu.memory_space<hbm>> -> memref<1x632x128xf32, #tpu.memory_space<hbm>>
      %dma_wait3A_76 = tpu.memref_squeeze %dma_wait3A_75 : memref<1x632x128xf32, #tpu.memory_space<hbm>> -> memref<632x128xf32, #tpu.memory_space<hbm>>
      %dma_wait3A_77 = arith.constant 0 : i32
      %dma_wait3A_78 = tpu.memref_slice %arg9[%mul3A_2, %dma_wait3A_77] : memref<10112x128xf32, #tpu.memory_space<vmem_shared>> -> memref<632x128xf32, #tpu.memory_space<vmem_shared>>
      tpu.wait_dma2 semaphore(%run_scoped3A_68 : memref<!tpu.dma_semaphore, #tpu.memory_space<semaphore_mem>>) src(%dma_wait3A_78 : memref<632x128xf32, #tpu.memory_space<vmem_shared>>) dst(%dma_wait3A_76 : memref<632x128xf32, #tpu.memory_space<hbm>>)
      tpu.yield
    }) : () -> ()
    return
  }
}

module attributes {stable_mosaic.version = 14 : i64} {
  func.func @_mlp_body(%arg0: i32, %arg1: memref<1x1xf32, #tpu.memory_space<smem>>, %arg2: memref<1x1x5000xi32, #tpu.memory_space<vmem>>, %arg3: memref<5000x128xf32, #tpu.memory_space<vmem>>, %arg4: memref<1x5000x128xf32, #tpu.memory_space<vmem>>, %arg5: memref<1x5000x128xf32, #tpu.memory_space<vmem>>, %arg6: memref<128x128xf32, #tpu.memory_space<vmem>>, %arg7: memref<1x128xf32, #tpu.memory_space<vmem>>, %arg8: memref<1x128xf32, #tpu.memory_space<vmem>>, %arg9: memref<1x128xf32, #tpu.memory_space<vmem>>, %arg10: memref<128x128xf32, #tpu.memory_space<vmem>>, %arg11: memref<1x128xf32, #tpu.memory_space<vmem>>, %arg12: memref<5000x128xf32, #tpu.memory_space<vmem>>, %arg13: memref<64x128xf32, #tpu.memory_space<vmem>>) attributes {dimension_semantics = [#tpu.dimension_semantics<arbitrary>], iteration_bounds = array<i64: 2>, scalar_prefetch = 0 : i64, scratch_operands = 0 : i64, tpu.core_type = #tpu.core_type<tc>, window_params = [{transform_indices = @transform_0, window_bounds = array<i64: 1, 1>}, {transform_indices = @transform_1, window_bounds = array<i64: 1, 1, 5000>}, {transform_indices = @transform_2, window_bounds = array<i64: 5000, 128>}, {transform_indices = @transform_3, window_bounds = array<i64: 1, 5000, 128>}, {transform_indices = @transform_4, window_bounds = array<i64: 1, 5000, 128>}, {pipeline_mode = #tpu.pipeline_mode<synchronous>, transform_indices = @transform_5, window_bounds = array<i64: 128, 128>}, {pipeline_mode = #tpu.pipeline_mode<synchronous>, transform_indices = @transform_6, window_bounds = array<i64: 1, 128>}, {pipeline_mode = #tpu.pipeline_mode<synchronous>, transform_indices = @transform_7, window_bounds = array<i64: 1, 128>}, {pipeline_mode = #tpu.pipeline_mode<synchronous>, transform_indices = @transform_8, window_bounds = array<i64: 1, 128>}, {pipeline_mode = #tpu.pipeline_mode<synchronous>, transform_indices = @transform_9, window_bounds = array<i64: 128, 128>}, {pipeline_mode = #tpu.pipeline_mode<synchronous>, transform_indices = @transform_10, window_bounds = array<i64: 1, 128>}, {transform_indices = @transform_11, window_bounds = array<i64: 5000, 128>}, {pipeline_mode = #tpu.pipeline_mode<synchronous>, transform_indices = @transform_12, window_bounds = array<i64: 64, 128>}]} {
    %get3A = arith.constant 0 : index
    %get3A_0 = arith.constant 0 : index
    %get3A_1 = vector.load %arg3[%get3A, %get3A_0] : memref<5000x128xf32, #tpu.memory_space<vmem>>, vector<5000x128xf32>
    %get3A_2 = arith.constant 0 : index
    %get3A_3 = arith.constant 0 : index
    %get3A_4 = arith.constant 0 : index
    %get3A_5 = vector.load %arg4[%get3A_2, %get3A_3, %get3A_4] : memref<1x5000x128xf32, #tpu.memory_space<vmem>>, vector<1x5000x128xf32>
    %get3A_6 = vector.shape_cast %get3A_5 : vector<1x5000x128xf32> to vector<5000x128xf32>
    %get3A_7 = arith.constant 0 : index
    %get3A_8 = arith.constant 0 : index
    %get3A_9 = arith.constant 0 : index
    %get3A_10 = vector.load %arg5[%get3A_7, %get3A_8, %get3A_9] : memref<1x5000x128xf32, #tpu.memory_space<vmem>>, vector<1x5000x128xf32>
    %get3A_11 = vector.shape_cast %get3A_10 : vector<1x5000x128xf32> to vector<5000x128xf32>
    %add3A = arith.addf %get3A_6, %get3A_11 : vector<5000x128xf32>
    %get3A_12 = arith.constant 0 : index
    %get3A_13 = arith.constant 0 : index
    %get3A_14 = memref.load %arg1[%get3A_12, %get3A_13] : memref<1x1xf32, #tpu.memory_space<smem>>
    %mul3A = vector.broadcast %get3A_14 : f32 to vector<5000x128xf32>
    %mul3A_15 = arith.mulf %get3A_1, %mul3A : vector<5000x128xf32>
    %add3A_16 = arith.addf %mul3A_15, %add3A : vector<5000x128xf32>
    %get3A_17 = arith.constant 0 : index
    %get3A_18 = arith.constant 0 : index
    %get3A_19 = vector.load %arg6[%get3A_17, %get3A_18] : memref<128x128xf32, #tpu.memory_space<vmem>>, vector<128x128xf32>
    %dot_general3A = arith.constant dense<0.000000e+00> : vector<5000x128xf32>
    %dot_general3A_20 = tpu.matmul %add3A_16, %get3A_19, %dot_general3A {dimension_numbers = #tpu.dot_dimension_numbers<[1], [0], [0], [1], [0, 0, 1, 1], [], []>, transpose_lhs_hint = false} : vector<5000x128xf32>, vector<128x128xf32>, vector<5000x128xf32> -> vector<5000x128xf32>
    %get3A_21 = arith.constant 0 : index
    %get3A_22 = arith.constant 0 : index
    %get3A_23 = vector.load %arg7[%get3A_21, %get3A_22] : memref<1x128xf32, #tpu.memory_space<vmem>>, vector<1x128xf32>
    %add3A_24 = vector.broadcast %get3A_23 : vector<1x128xf32> to vector<5000x128xf32>
    %add3A_25 = arith.addf %dot_general3A_20, %add3A_24 : vector<5000x128xf32>
    %max3A = arith.constant 0.000000e+00 : f32
    %max3A_26 = vector.broadcast %max3A : f32 to vector<5000x128xf32>
    %max3A_27 = arith.maximumf %add3A_25, %max3A_26 : vector<5000x128xf32>
    %get3A_28 = arith.constant 0 : index
    %get3A_29 = arith.constant 0 : index
    %get3A_30 = vector.load %arg8[%get3A_28, %get3A_29] : memref<1x128xf32, #tpu.memory_space<vmem>>, vector<1x128xf32>
    %mul3A_31 = vector.broadcast %get3A_30 : vector<1x128xf32> to vector<5000x128xf32>
    %mul3A_32 = arith.mulf %max3A_27, %mul3A_31 : vector<5000x128xf32>
    %get3A_33 = arith.constant 0 : index
    %get3A_34 = arith.constant 0 : index
    %get3A_35 = vector.load %arg9[%get3A_33, %get3A_34] : memref<1x128xf32, #tpu.memory_space<vmem>>, vector<1x128xf32>
    %add3A_36 = vector.broadcast %get3A_35 : vector<1x128xf32> to vector<5000x128xf32>
    %add3A_37 = arith.addf %mul3A_32, %add3A_36 : vector<5000x128xf32>
    %max3A_38 = arith.constant 0.000000e+00 : f32
    %max3A_39 = vector.broadcast %max3A_38 : f32 to vector<5000x128xf32>
    %max3A_40 = arith.maximumf %add3A_37, %max3A_39 : vector<5000x128xf32>
    %get3A_41 = arith.constant 0 : index
    %get3A_42 = arith.constant 0 : index
    %get3A_43 = vector.load %arg10[%get3A_41, %get3A_42] : memref<128x128xf32, #tpu.memory_space<vmem>>, vector<128x128xf32>
    %dot_general3A_44 = arith.constant dense<0.000000e+00> : vector<5000x128xf32>
    %dot_general3A_45 = tpu.matmul %max3A_40, %get3A_43, %dot_general3A_44 {dimension_numbers = #tpu.dot_dimension_numbers<[1], [0], [0], [1], [0, 0, 1, 1], [], []>, transpose_lhs_hint = false} : vector<5000x128xf32>, vector<128x128xf32>, vector<5000x128xf32> -> vector<5000x128xf32>
    %get3A_46 = arith.constant 0 : index
    %get3A_47 = arith.constant 0 : index
    %get3A_48 = vector.load %arg11[%get3A_46, %get3A_47] : memref<1x128xf32, #tpu.memory_space<vmem>>, vector<1x128xf32>
    %add3A_49 = vector.broadcast %get3A_48 : vector<1x128xf32> to vector<5000x128xf32>
    %add3A_50 = arith.addf %dot_general3A_45, %add3A_49 : vector<5000x128xf32>
    %max3A_51 = arith.constant 0.000000e+00 : f32
    %max3A_52 = vector.broadcast %max3A_51 : f32 to vector<5000x128xf32>
    %max3A_53 = arith.maximumf %add3A_50, %max3A_52 : vector<5000x128xf32>
    %swap3A = arith.constant 0 : index
    %swap3A_54 = arith.constant 0 : index
    %swap3A_55 = vector.load %arg12[%swap3A, %swap3A_54] : memref<5000x128xf32, #tpu.memory_space<vmem>>, vector<5000x128xf32>
    tpu.vector_store %arg12[%swap3A, %swap3A_54], %max3A_53 {strides = array<i32>} : memref<5000x128xf32, #tpu.memory_space<vmem>>, vector<5000x128xf32>,
    %get3A_56 = arith.constant 0 : index
    %get3A_57 = arith.constant 0 : index
    %get3A_58 = arith.constant 0 : index
    %get3A_59 = vector.load %arg2[%get3A_56, %get3A_57, %get3A_58] : memref<1x1x5000xi32, #tpu.memory_space<vmem>>, vector<1x1x5000xi32>
    %get3A_60 = vector.shape_cast %get3A_59 : vector<1x1x5000xi32> to vector<5000xi32>
    %iota3A = tpu.iota {dimensions = array<i32: 0>} : vector<64x5000xi32>
    %reshape3A = vector.shape_cast %get3A_60 : vector<5000xi32> to vector<1x5000xi32>
    %eq3A = vector.broadcast %reshape3A : vector<1x5000xi32> to vector<64x5000xi32>
    %eq3A_61 = arith.cmpi eq, %iota3A, %eq3A : vector<64x5000xi32>
    %convert_element_type3A = arith.extui %eq3A_61 : vector<64x5000xi1> to vector<64x5000xi32>
    %convert_element_type3A_62 = arith.sitofp %convert_element_type3A : vector<64x5000xi32> to vector<64x5000xf32>
    %dot_general3A_63 = arith.constant dense<0.000000e+00> : vector<64x128xf32>
    %dot_general3A_64 = tpu.matmul %convert_element_type3A_62, %max3A_53, %dot_general3A_63 {dimension_numbers = #tpu.dot_dimension_numbers<[1], [0], [0], [1], [0, 0, 1, 1], [], []>, transpose_lhs_hint = false} : vector<64x5000xf32>, vector<5000x128xf32>, vector<64x128xf32> -> vector<64x128xf32>
    %eq3A_65 = arith.constant 0 : i32
    %eq3A_66 = arith.cmpi eq, %arg0, %eq3A_65 : i32
    %convert_element_type3A_67 = arith.extui %eq3A_66 : i1 to i32
    %cond3A = arith.constant 0 : i32
    %cond3A_68 = arith.cmpi ne, %convert_element_type3A_67, %cond3A : i32
    scf.if %cond3A_68 {
      %swap3A_73 = arith.constant 0 : index
      %swap3A_74 = arith.constant 0 : index
      %swap3A_75 = vector.load %arg13[%swap3A_73, %swap3A_74] : memref<64x128xf32, #tpu.memory_space<vmem>>, vector<64x128xf32>
      tpu.vector_store %arg13[%swap3A_73, %swap3A_74], %dot_general3A_64 {strides = array<i32>} : memref<64x128xf32, #tpu.memory_space<vmem>>, vector<64x128xf32>,
    } else {
    }
    %ne3A = arith.constant 0 : i32
    %ne3A_69 = arith.cmpi ne, %arg0, %ne3A : i32
    %convert_element_type3A_70 = arith.extui %ne3A_69 : i1 to i32
    %cond3A_71 = arith.constant 0 : i32
    %cond3A_72 = arith.cmpi ne, %convert_element_type3A_70, %cond3A_71 : i32
    scf.if %cond3A_72 {
      %get3A_73 = arith.constant 0 : index
      %get3A_74 = arith.constant 0 : index
      %get3A_75 = vector.load %arg13[%get3A_73, %get3A_74] : memref<64x128xf32, #tpu.memory_space<vmem>>, vector<64x128xf32>
      %add3A_76 = arith.addf %get3A_75, %dot_general3A_64 : vector<64x128xf32>
      %swap3A_77 = arith.constant 0 : index
      %swap3A_78 = arith.constant 0 : index
      %swap3A_79 = vector.load %arg13[%swap3A_77, %swap3A_78] : memref<64x128xf32, #tpu.memory_space<vmem>>, vector<64x128xf32>
      tpu.vector_store %arg13[%swap3A_77, %swap3A_78], %add3A_76 {strides = array<i32>} : memref<64x128xf32, #tpu.memory_space<vmem>>, vector<64x128xf32>,
    } else {
    }
    return
  }
  func.func @transform_0(%arg0: i32) -> (i32, i32) {
    %c0_i32 = arith.constant 0 : i32
    %c0_i32_0 = arith.constant 0 : i32
    %c0_i32_1 = arith.constant 0 : i32
    return %c0_i32, %c0_i32_0 : i32, i32
  }
  func.func @transform_1(%arg0: i32) -> (i32, i32, i32) {
    %c0_i32 = arith.constant 0 : i32
    %c0_i32_0 = arith.constant 0 : i32
    %c0_i32_1 = arith.constant 0 : i32
    return %arg0, %c0_i32, %c0_i32_0 : i32, i32, i32
  }
  func.func @transform_2(%arg0: i32) -> (i32, i32) {
    %c0_i32 = arith.constant 0 : i32
    %c0_i32_0 = arith.constant 0 : i32
    return %arg0, %c0_i32 : i32, i32
  }
  func.func @transform_3(%arg0: i32) -> (i32, i32, i32) {
    %c0_i32 = arith.constant 0 : i32
    %c0_i32_0 = arith.constant 0 : i32
    %c0_i32_1 = arith.constant 0 : i32
    return %c0_i32, %arg0, %c0_i32_0 : i32, i32, i32
  }
  func.func @transform_4(%arg0: i32) -> (i32, i32, i32) {
    %c1_i32 = arith.constant 1 : i32
    %c0_i32 = arith.constant 0 : i32
    %c0_i32_0 = arith.constant 0 : i32
    return %c1_i32, %arg0, %c0_i32 : i32, i32, i32
  }
  func.func @transform_5(%arg0: i32) -> (i32, i32) {
    %c0_i32 = arith.constant 0 : i32
    %c0_i32_0 = arith.constant 0 : i32
    %c0_i32_1 = arith.constant 0 : i32
    return %c0_i32, %c0_i32_0 : i32, i32
  }
  func.func @transform_6(%arg0: i32) -> (i32, i32) {
    %c0_i32 = arith.constant 0 : i32
    %c0_i32_0 = arith.constant 0 : i32
    %c0_i32_1 = arith.constant 0 : i32
    return %c0_i32, %c0_i32_0 : i32, i32
  }
  func.func @transform_7(%arg0: i32) -> (i32, i32) {
    %c0_i32 = arith.constant 0 : i32
    %c0_i32_0 = arith.constant 0 : i32
    %c0_i32_1 = arith.constant 0 : i32
    return %c0_i32, %c0_i32_0 : i32, i32
  }
  func.func @transform_8(%arg0: i32) -> (i32, i32) {
    %c0_i32 = arith.constant 0 : i32
    %c0_i32_0 = arith.constant 0 : i32
    %c0_i32_1 = arith.constant 0 : i32
    return %c0_i32, %c0_i32_0 : i32, i32
  }
  func.func @transform_9(%arg0: i32) -> (i32, i32) {
    %c0_i32 = arith.constant 0 : i32
    %c0_i32_0 = arith.constant 0 : i32
    %c0_i32_1 = arith.constant 0 : i32
    return %c0_i32, %c0_i32_0 : i32, i32
  }
  func.func @transform_10(%arg0: i32) -> (i32, i32) {
    %c0_i32 = arith.constant 0 : i32
    %c0_i32_0 = arith.constant 0 : i32
    %c0_i32_1 = arith.constant 0 : i32
    return %c0_i32, %c0_i32_0 : i32, i32
  }
  func.func @transform_11(%arg0: i32) -> (i32, i32) {
    %c0_i32 = arith.constant 0 : i32
    %c0_i32_0 = arith.constant 0 : i32
    return %arg0, %c0_i32 : i32, i32
  }
  func.func @transform_12(%arg0: i32) -> (i32, i32) {
    %c0_i32 = arith.constant 0 : i32
    %c0_i32_0 = arith.constant 0 : i32
    %c0_i32_1 = arith.constant 0 : i32
    return %c0_i32, %c0_i32_0 : i32, i32
  }
}

module attributes {stable_mosaic.version = 14 : i64} {
  func.func @_mlp_head_body(%arg0: i32, %arg1: memref<1x1xf32, #tpu.memory_space<smem>>, %arg2: memref<1x1x5000xi32, #tpu.memory_space<vmem>>, %arg3: memref<5000x128xf32, #tpu.memory_space<vmem>>, %arg4: memref<1x5000x128xf32, #tpu.memory_space<vmem>>, %arg5: memref<1x5000x128xf32, #tpu.memory_space<vmem>>, %arg6: memref<128x128xf32, #tpu.memory_space<vmem>>, %arg7: memref<1x128xf32, #tpu.memory_space<vmem>>, %arg8: memref<1x128xf32, #tpu.memory_space<vmem>>, %arg9: memref<1x128xf32, #tpu.memory_space<vmem>>, %arg10: memref<128x128xf32, #tpu.memory_space<vmem>>, %arg11: memref<1x128xf32, #tpu.memory_space<vmem>>, %arg12: memref<128x128xf32, #tpu.memory_space<vmem>>, %arg13: memref<1x128xf32, #tpu.memory_space<vmem>>, %arg14: memref<128x128xf32, #tpu.memory_space<vmem>>, %arg15: memref<1x128xf32, #tpu.memory_space<vmem>>, %arg16: memref<5000x128xf32, #tpu.memory_space<vmem>>, %arg17: memref<64x128xf32, #tpu.memory_space<vmem>>, %arg18: memref<64x128xf32, #tpu.memory_space<vmem>>) attributes {dimension_semantics = [#tpu.dimension_semantics<arbitrary>], iteration_bounds = array<i64: 2>, scalar_prefetch = 0 : i64, scratch_operands = 0 : i64, tpu.core_type = #tpu.core_type<tc>, window_params = [{transform_indices = @transform_0, window_bounds = array<i64: 1, 1>}, {transform_indices = @transform_1, window_bounds = array<i64: 1, 1, 5000>}, {transform_indices = @transform_2, window_bounds = array<i64: 5000, 128>}, {transform_indices = @transform_3, window_bounds = array<i64: 1, 5000, 128>}, {transform_indices = @transform_4, window_bounds = array<i64: 1, 5000, 128>}, {pipeline_mode = #tpu.pipeline_mode<synchronous>, transform_indices = @transform_5, window_bounds = array<i64: 128, 128>}, {pipeline_mode = #tpu.pipeline_mode<synchronous>, transform_indices = @transform_6, window_bounds = array<i64: 1, 128>}, {pipeline_mode = #tpu.pipeline_mode<synchronous>, transform_indices = @transform_7, window_bounds = array<i64: 1, 128>}, {pipeline_mode = #tpu.pipeline_mode<synchronous>, transform_indices = @transform_8, window_bounds = array<i64: 1, 128>}, {pipeline_mode = #tpu.pipeline_mode<synchronous>, transform_indices = @transform_9, window_bounds = array<i64: 128, 128>}, {pipeline_mode = #tpu.pipeline_mode<synchronous>, transform_indices = @transform_10, window_bounds = array<i64: 1, 128>}, {pipeline_mode = #tpu.pipeline_mode<synchronous>, transform_indices = @transform_11, window_bounds = array<i64: 128, 128>}, {pipeline_mode = #tpu.pipeline_mode<synchronous>, transform_indices = @transform_12, window_bounds = array<i64: 1, 128>}, {pipeline_mode = #tpu.pipeline_mode<synchronous>, transform_indices = @transform_13, window_bounds = array<i64: 128, 128>}, {pipeline_mode = #tpu.pipeline_mode<synchronous>, transform_indices = @transform_14, window_bounds = array<i64: 1, 128>}, {transform_indices = @transform_15, window_bounds = array<i64: 5000, 128>}, {pipeline_mode = #tpu.pipeline_mode<synchronous>, transform_indices = @transform_16, window_bounds = array<i64: 64, 128>}, {pipeline_mode = #tpu.pipeline_mode<synchronous>, transform_indices = @transform_17, window_bounds = array<i64: 64, 128>}]} {
    %get3A = arith.constant 0 : index
    %get3A_0 = arith.constant 0 : index
    %get3A_1 = vector.load %arg3[%get3A, %get3A_0] : memref<5000x128xf32, #tpu.memory_space<vmem>>, vector<5000x128xf32>
    %get3A_2 = arith.constant 0 : index
    %get3A_3 = arith.constant 0 : index
    %get3A_4 = arith.constant 0 : index
    %get3A_5 = vector.load %arg4[%get3A_2, %get3A_3, %get3A_4] : memref<1x5000x128xf32, #tpu.memory_space<vmem>>, vector<1x5000x128xf32>
    %get3A_6 = vector.shape_cast %get3A_5 : vector<1x5000x128xf32> to vector<5000x128xf32>
    %get3A_7 = arith.constant 0 : index
    %get3A_8 = arith.constant 0 : index
    %get3A_9 = arith.constant 0 : index
    %get3A_10 = vector.load %arg5[%get3A_7, %get3A_8, %get3A_9] : memref<1x5000x128xf32, #tpu.memory_space<vmem>>, vector<1x5000x128xf32>
    %get3A_11 = vector.shape_cast %get3A_10 : vector<1x5000x128xf32> to vector<5000x128xf32>
    %add3A = arith.addf %get3A_6, %get3A_11 : vector<5000x128xf32>
    %get3A_12 = arith.constant 0 : index
    %get3A_13 = arith.constant 0 : index
    %get3A_14 = memref.load %arg1[%get3A_12, %get3A_13] : memref<1x1xf32, #tpu.memory_space<smem>>
    %mul3A = vector.broadcast %get3A_14 : f32 to vector<5000x128xf32>
    %mul3A_15 = arith.mulf %get3A_1, %mul3A : vector<5000x128xf32>
    %add3A_16 = arith.addf %mul3A_15, %add3A : vector<5000x128xf32>
    %get3A_17 = arith.constant 0 : index
    %get3A_18 = arith.constant 0 : index
    %get3A_19 = vector.load %arg6[%get3A_17, %get3A_18] : memref<128x128xf32, #tpu.memory_space<vmem>>, vector<128x128xf32>
    %dot_general3A = arith.constant dense<0.000000e+00> : vector<5000x128xf32>
    %dot_general3A_20 = tpu.matmul %add3A_16, %get3A_19, %dot_general3A {dimension_numbers = #tpu.dot_dimension_numbers<[1], [0], [0], [1], [0, 0, 1, 1], [], []>, transpose_lhs_hint = false} : vector<5000x128xf32>, vector<128x128xf32>, vector<5000x128xf32> -> vector<5000x128xf32>
    %get3A_21 = arith.constant 0 : index
    %get3A_22 = arith.constant 0 : index
    %get3A_23 = vector.load %arg7[%get3A_21, %get3A_22] : memref<1x128xf32, #tpu.memory_space<vmem>>, vector<1x128xf32>
    %add3A_24 = vector.broadcast %get3A_23 : vector<1x128xf32> to vector<5000x128xf32>
    %add3A_25 = arith.addf %dot_general3A_20, %add3A_24 : vector<5000x128xf32>
    %max3A = arith.constant 0.000000e+00 : f32
    %max3A_26 = vector.broadcast %max3A : f32 to vector<5000x128xf32>
    %max3A_27 = arith.maximumf %add3A_25, %max3A_26 : vector<5000x128xf32>
    %get3A_28 = arith.constant 0 : index
    %get3A_29 = arith.constant 0 : index
    %get3A_30 = vector.load %arg8[%get3A_28, %get3A_29] : memref<1x128xf32, #tpu.memory_space<vmem>>, vector<1x128xf32>
    %mul3A_31 = vector.broadcast %get3A_30 : vector<1x128xf32> to vector<5000x128xf32>
    %mul3A_32 = arith.mulf %max3A_27, %mul3A_31 : vector<5000x128xf32>
    %get3A_33 = arith.constant 0 : index
    %get3A_34 = arith.constant 0 : index
    %get3A_35 = vector.load %arg9[%get3A_33, %get3A_34] : memref<1x128xf32, #tpu.memory_space<vmem>>, vector<1x128xf32>
    %add3A_36 = vector.broadcast %get3A_35 : vector<1x128xf32> to vector<5000x128xf32>
    %add3A_37 = arith.addf %mul3A_32, %add3A_36 : vector<5000x128xf32>
    %max3A_38 = arith.constant 0.000000e+00 : f32
    %max3A_39 = vector.broadcast %max3A_38 : f32 to vector<5000x128xf32>
    %max3A_40 = arith.maximumf %add3A_37, %max3A_39 : vector<5000x128xf32>
    %get3A_41 = arith.constant 0 : index
    %get3A_42 = arith.constant 0 : index
    %get3A_43 = vector.load %arg10[%get3A_41, %get3A_42] : memref<128x128xf32, #tpu.memory_space<vmem>>, vector<128x128xf32>
    %dot_general3A_44 = arith.constant dense<0.000000e+00> : vector<5000x128xf32>
    %dot_general3A_45 = tpu.matmul %max3A_40, %get3A_43, %dot_general3A_44 {dimension_numbers = #tpu.dot_dimension_numbers<[1], [0], [0], [1], [0, 0, 1, 1], [], []>, transpose_lhs_hint = false} : vector<5000x128xf32>, vector<128x128xf32>, vector<5000x128xf32> -> vector<5000x128xf32>
    %get3A_46 = arith.constant 0 : index
    %get3A_47 = arith.constant 0 : index
    %get3A_48 = vector.load %arg11[%get3A_46, %get3A_47] : memref<1x128xf32, #tpu.memory_space<vmem>>, vector<1x128xf32>
    %add3A_49 = vector.broadcast %get3A_48 : vector<1x128xf32> to vector<5000x128xf32>
    %add3A_50 = arith.addf %dot_general3A_45, %add3A_49 : vector<5000x128xf32>
    %max3A_51 = arith.constant 0.000000e+00 : f32
    %max3A_52 = vector.broadcast %max3A_51 : f32 to vector<5000x128xf32>
    %max3A_53 = arith.maximumf %add3A_50, %max3A_52 : vector<5000x128xf32>
    %swap3A = arith.constant 0 : index
    %swap3A_54 = arith.constant 0 : index
    %swap3A_55 = vector.load %arg16[%swap3A, %swap3A_54] : memref<5000x128xf32, #tpu.memory_space<vmem>>, vector<5000x128xf32>
    tpu.vector_store %arg16[%swap3A, %swap3A_54], %max3A_53 {strides = array<i32>} : memref<5000x128xf32, #tpu.memory_space<vmem>>, vector<5000x128xf32>,
    %get3A_56 = arith.constant 0 : index
    %get3A_57 = arith.constant 0 : index
    %get3A_58 = arith.constant 0 : index
    %get3A_59 = vector.load %arg2[%get3A_56, %get3A_57, %get3A_58] : memref<1x1x5000xi32, #tpu.memory_space<vmem>>, vector<1x1x5000xi32>
    %get3A_60 = vector.shape_cast %get3A_59 : vector<1x1x5000xi32> to vector<5000xi32>
    %iota3A = tpu.iota {dimensions = array<i32: 0>} : vector<64x5000xi32>
    %reshape3A = vector.shape_cast %get3A_60 : vector<5000xi32> to vector<1x5000xi32>
    %eq3A = vector.broadcast %reshape3A : vector<1x5000xi32> to vector<64x5000xi32>
    %eq3A_61 = arith.cmpi eq, %iota3A, %eq3A : vector<64x5000xi32>
    %convert_element_type3A = arith.extui %eq3A_61 : vector<64x5000xi1> to vector<64x5000xi32>
    %convert_element_type3A_62 = arith.sitofp %convert_element_type3A : vector<64x5000xi32> to vector<64x5000xf32>
    %dot_general3A_63 = arith.constant dense<0.000000e+00> : vector<64x128xf32>
    %dot_general3A_64 = tpu.matmul %convert_element_type3A_62, %max3A_53, %dot_general3A_63 {dimension_numbers = #tpu.dot_dimension_numbers<[1], [0], [0], [1], [0, 0, 1, 1], [], []>, transpose_lhs_hint = false} : vector<64x5000xf32>, vector<5000x128xf32>, vector<64x128xf32> -> vector<64x128xf32>
    %eq3A_65 = arith.constant 0 : i32
    %eq3A_66 = arith.cmpi eq, %arg0, %eq3A_65 : i32
    %convert_element_type3A_67 = arith.extui %eq3A_66 : i1 to i32
    %cond3A = arith.constant 0 : i32
    %cond3A_68 = arith.cmpi ne, %convert_element_type3A_67, %cond3A : i32
    scf.if %cond3A_68 {
      %swap3A_78 = arith.constant 0 : index
      %swap3A_79 = arith.constant 0 : index
      %swap3A_80 = vector.load %arg17[%swap3A_78, %swap3A_79] : memref<64x128xf32, #tpu.memory_space<vmem>>, vector<64x128xf32>
      tpu.vector_store %arg17[%swap3A_78, %swap3A_79], %dot_general3A_64 {strides = array<i32>} : memref<64x128xf32, #tpu.memory_space<vmem>>, vector<64x128xf32>,
    } else {
    }
    %ne3A = arith.constant 0 : i32
    %ne3A_69 = arith.cmpi ne, %arg0, %ne3A : i32
    %convert_element_type3A_70 = arith.extui %ne3A_69 : i1 to i32
    %cond3A_71 = arith.constant 0 : i32
    %cond3A_72 = arith.cmpi ne, %convert_element_type3A_70, %cond3A_71 : i32
    scf.if %cond3A_72 {
      %get3A_78 = arith.constant 0 : index
      %get3A_79 = arith.constant 0 : index
      %get3A_80 = vector.load %arg17[%get3A_78, %get3A_79] : memref<64x128xf32, #tpu.memory_space<vmem>>, vector<64x128xf32>
      %add3A_81 = arith.addf %get3A_80, %dot_general3A_64 : vector<64x128xf32>
      %swap3A_82 = arith.constant 0 : index
      %swap3A_83 = arith.constant 0 : index
      %swap3A_84 = vector.load %arg17[%swap3A_82, %swap3A_83] : memref<64x128xf32, #tpu.memory_space<vmem>>, vector<64x128xf32>
      tpu.vector_store %arg17[%swap3A_82, %swap3A_83], %add3A_81 {strides = array<i32>} : memref<64x128xf32, #tpu.memory_space<vmem>>, vector<64x128xf32>,
    } else {
    }
    %eq3A_73 = arith.constant 1 : i32
    %eq3A_74 = arith.cmpi eq, %arg0, %eq3A_73 : i32
    %convert_element_type3A_75 = arith.extui %eq3A_74 : i1 to i32
    %cond3A_76 = arith.constant 0 : i32
    %cond3A_77 = arith.cmpi ne, %convert_element_type3A_75, %cond3A_76 : i32
    scf.if %cond3A_77 {
      %get3A_78 = arith.constant 0 : index
      %get3A_79 = arith.constant 0 : index
      %get3A_80 = vector.load %arg17[%get3A_78, %get3A_79] : memref<64x128xf32, #tpu.memory_space<vmem>>, vector<64x128xf32>
      %get3A_81 = arith.constant 0 : index
      %get3A_82 = arith.constant 0 : index
      %get3A_83 = vector.load %arg12[%get3A_81, %get3A_82] : memref<128x128xf32, #tpu.memory_space<vmem>>, vector<128x128xf32>
      %dot_general3A_84 = arith.constant dense<0.000000e+00> : vector<64x128xf32>
      %dot_general3A_85 = tpu.matmul %get3A_80, %get3A_83, %dot_general3A_84 {dimension_numbers = #tpu.dot_dimension_numbers<[1], [0], [0], [1], [0, 0, 1, 1], [], []>, transpose_lhs_hint = false} : vector<64x128xf32>, vector<128x128xf32>, vector<64x128xf32> -> vector<64x128xf32>
      %get3A_86 = arith.constant 0 : index
      %get3A_87 = arith.constant 0 : index
      %get3A_88 = vector.load %arg13[%get3A_86, %get3A_87] : memref<1x128xf32, #tpu.memory_space<vmem>>, vector<1x128xf32>
      %add3A_89 = vector.broadcast %get3A_88 : vector<1x128xf32> to vector<64x128xf32>
      %add3A_90 = arith.addf %dot_general3A_85, %add3A_89 : vector<64x128xf32>
      %max3A_91 = arith.constant 0.000000e+00 : f32
      %max3A_92 = vector.broadcast %max3A_91 : f32 to vector<64x128xf32>
      %max3A_93 = arith.maximumf %add3A_90, %max3A_92 : vector<64x128xf32>
      %get3A_94 = arith.constant 0 : index
      %get3A_95 = arith.constant 0 : index
      %get3A_96 = vector.load %arg14[%get3A_94, %get3A_95] : memref<128x128xf32, #tpu.memory_space<vmem>>, vector<128x128xf32>
      %dot_general3A_97 = arith.constant dense<0.000000e+00> : vector<64x128xf32>
      %dot_general3A_98 = tpu.matmul %max3A_93, %get3A_96, %dot_general3A_97 {dimension_numbers = #tpu.dot_dimension_numbers<[1], [0], [0], [1], [0, 0, 1, 1], [], []>, transpose_lhs_hint = false} : vector<64x128xf32>, vector<128x128xf32>, vector<64x128xf32> -> vector<64x128xf32>
      %get3A_99 = arith.constant 0 : index
      %get3A_100 = arith.constant 0 : index
      %get3A_101 = vector.load %arg15[%get3A_99, %get3A_100] : memref<1x128xf32, #tpu.memory_space<vmem>>, vector<1x128xf32>
      %add3A_102 = vector.broadcast %get3A_101 : vector<1x128xf32> to vector<64x128xf32>
      %add3A_103 = arith.addf %dot_general3A_98, %add3A_102 : vector<64x128xf32>
      %swap3A_104 = arith.constant 0 : index
      %swap3A_105 = arith.constant 0 : index
      %swap3A_106 = vector.load %arg18[%swap3A_104, %swap3A_105] : memref<64x128xf32, #tpu.memory_space<vmem>>, vector<64x128xf32>
      tpu.vector_store %arg18[%swap3A_104, %swap3A_105], %add3A_103 {strides = array<i32>} : memref<64x128xf32, #tpu.memory_space<vmem>>, vector<64x128xf32>,
    } else {
    }
    return
  }
  func.func @transform_0(%arg0: i32) -> (i32, i32) {
    %c0_i32 = arith.constant 0 : i32
    %c0_i32_0 = arith.constant 0 : i32
    %c0_i32_1 = arith.constant 0 : i32
    return %c0_i32, %c0_i32_0 : i32, i32
  }
  func.func @transform_1(%arg0: i32) -> (i32, i32, i32) {
    %c0_i32 = arith.constant 0 : i32
    %c0_i32_0 = arith.constant 0 : i32
    %c0_i32_1 = arith.constant 0 : i32
    return %arg0, %c0_i32, %c0_i32_0 : i32, i32, i32
  }
  func.func @transform_2(%arg0: i32) -> (i32, i32) {
    %c0_i32 = arith.constant 0 : i32
    %c0_i32_0 = arith.constant 0 : i32
    return %arg0, %c0_i32 : i32, i32
  }
  func.func @transform_3(%arg0: i32) -> (i32, i32, i32) {
    %c0_i32 = arith.constant 0 : i32
    %c0_i32_0 = arith.constant 0 : i32
    %c0_i32_1 = arith.constant 0 : i32
    return %c0_i32, %arg0, %c0_i32_0 : i32, i32, i32
  }
  func.func @transform_4(%arg0: i32) -> (i32, i32, i32) {
    %c1_i32 = arith.constant 1 : i32
    %c0_i32 = arith.constant 0 : i32
    %c0_i32_0 = arith.constant 0 : i32
    return %c1_i32, %arg0, %c0_i32 : i32, i32, i32
  }
  func.func @transform_5(%arg0: i32) -> (i32, i32) {
    %c0_i32 = arith.constant 0 : i32
    %c0_i32_0 = arith.constant 0 : i32
    %c0_i32_1 = arith.constant 0 : i32
    return %c0_i32, %c0_i32_0 : i32, i32
  }
  func.func @transform_6(%arg0: i32) -> (i32, i32) {
    %c0_i32 = arith.constant 0 : i32
    %c0_i32_0 = arith.constant 0 : i32
    %c0_i32_1 = arith.constant 0 : i32
    return %c0_i32, %c0_i32_0 : i32, i32
  }
  func.func @transform_7(%arg0: i32) -> (i32, i32) {
    %c0_i32 = arith.constant 0 : i32
    %c0_i32_0 = arith.constant 0 : i32
    %c0_i32_1 = arith.constant 0 : i32
    return %c0_i32, %c0_i32_0 : i32, i32
  }
  func.func @transform_8(%arg0: i32) -> (i32, i32) {
    %c0_i32 = arith.constant 0 : i32
    %c0_i32_0 = arith.constant 0 : i32
    %c0_i32_1 = arith.constant 0 : i32
    return %c0_i32, %c0_i32_0 : i32, i32
  }
  func.func @transform_9(%arg0: i32) -> (i32, i32) {
    %c0_i32 = arith.constant 0 : i32
    %c0_i32_0 = arith.constant 0 : i32
    %c0_i32_1 = arith.constant 0 : i32
    return %c0_i32, %c0_i32_0 : i32, i32
  }
  func.func @transform_10(%arg0: i32) -> (i32, i32) {
    %c0_i32 = arith.constant 0 : i32
    %c0_i32_0 = arith.constant 0 : i32
    %c0_i32_1 = arith.constant 0 : i32
    return %c0_i32, %c0_i32_0 : i32, i32
  }
  func.func @transform_11(%arg0: i32) -> (i32, i32) {
    %c0_i32 = arith.constant 0 : i32
    %c0_i32_0 = arith.constant 0 : i32
    %c0_i32_1 = arith.constant 0 : i32
    return %c0_i32, %c0_i32_0 : i32, i32
  }
  func.func @transform_12(%arg0: i32) -> (i32, i32) {
    %c0_i32 = arith.constant 0 : i32
    %c0_i32_0 = arith.constant 0 : i32
    %c0_i32_1 = arith.constant 0 : i32
    return %c0_i32, %c0_i32_0 : i32, i32
  }
  func.func @transform_13(%arg0: i32) -> (i32, i32) {
    %c0_i32 = arith.constant 0 : i32
    %c0_i32_0 = arith.constant 0 : i32
    %c0_i32_1 = arith.constant 0 : i32
    return %c0_i32, %c0_i32_0 : i32, i32
  }
  func.func @transform_14(%arg0: i32) -> (i32, i32) {
    %c0_i32 = arith.constant 0 : i32
    %c0_i32_0 = arith.constant 0 : i32
    %c0_i32_1 = arith.constant 0 : i32
    return %c0_i32, %c0_i32_0 : i32, i32
  }
  func.func @transform_15(%arg0: i32) -> (i32, i32) {
    %c0_i32 = arith.constant 0 : i32
    %c0_i32_0 = arith.constant 0 : i32
    return %arg0, %c0_i32 : i32, i32
  }
  func.func @transform_16(%arg0: i32) -> (i32, i32) {
    %c0_i32 = arith.constant 0 : i32
    %c0_i32_0 = arith.constant 0 : i32
    %c0_i32_1 = arith.constant 0 : i32
    return %c0_i32, %c0_i32_0 : i32, i32
  }
  func.func @transform_17(%arg0: i32) -> (i32, i32) {
    %c0_i32 = arith.constant 0 : i32
    %c0_i32_0 = arith.constant 0 : i32
    %c0_i32_1 = arith.constant 0 : i32
    return %c0_i32, %c0_i32_0 : i32, i32
  }
}

</mosaic_0001>

<sc_bundles>
// kernel: kernel.11.cloned.1.call-start
scs
__scs_entry_jumppad:
0x0: {  	(pc) =	sbr.rel $0x88, $3  }
0x1: {  	(tag) =	ssettag $0x0;
	lr =	simm.s32 $0x1  }
0x2: {  	[smem:$0x3F7F] =	sst lr;
	_ =	strace $0xD0000000  }
0x3: {  	_ = 	snop  }
0x4: {  	_ = 	snop  }
0x5: {  	_ = 	snop  }
0x6: {  	_ = 	snop  }
0x7: {  	_ = 	snop  }
__scs_overlays_trampoline_lowered:
0x8: {  	[smem:$0x3F8E] =	sst s0  }
0x9: {  	[smem:$0x3F8F] =	sst s1  }
0xa: {  	[smem:$0x3F90] =	sst s2  }
0xb: {  	[smem:$0x3F91] =	sst s3  }
0xc: {  	[smem:$0x3F92] =	sst s4  }
0xd: {  	[smem:$0x3F93] =	sst s5  }
0xe: {  	[smem:$0x3F94] =	sst s6  }
0xf: {  	[smem:$0x3F95] =	sst s7  }
0x10: {  	[smem:$0x3F96] =	sst s8  }
0x11: {  	[smem:$0x3F97] =	sst s9;
	s0 =	simm.s32 @!p0 $0x0  }
0x12: {  	s1 =	sld [smem:$0x3F7D];
	s0 =	simm.s32 @p0 $0x1  }
0x13: {  	[smem:$0x3F98] =	sst s0;
	s0 =	simm.s32 @!p1 $0x0  }
0x14: {  	s2 =	sld [smem:$0x3F7C];
	s0 =	simm.s32 @p1 $0x1  }
0x15: {  	[smem:$0x3F99] =	sst s0;
	s0 =	simm.s32 @!p2 $0x0  }
0x16: {  	s3 =	sld [smem:$0x3FDB];
	s0 =	simm.s32 @p2 $0x1  }
0x17: {  	s4 =	simm.s32 $0x1BF5;
	[smem:$0x3F9B] =	sst s0  }
0x18: {  	s0 =	sld [smem:$0x3F7E];
	_ =	swait.ge [sflag:s4], $0x0  }
0x19: {  	s7 =	sld [smem:$0x3F7F]  }
0x1a: {  	s8 =	sadd.s32 $0xFFFFE003, lr  }
0x1b: {  	s9 =	sadd.s32 $0xFFFFFEF7, lr;
	s5 =	simm.s32 $0xFFFFFFFF;
	p2 =	slt.u32 s8, $0xFFFFF086  }
0x1c: {  	p1 =	slt.u32 s9, $0xF7A;
	s5 =	simm.s32 @!p2 $0x0  }
0x1d: {  	s5 =	simm.s32 @p1 $0x1;
	p0 =	seq.s32 s7, s2  }
0x1e: {  	s7 =	smul.u32 @!p0 $0xF7A, s2;
	p2 =	seq.s32 @!p0 s5, $0x0  }
0x1f: {  	s9 =	smul.u32 $0xF7A, s1;
	s8 =	simm.s32 @!p0 $0x1BF5;
	p2 =	por !p2, p0  }
0x20: {  	[sflag:s8] =	ssyncset.s32 @!p0 $0xFFFFF086;
	s6 =	sadd.s32 @!p0 s3, s7;
	s7 =	simm.s32 @!p0 $0x108  }
0x21: {  	s3 =	sadd.s32 s3, s9;
	s6 =	sadd.s32 @!p0 $0x88, s6;
	s7 =	simm.s32 @p2 $0x1082  }
0x22: {  	[simem:s7], [sflag:s8] =	dma.local @!p0 [hbm:s6], $0xF7A  }
0x23: {  	s9 =	sor.u32 $0xD0000000, s2;
	s6 =	simm.s32 $0x108;
	_ =	swait.ge @!p0 [sflag:s8], $0x0  }
0x24: {  	s3 =	sadd.s32 $0x88, s3;
	s6 =	simm.s32 @!p1 $0x1082;
	[sflag:s4] =	ssyncset.s32 $0xFFFFF086  }
0x25: {  	[simem:s6], [sflag:s4] =	dma.local [hbm:s3], $0xF7A  }
0x26: {  	[smem:$0x3F7F] =	sst s1;
	(tag) =	ssettag s2;
	_ =	strace s9  }
0x27: {  	s1 =	sld [smem:$0x3F8F]  }
0x28: {  	s2 =	sld [smem:$0x3F90]  }
0x29: {  	s4 =	sld [smem:$0x3F92]  }
0x2a: {  	p0 =	seq.s32 s5, $0x0;
	s5 =	sld [smem:$0x3F93]  }
0x2b: {  	s6 =	sld [smem:$0x3F94]  }
0x2c: {  	s7 =	sld [smem:$0x3F95]  }
0x2d: {  	s3 =	simm.s32 $0x108;
	s8 =	sld [smem:$0x3F96]  }
0x2e: {  	s3 =	simm.s32 @!p0 $0x1082;
	s9 =	sld [smem:$0x3F97]  }
0x2f: {  	lr =	sadd.s32 s0, s3;
	s0 =	sld [smem:$0x3F8E]  }
0x30: {  	s3 =	sld [smem:$0x3F91]  }
0x31: {  	[smem:$0x3F9A] =	sst s10  }
0x32: {  	s10 =	sld [smem:$0x3F98];
	_ =	sdelay $0x3  }
0x33: {  	p0 =	seq.s32 s10, $0x1;
	s10 =	sld [smem:$0x3F9A];
	_ =	sdelay $0x3  }
0x34: {  	[smem:$0x3F9A] =	sst s10  }
0x35: {  	s10 =	sld [smem:$0x3F99];
	_ =	sdelay $0x3  }
0x36: {  	p1 =	seq.s32 s10, $0x1;
	s10 =	sld [smem:$0x3F9A];
	_ =	sdelay $0x3  }
0x37: {  	[smem:$0x3F9A] =	sst s10  }
0x38: {  	s10 =	sld [smem:$0x3F9B]  }
0x39: {  	_ = 	snop;
	(pc) =	sbr.ind lr, $3  }
0x3a: {  	_ = 	snop  }
0x3b: {  	_ = 	snop  }
0x3c: {  	p2 =	seq.s32 s10, $0x1;
	s10 =	sld [smem:$0x3F9A]  }
0x3d: {  	_ =	shalt  }
0x3e: {  	_ =	shalt  }
0x3f: {  	_ =	shalt  }
0x40: {  	_ =	shalt  }
0x41: {  	_ =	shalt  }
0x42: {  	_ =	shalt  }
0x43: {  	_ =	shalt  }
0x44: {  	_ =	shalt  }
0x45: {  	_ =	shalt  }
0x46: {  	_ =	shalt  }
0x47: {  	_ =	shalt  }
0x48: {  	_ =	shalt  }
0x49: {  	_ =	shalt  }
0x4a: {  	_ =	shalt  }
0x4b: {  	_ =	shalt  }
0x4c: {  	_ =	shalt  }
0x4d: {  	_ =	shalt  }
0x4e: {  	_ =	shalt  }
0x4f: {  	_ =	shalt  }
0x50: {  	_ =	shalt  }
0x51: {  	_ =	shalt  }
0x52: {  	_ =	shalt  }
0x53: {  	_ =	shalt  }
0x54: {  	_ =	shalt  }
0x55: {  	_ =	shalt  }
0x56: {  	_ =	shalt  }
0x57: {  	_ =	shalt  }
0x58: {  	_ =	shalt  }
0x59: {  	_ =	shalt  }
0x5a: {  	_ =	shalt  }
0x5b: {  	_ =	shalt  }
0x5c: {  	_ =	shalt  }
0x5d: {  	_ =	shalt  }
0x5e: {  	_ =	shalt  }
0x5f: {  	_ =	shalt  }
0x60: {  	_ =	shalt  }
0x61: {  	_ =	shalt  }
0x62: {  	_ =	shalt  }
0x63: {  	_ =	shalt  }
0x64: {  	_ =	shalt  }
0x65: {  	_ =	shalt  }
0x66: {  	_ =	shalt  }
0x67: {  	_ =	shalt  }
0x68: {  	_ =	shalt  }
0x69: {  	_ =	shalt  }
0x6a: {  	_ =	shalt  }
0x6b: {  	_ =	shalt  }
0x6c: {  	_ =	shalt  }
0x6d: {  	_ =	shalt  }
0x6e: {  	_ =	shalt  }
0x6f: {  	_ =	shalt  }
0x70: {  	_ =	shalt  }
0x71: {  	_ =	shalt  }
0x72: {  	_ =	shalt  }
0x73: {  	_ =	shalt  }
0x74: {  	_ =	shalt  }
0x75: {  	_ =	shalt  }
0x76: {  	_ =	shalt  }
0x77: {  	_ =	shalt  }
0x78: {  	_ =	shalt  }
0x79: {  	_ =	shalt  }
0x7a: {  	_ =	shalt  }
0x7b: {  	_ =	shalt  }
0x7c: {  	_ =	shalt  }
0x7d: {  	_ =	shalt  }
0x7e: {  	_ =	shalt  }
0x7f: {  	_ =	shalt  }
0x80: {  	_ =	shalt  }
0x81: {  	_ =	shalt  }
0x82: {  	_ =	shalt  }
0x83: {  	_ =	shalt  }
0x84: {  	_ =	shalt  }
0x85: {  	_ =	shalt  }
0x86: {  	_ =	shalt  }
0x87: {  	_ =	shalt  }
.Lfunc_end0:
.L_simem_size_0:
called_computation.1_lowered:
.L_overlay_start_0:
0x88: {  	s2 =	sld [smem:$0x3FD9]  }
0x89: {  	s3 =	sld [smem:$0x3FFE];
	_ =	sdelay $0x1  }
0x8a: {  	s1 =	srdreg.scid  }
0x8b: {  	s0 =	sand.u32 $0x1, s1  }
0x8c: {  	s16 =	sshll.u32 s0, $0xA;
	s2 =	sadd.s32 s3, s2  }
0x8d: {  	s2 =	sadd.s32 s2, s16  }
0x8e: {  	[smem:$0x3FA6] =	sst s2  }
0x8f: {  	_ = 	snop  }
0x90: {  	(tm) =	ssettm $0x1  }
0x91: {  	s17 =	sld [smem:$0x3FFB];
	_ =	sdelay $0x3  }
0x92: {  	_ =	strace s17  }
0x93: {  	s2 =	sld [smem:$0x3FFC];
	_ =	sdelay $0x3  }
0x94: {  	_ =	strace s2  }
0x95: {  	s2 =	sld [smem:$0x3FFD];
	_ =	sdelay $0x3  }
0x96: {  	_ =	strace s2  }
0x97: {  	_ =	strace $0x8FFFFFFF  }
0x98: {  	s18 =	sld [smem:$0x3FDB];
	_ =	sdelay $0x1  }
0x99: {  	s19 =	simm.s32 $_scs_section_size  }
0x9a: {  	s4 =	simm.s32 $_size__tile_overlayer_lowered;
	s5 =	simm.s32 $_tile_overlayer_lowered  }
0x9b: {  	s22 =	simm.s32 $0x1BFF;
	s21 =	sshll.u32 s5, $0x1;
	s2 =	sadd.s32 s19, s18  }
0x9c: {  	s6 =	simm.s32 $0x0;
	s20 =	sshll.u32 s4, $0x1;
	s4 =	sadd.s32 s21, s2  }
0x9d: {  	[timem:s6], [sflag:s22] =	dma.local [hbm:s4], s20  }
0x9e: {  	_ =	swait.ge [sflag:s22], s20  }
0x9f: {  	s3 =	ssub.s32 $0x0, s20;
	[sflag:s22] =	ssyncset.done $0x0  }
0xa0: {  	[sflag:s22] =	ssyncadd.s32 s3;
	_ =	sdelay $0x1  }
0xa1: {  	s23 =	simm.s32 $0x1B8B  }
0xa2: {  	_ =	swait.ge [sflag:s23], $0x1  }
0xa3: {  	[sflag:s23] =	ssyncset.done $0x0  }
0xa4: {  	s25 =	simm.s32 $0x1B8E;
	s24 =	sld [smem:$0x3FFE];
	[sflag:s23] =	ssyncadd.s32 $0xFFFFFFFF  }
0xa5: {  	s26 =	simm.s32 $execute0_lowered;
	[smem:$0x3FD2] =	sst s25  }
0xa6: {  	s4 =	sshll.u32 s26, $0x1;
	_ =	strace $0x80000049;
	[dreg:$0x1] =	wrdreg $0xFFFFFFFF  }
0xa7: {  	s28 =	simm.s32 $_size_execute0_lowered;
	s2 =	sadd.s32 s2, s4;
	[dreg:$0x0] =	wrdreg $0x0  }
0xa8: {  	s4 =	sshll.u32 s28, $0x1;
	[dreg:$0x2] =	wrdreg s2  }
0xa9: {  	[dreg:$0x3] =	wrdreg s4  }
0xaa: {  	[dreg:$0x4] =	wrdreg $0xC0  }
0xab: {  	_ =	task [dreg:s6], $0x5FFFF  }
0xac: {  	[dreg:$0x1] =	wrdreg $0xFFFFFFFF  }
0xad: {  	[dreg:$0x0] =	wrdreg $0x60  }
0xae: {  	[dreg:$0x2] =	wrdreg s24  }
0xaf: {  	[dreg:$0x3] =	wrdreg $0xA8000  }
0xb0: {  	[dreg:$0x4] =	wrdreg $0x9  }
0xb1: {  	_ =	task.clear_ibuf [dreg:s6], $0x5FFFF;
	_ =	strace $0x90000049  }
0xb2: {  	s29 =	simm.s32 $0x9;
	_ =	strace $0x8000004B  }
0xb3: {  	_ =	swait.ge [sflag:s29], $0x1  }
0xb4: {  	[sflag:s29] =	ssyncadd.s32 $0xFFFFFFFF  }
0xb5: {  	_ =	strace $0x9000004B  }
0xb6: {  	_ =	sfence  }
0xb7: {  	s30 =	sld [smem:$0x0];
	_ =	sdelay $0x2  }
0xb8: {  	s31 =	sshll.u32 s1, $0xD;
	s1 =	sshrl.u32 s1, $0x2  }
0xb9: {  	s3 =	sand.u32 $0x4000, s31;
	s1 =	sadd.s32 s1, s30  }
0xba: {  	s0 =	sor.u32 s3, s0;
	s1 =	sshll.u32 s1, $0x11  }
0xbb: {  	s0 =	sor.u32 s1, s0  }
0xbc: {  	s0 =	sadd.s32 $0x8F2B, s0  }
0xbd: {  	[sflag:s0] =	ssyncadd.remote.s32 $0x1  }
0xbe: {  	_ =	sfence.sel $0xFFFF  }
0xbf: {  	[dreg:$0x0] =	wrdreg $0xFFFFFFFF;
	(pc) =	sbr.abs _section_cstart, $3  }
0xc0: {  	[dreg:$0x1] =	wrdreg $0xFFFFFFFF  }
0xc1: {  	_ =	task.clear_ibuf [dreg:s6], $0x2FFFF;
	_ =	strace $0x9FFFFFFF  }
0xc2: {  	(tm) =	ssettm $0x7FFFFFFF  }
0xc3: {  	_ =	shalt  }
tec
execute0_lowered:
.L_overlay_start_1:
0x0: {  	(tag) =	ssettag $0x1  }
0x1: {  	s6 =	rddreg [dreg:$0x0]  }
0x2: {  	s0 =	srdreg.scid;
	s2 =	rddreg [dreg:$0x1];
	s3 =	simm.s32 $0x0  }
0x3: {  	s16 =	simm.s32 $0x5;
	s17 =	simm.s32 $0x1400;
	s18 =	simm.s32 $0x80  }
0x4: {  	s19 =	simm.s32 $0x2800;
	s20 =	simm.s32 $0x6800;
	s21 =	simm.s32 $0x1  }
0x5: {  	s22 =	simm.s32 $0x2;
	s23 =	simm.s32 $0x1480;
	s24 =	simm.s32 $0x3  }
0x6: {  	s25 =	simm.s32 $0x100;
	s5 =	sand.u32 $0x1, s0;
	s0 =	stileid.u32  }
0x7: {  	s28 =	simm.s32 $0x0;
	[smem:$0x7FF] =	sst s3;
	s8 =	smul.u32 $0x13C000, s5  }
0x8: {  	s4 =	sadd.s32 $0x1A800, s6;
	s1 =	sshll.u32 s5, $0x4;
	s9 =	smul.u32 $0x13C00, s0  }
0x9: {  	s26 =	smul.u32 $0x4F000, s0;
	s5 =	ssub.s32 $0x2, s5;
	s1 =	sor.u32 s0, s1  }
0xa: {  	s30 =	sshrl.u32 s5, $0x1;
	s7 =	smul.u32 $0x2800, s1;
	s1 =	rddreg [dreg:$0x2]  }
0xb: {  	_ =	strace $0x8000004A;
	s8 =	sadd.s32 s9, s8;
	s31 =	sshrl.u32 s26, $0x2  }
0xc: {  	s15 =	ssub.s32 s5, s30;
	s26 =	simm.s32 $0x4;
	s29 =	sshrl.u32 s8, $0x3  }
.Ltmp0:
0xd: {  	s15 =	smax.u32 s15, $0x1;
	s7 =	sshrl.u32 s7, $0x3;
	(pc) =	sbr.rel .LBB2_1-.Ltmp0, $4  }
0xe: {  	s14 =	sadd.s32 s29, s6;
	s13 =	sadd.s32 s7, s6;
	s6 =	sadd.s32 s31, s2  }
0xf: {  	s14 =	sadd.s32 $0x41A00, s14;
	s5 =	sadd.s32 $0x6800, s13;
	s7 =	sadd.s32 $0x10800, s13  }
0x10: {  	s8 =	sadd.s32 $0x4000, s6;
	s9 =	sadd.s32 $0x8000, s6;
	s10 =	sadd.s32 $0xC000, s6  }
0x11: {  	v0 =	vimm.f32 $0.0e+00;
	s11 =	sadd.s32 $0x10000, s6;
	s12 =	sadd.s32 $0x6A80, s13;
	s13 =	sadd.s32 $0x10A80, s13  }
.LBB2_9:
0x12: {  	_ =	swait.ge [sflag:s26], $0x4000  }
0x13: {  	s29 =	sshll.u32 s0, $0x6;
	s28 =	sadd.s32 $0x1, s28;
	[sflag:s26] =	ssyncset.done $0x0  }
0x14: {  	s30 =	sshrl.u32 s6, $0x3;
	p0 =	sne.s32 s28, s15;
	[sflag:s26] =	ssyncadd.s32 $0xFFFFC000  }
.Ltmp1:
0x15: {  	s29 =	sor.u32 $0x1C05, s29;
	[bflag:$0x0] =	sbarrier.arrive $0xFFFF;
	(pc) =	sbr.rel @!p0 .LBB2_10-.Ltmp1, $4  }
0x16: {  	[hbm:s14], [sflag:s29] =	dma.local [spmem:s30], $0x2780  }
0x17: {  	_ =	swait.ge [sflag:s16], $0x2780  }
0x18: {  	[sflag:s16] =	ssyncset.done $0x0  }
0x19: {  	[sflag:s16] =	ssyncadd.s32 $0xFFFFD880  }
.LBB2_1:
0x1a: {  	[tilespmem:s3], [sflag:$0x5] =	stream.linear.gather [hbm4b:s5+s3], $0x1400, $0x38;
	[tilespmem:$0x1E400] =	vst v63  }
0x1b: {  	_ =	swait.ge [sflag:s16], $0x1400  }
0x1c: {  	[sflag:s16] =	ssyncset.done $0x0  }
0x1d: {  	[sflag:s16] =	ssyncadd.s32 $0xFFFFEC00  }
0x1e: {  	[tilespmem:s17], [sflag:$0x5] =	stream.linear.gather [hbm4b:s7+s3], $0x1400, $0x38;
	[tilespmem:$0x1E400] =	vst v63  }
0x1f: {  	_ =	swait.ge [sflag:s16], $0x1400  }
0x20: {  	[sflag:s16] =	ssyncset.done $0x0  }
0x21: {  	s29 =	simm.s32 $0x0;
	s30 =	simm.s32 $0x200;
	[sflag:s16] =	ssyncadd.s32 $0xFFFFEC00  }
0x22: {  	[tilespmem:s19], [sflag:$0x1] =	stream.indirect.gather [hbm4b:s4+s18], $0x80, s3, s18, $0xb8;
	[tilespmem:$0x1E400] =	vst v63  }
.LBB2_2:
0x23: {  	p0 =	sne.s32 s30, $0xFE00;
	[tilespmem:s29+$0x6870] =	vst v0  }
0x24: {  	[tilespmem:s29+$0x6800] =	vst v0  }
0x25: {  	[tilespmem:s29+$0x6810] =	vst v0  }
.Ltmp2:
0x26: {  	[tilespmem:s29+$0x6820] =	vst v0;
	(pc) =	sbr.rel @p0 .LBB2_2-.Ltmp2, $4  }
0x27: {  	[tilespmem:s29+$0x6830] =	vst v0  }
0x28: {  	[tilespmem:s29+$0x6840] =	vst v0  }
0x29: {  	[tilespmem:s29+$0x6850] =	vst v0  }
0x2a: {  	[tilespmem:s29+$0x6860] =	vst v0;
	s29 =	sshra.s32 s30, $0x2;
	s30 =	sadd.s32 $0x200, s30  }
0x2b: {  	[tilespmem:s29+$0x6870] =	vst v0  }
0x2c: {  	[tilespmem:s29+$0x6800] =	vst v0  }
0x2d: {  	[tilespmem:s29+$0x6810] =	vst v0  }
0x2e: {  	[tilespmem:s29+$0x6820] =	vst v0  }
0x2f: {  	[tilespmem:s29+$0x6830] =	vst v0  }
0x30: {  	[tilespmem:s29+$0x6840] =	vst v0  }
0x31: {  	[tilespmem:s29+$0x6850] =	vst v0  }
0x32: {  	[tilespmem:s29+$0x6860] =	vst v0  }
0x33: {  	[spmem:s6] =	stream.linear.scatter [tilespmem:s20], [sflag:$0x5], $0x4000, $0x38;
	[tilespmem:$0x1E400] =	vst v63  }
0x34: {  	_ =	swait.ge [sflag:s16], $0x4000  }
0x35: {  	[sflag:s16] =	ssyncset.done $0x0  }
0x36: {  	[sflag:s16] =	ssyncadd.s32 $0xFFFFC000  }
0x37: {  	[spmem:s8] =	stream.linear.scatter [tilespmem:s20], [sflag:$0x5], $0x4000, $0x38;
	[tilespmem:$0x1E400] =	vst v63  }
0x38: {  	_ =	swait.ge [sflag:s16], $0x4000  }
0x39: {  	[sflag:s16] =	ssyncset.done $0x0  }
0x3a: {  	[sflag:s16] =	ssyncadd.s32 $0xFFFFC000  }
0x3b: {  	[spmem:s9] =	stream.linear.scatter [tilespmem:s20], [sflag:$0x5], $0x4000, $0x38;
	[tilespmem:$0x1E400] =	vst v63  }
0x3c: {  	_ =	swait.ge [sflag:s16], $0x4000  }
0x3d: {  	[sflag:s16] =	ssyncset.done $0x0  }
0x3e: {  	[sflag:s16] =	ssyncadd.s32 $0xFFFFC000  }
0x3f: {  	[spmem:s10] =	stream.linear.scatter [tilespmem:s20], [sflag:$0x5], $0x4000, $0x38;
	[tilespmem:$0x1E400] =	vst v63  }
0x40: {  	_ =	swait.ge [sflag:s16], $0x4000  }
0x41: {  	[sflag:s16] =	ssyncset.done $0x0  }
0x42: {  	[sflag:s16] =	ssyncadd.s32 $0xFFFFC000  }
0x43: {  	[spmem:s11] =	stream.linear.scatter [tilespmem:s20], [sflag:$0x5], $0x3C00, $0x38;
	[tilespmem:$0x1E400] =	vst v63  }
0x44: {  	_ =	swait.ge [sflag:s16], $0x3C00  }
0x45: {  	[sflag:s16] =	ssyncset.done $0x0  }
0x46: {  	[sflag:s16] =	ssyncadd.s32 $0xFFFFC400  }
0x47: {  	[bflag:$0x0] =	sbarrier.arrive $0xFFFF  }
0x48: {  	_ =	swait.ge [sflag:s21], $0x4000  }
0x49: {  	[sflag:s21] =	ssyncset.done $0x0  }
0x4a: {  	[sflag:s21] =	ssyncadd.s32 $0xFFFFC000  }
0x4b: {  	[spmem:s2] =	stream.indirect.scatter.add.f32 [tilespmem:s19], [sflag:$0x3], $0x80, s17, s18, $0xb8;
	[tilespmem:$0x1E400] =	vst v63  }
0x4c: {  	_ = 	snop  }
0x4d: {  	[tilespmem:s20], [sflag:$0x2] =	stream.indirect.gather [hbm4b:s4+s18], $0x80, s18, s18, $0xb8;
	[tilespmem:$0x1E400] =	vst v63  }
0x4e: {  	_ =	swait.ge [sflag:s22], $0x4000  }
0x4f: {  	[sflag:s22] =	ssyncset.done $0x0  }
0x50: {  	[sflag:s22] =	ssyncadd.s32 $0xFFFFC000  }
0x51: {  	[spmem:s2] =	stream.indirect.scatter.add.f32 [tilespmem:s20], [sflag:$0x4], $0x80, s23, s18, $0xb8;
	[tilespmem:$0x1E400] =	vst v63  }
0x52: {  	_ =	swait.ge [sflag:s24], $0x4000  }
0x53: {  	[sflag:s24] =	ssyncset.done $0x0  }
0x54: {  	s29 =	simm.s32 $0xFFFFB800;
	[sflag:s24] =	ssyncadd.s32 $0xFFFFC000  }
0x55: {  	[tilespmem:s19], [sflag:$0x1] =	stream.indirect.gather [hbm4b:s4+s18], $0x80, s25, s18, $0xb8;
	[tilespmem:$0x1E400] =	vst v63  }
.LBB2_4:
0x56: {  	_ =	swait.ge [sflag:s21], $0x4000  }
0x57: {  	s30 =	sshra.s32 s29, $0x2;
	[sflag:s21] =	ssyncset.done $0x0  }
0x58: {  	s31 =	sadd.s32 $0x2700, s30;
	[sflag:s21] =	ssyncadd.s32 $0xFFFFC000  }
0x59: {  	[spmem:s2] =	stream.indirect.scatter.add.f32 [tilespmem:s19], [sflag:$0x3], $0x80, s31, s18, $0xb8;
	[tilespmem:$0x1E400] =	vst v63  }
0x5a: {  	_ =	swait.ge [sflag:s26], $0x4000  }
0x5b: {  	[sflag:s26] =	ssyncset.done $0x0  }
0x5c: {  	s31 =	sadd.s32 $0x1380, s30;
	[sflag:s26] =	ssyncadd.s32 $0xFFFFC000  }
0x5d: {  	[tilespmem:s20], [sflag:$0x2] =	stream.indirect.gather [hbm4b:s4+s18], $0x80, s31, s18, $0xb8;
	[tilespmem:$0x1E400] =	vst v63  }
0x5e: {  	_ =	swait.ge [sflag:s22], $0x4000  }
0x5f: {  	p0 =	seq.s32 s29, $0x0;
	[sflag:s22] =	ssyncset.done $0x0  }
.Ltmp3:
0x60: {  	s31 =	sadd.s32 $0x2780, s30;
	[sflag:s22] =	ssyncadd.s32 $0xFFFFC000;
	(pc) =	sbr.rel @p0 .LBB2_6-.Ltmp3, $4  }
0x61: {  	[spmem:s2] =	stream.indirect.scatter.add.f32 [tilespmem:s20], [sflag:$0x4], $0x80, s31, s18, $0xb8;
	[tilespmem:$0x1E400] =	vst v63  }
0x62: {  	_ =	swait.ge [sflag:s24], $0x4000  }
0x63: {  	[sflag:s24] =	ssyncset.done $0x0  }
0x64: {  	[sflag:s24] =	ssyncadd.s32 $0xFFFFC000  }
.Ltmp4:
0x65: {  	(pc) =	sbr.rel .LBB2_4-.Ltmp4, $3  }
0x66: {  	_ =	sdelay $0x1  }
0x67: {  	s30 =	sadd.s32 $0x1400, s30;
	s29 =	sadd.s32 $0x400, s29  }
0x68: {  	[tilespmem:s19], [sflag:$0x1] =	stream.indirect.gather [hbm4b:s4+s18], $0x80, s30, s18, $0xb8;
	[tilespmem:$0x1E400] =	vst v63  }
.LBB2_6:
0x69: {  	_ =	swait.ge [sflag:s26], $0x4000  }
0x6a: {  	[sflag:s26] =	ssyncset.done $0x0  }
0x6b: {  	[sflag:s26] =	ssyncadd.s32 $0xFFFFC000  }
0x6c: {  	[tilespmem:s3], [sflag:$0x5] =	stream.linear.gather [hbm4b:s12+s3], $0x1400, $0x38;
	[tilespmem:$0x1E400] =	vst v63  }
0x6d: {  	_ =	swait.ge [sflag:s16], $0x1400  }
0x6e: {  	[sflag:s16] =	ssyncset.done $0x0  }
0x6f: {  	[sflag:s16] =	ssyncadd.s32 $0xFFFFEC00  }
0x70: {  	[tilespmem:s17], [sflag:$0x5] =	stream.linear.gather [hbm4b:s13+s3], $0x1400, $0x38;
	[tilespmem:$0x1E400] =	vst v63  }
0x71: {  	_ =	swait.ge [sflag:s16], $0x1400  }
0x72: {  	[sflag:s16] =	ssyncset.done $0x0  }
0x73: {  	[sflag:s16] =	ssyncadd.s32 $0xFFFFEC00  }
0x74: {  	[tilespmem:s19], [sflag:$0x1] =	stream.indirect.gather [hbm4b:s4+s18], $0x80, s3, s18, $0xb8;
	[tilespmem:$0x1E400] =	vst v63  }
0x75: {  	_ =	swait.ge [sflag:s21], $0x4000  }
0x76: {  	[sflag:s21] =	ssyncset.done $0x0  }
0x77: {  	[sflag:s21] =	ssyncadd.s32 $0xFFFFC000  }
0x78: {  	[spmem:s2] =	stream.indirect.scatter.add.f32 [tilespmem:s19], [sflag:$0x3], $0x80, s17, s18, $0xb8;
	[tilespmem:$0x1E400] =	vst v63  }
0x79: {  	_ = 	snop  }
0x7a: {  	[tilespmem:s20], [sflag:$0x2] =	stream.indirect.gather [hbm4b:s4+s18], $0x80, s18, s18, $0xb8;
	[tilespmem:$0x1E400] =	vst v63  }
0x7b: {  	_ =	swait.ge [sflag:s22], $0x4000  }
0x7c: {  	[sflag:s22] =	ssyncset.done $0x0  }
0x7d: {  	[sflag:s22] =	ssyncadd.s32 $0xFFFFC000  }
0x7e: {  	[spmem:s2] =	stream.indirect.scatter.add.f32 [tilespmem:s20], [sflag:$0x4], $0x80, s23, s18, $0xb8;
	[tilespmem:$0x1E400] =	vst v63  }
0x7f: {  	_ =	swait.ge [sflag:s24], $0x4000  }
0x80: {  	[sflag:s24] =	ssyncset.done $0x0  }
0x81: {  	s29 =	simm.s32 $0xFFFFB800;
	[sflag:s24] =	ssyncadd.s32 $0xFFFFC000  }
0x82: {  	[tilespmem:s19], [sflag:$0x1] =	stream.indirect.gather [hbm4b:s4+s18], $0x80, s25, s18, $0xb8;
	[tilespmem:$0x1E400] =	vst v63  }
.LBB2_7:
0x83: {  	_ =	swait.ge [sflag:s21], $0x4000  }
0x84: {  	s30 =	sshra.s32 s29, $0x2;
	[sflag:s21] =	ssyncset.done $0x0  }
0x85: {  	s31 =	sadd.s32 $0x2700, s30;
	[sflag:s21] =	ssyncadd.s32 $0xFFFFC000  }
0x86: {  	[spmem:s2] =	stream.indirect.scatter.add.f32 [tilespmem:s19], [sflag:$0x3], $0x80, s31, s18, $0xb8;
	[tilespmem:$0x1E400] =	vst v63  }
0x87: {  	_ =	swait.ge [sflag:s26], $0x4000  }
0x88: {  	[sflag:s26] =	ssyncset.done $0x0  }
0x89: {  	s31 =	sadd.s32 $0x1380, s30;
	[sflag:s26] =	ssyncadd.s32 $0xFFFFC000  }
0x8a: {  	[tilespmem:s20], [sflag:$0x2] =	stream.indirect.gather [hbm4b:s4+s18], $0x80, s31, s18, $0xb8;
	[tilespmem:$0x1E400] =	vst v63  }
0x8b: {  	_ =	swait.ge [sflag:s22], $0x4000  }
0x8c: {  	p0 =	seq.s32 s29, $0x0;
	[sflag:s22] =	ssyncset.done $0x0  }
.Ltmp5:
0x8d: {  	s31 =	sadd.s32 $0x2780, s30;
	[sflag:s22] =	ssyncadd.s32 $0xFFFFC000;
	(pc) =	sbr.rel @p0 .LBB2_9-.Ltmp5, $4  }
0x8e: {  	[spmem:s2] =	stream.indirect.scatter.add.f32 [tilespmem:s20], [sflag:$0x4], $0x80, s31, s18, $0xb8;
	[tilespmem:$0x1E400] =	vst v63  }
0x8f: {  	_ =	swait.ge [sflag:s24], $0x4000  }
0x90: {  	[sflag:s24] =	ssyncset.done $0x0  }
0x91: {  	[sflag:s24] =	ssyncadd.s32 $0xFFFFC000  }
.Ltmp6:
0x92: {  	(pc) =	sbr.rel .LBB2_7-.Ltmp6, $3  }
0x93: {  	_ =	sdelay $0x1  }
0x94: {  	s30 =	sadd.s32 $0x1400, s30;
	s29 =	sadd.s32 $0x400, s29  }
0x95: {  	[tilespmem:s19], [sflag:$0x1] =	stream.indirect.gather [hbm4b:s4+s18], $0x80, s30, s18, $0xb8;
	[tilespmem:$0x1E400] =	vst v63  }
.LBB2_10:
0x96: {  	_ =	sfence.sel $0x180000  }
0x97: {  	[bflag:$0x0] =	sbarrier.arrive $0xFFFF  }
0x98: {  	p0 =	sne.s32 s0, $0x0;
	_ =	strace $0x9000004A  }
0x99: {  	s0 =	sadd.s32 @!p0 $0x100000, s1;
	[bflag:$0x2] =	sbarrier.arrive $0xFFFF  }
0x9a: {  	[sflag:s0] =	ssyncadd.tile.s32 @!p0 $0x1;
	_ =	shalt  }
.Lfunc_end2:
_tile_overlayer_lowered:
.L_overlay_start_2:
0x9b: {  	(tag) =	ssettag $0x2  }
0x9c: {  	s0 =	rddreg [dreg:$0x0];
	s2 =	stileid.u32  }
0x9d: {  	s1 =	rddreg [dreg:$0x1];
	p0 =	sne.s32 s2, $0x0  }
0x9e: {  	s3 =	rddreg [dreg:$0x2];
	[bflag:$0x3] =	sbarrier.arrive $0xFFFF;
	s2 =	simm.s32 @!p0 $0x1C05  }
0x9f: {  	[timem:s3], [sflag:s2] =	dma.local @!p0 [hbm:s0], s1  }
0xa0: {  	s0 =	simm.s32 @!p0 $0x5  }
0xa1: {  	_ =	swait.ge @!p0 [sflag:s0], s1  }
0xa2: {  	s1 =	ssub.s32 @!p0 $0x0, s1;
	[sflag:s0] =	ssyncset.done @!p0 $0x0  }
0xa3: {  	[sflag:s0] =	ssyncadd.s32 @!p0 s1  }
0xa4: {  	[bflag:$0x3] =	sbarrier.arrive $0xFFFF  }
0xa5: {  	_ =	shalt  }

// kernel: kernel.14.cloned.1.call-start
scs
__scs_entry_jumppad:
0x0: {  	(pc) =	sbr.rel $0x88, $3  }
0x1: {  	(tag) =	ssettag $0x0;
	lr =	simm.s32 $0x1  }
0x2: {  	[smem:$0x3F7F] =	sst lr;
	_ =	strace $0xD0000000  }
0x3: {  	_ = 	snop  }
0x4: {  	_ = 	snop  }
0x5: {  	_ = 	snop  }
0x6: {  	_ = 	snop  }
0x7: {  	_ = 	snop  }
__scs_overlays_trampoline_lowered:
0x8: {  	[smem:$0x3F8E] =	sst s0  }
0x9: {  	[smem:$0x3F8F] =	sst s1  }
0xa: {  	[smem:$0x3F90] =	sst s2  }
0xb: {  	[smem:$0x3F91] =	sst s3  }
0xc: {  	[smem:$0x3F92] =	sst s4  }
0xd: {  	[smem:$0x3F93] =	sst s5  }
0xe: {  	[smem:$0x3F94] =	sst s6  }
0xf: {  	[smem:$0x3F95] =	sst s7  }
0x10: {  	[smem:$0x3F96] =	sst s8  }
0x11: {  	[smem:$0x3F97] =	sst s9;
	s0 =	simm.s32 @!p0 $0x0  }
0x12: {  	s1 =	sld [smem:$0x3F7D];
	s0 =	simm.s32 @p0 $0x1  }
0x13: {  	[smem:$0x3F98] =	sst s0;
	s0 =	simm.s32 @!p1 $0x0  }
0x14: {  	s2 =	sld [smem:$0x3F7C];
	s0 =	simm.s32 @p1 $0x1  }
0x15: {  	[smem:$0x3F99] =	sst s0;
	s0 =	simm.s32 @!p2 $0x0  }
0x16: {  	s3 =	sld [smem:$0x3FDB];
	s0 =	simm.s32 @p2 $0x1  }
0x17: {  	s4 =	simm.s32 $0x1BF5;
	[smem:$0x3F9B] =	sst s0  }
0x18: {  	s0 =	sld [smem:$0x3F7E];
	_ =	swait.ge [sflag:s4], $0x0  }
0x19: {  	s7 =	sld [smem:$0x3F7F]  }
0x1a: {  	s8 =	sadd.s32 $0xFFFFE003, lr  }
0x1b: {  	s9 =	sadd.s32 $0xFFFFFEF7, lr;
	s5 =	simm.s32 $0xFFFFFFFF;
	p2 =	slt.u32 s8, $0xFFFFF086  }
0x1c: {  	p1 =	slt.u32 s9, $0xF7A;
	s5 =	simm.s32 @!p2 $0x0  }
0x1d: {  	s5 =	simm.s32 @p1 $0x1;
	p0 =	seq.s32 s7, s2  }
0x1e: {  	s7 =	smul.u32 @!p0 $0xF7A, s2;
	p2 =	seq.s32 @!p0 s5, $0x0  }
0x1f: {  	s9 =	smul.u32 $0xF7A, s1;
	s8 =	simm.s32 @!p0 $0x1BF5;
	p2 =	por !p2, p0  }
0x20: {  	[sflag:s8] =	ssyncset.s32 @!p0 $0xFFFFF086;
	s6 =	sadd.s32 @!p0 s3, s7;
	s7 =	simm.s32 @!p0 $0x108  }
0x21: {  	s3 =	sadd.s32 s3, s9;
	s6 =	sadd.s32 @!p0 $0x88, s6;
	s7 =	simm.s32 @p2 $0x1082  }
0x22: {  	[simem:s7], [sflag:s8] =	dma.local @!p0 [hbm:s6], $0xF7A  }
0x23: {  	s9 =	sor.u32 $0xD0000000, s2;
	s6 =	simm.s32 $0x108;
	_ =	swait.ge @!p0 [sflag:s8], $0x0  }
0x24: {  	s3 =	sadd.s32 $0x88, s3;
	s6 =	simm.s32 @!p1 $0x1082;
	[sflag:s4] =	ssyncset.s32 $0xFFFFF086  }
0x25: {  	[simem:s6], [sflag:s4] =	dma.local [hbm:s3], $0xF7A  }
0x26: {  	[smem:$0x3F7F] =	sst s1;
	(tag) =	ssettag s2;
	_ =	strace s9  }
0x27: {  	s1 =	sld [smem:$0x3F8F]  }
0x28: {  	s2 =	sld [smem:$0x3F90]  }
0x29: {  	s4 =	sld [smem:$0x3F92]  }
0x2a: {  	p0 =	seq.s32 s5, $0x0;
	s5 =	sld [smem:$0x3F93]  }
0x2b: {  	s6 =	sld [smem:$0x3F94]  }
0x2c: {  	s7 =	sld [smem:$0x3F95]  }
0x2d: {  	s3 =	simm.s32 $0x108;
	s8 =	sld [smem:$0x3F96]  }
0x2e: {  	s3 =	simm.s32 @!p0 $0x1082;
	s9 =	sld [smem:$0x3F97]  }
0x2f: {  	lr =	sadd.s32 s0, s3;
	s0 =	sld [smem:$0x3F8E]  }
0x30: {  	s3 =	sld [smem:$0x3F91]  }
0x31: {  	[smem:$0x3F9A] =	sst s10  }
0x32: {  	s10 =	sld [smem:$0x3F98];
	_ =	sdelay $0x3  }
0x33: {  	p0 =	seq.s32 s10, $0x1;
	s10 =	sld [smem:$0x3F9A];
	_ =	sdelay $0x3  }
0x34: {  	[smem:$0x3F9A] =	sst s10  }
0x35: {  	s10 =	sld [smem:$0x3F99];
	_ =	sdelay $0x3  }
0x36: {  	p1 =	seq.s32 s10, $0x1;
	s10 =	sld [smem:$0x3F9A];
	_ =	sdelay $0x3  }
0x37: {  	[smem:$0x3F9A] =	sst s10  }
0x38: {  	s10 =	sld [smem:$0x3F9B]  }
0x39: {  	_ = 	snop;
	(pc) =	sbr.ind lr, $3  }
0x3a: {  	_ = 	snop  }
0x3b: {  	_ = 	snop  }
0x3c: {  	p2 =	seq.s32 s10, $0x1;
	s10 =	sld [smem:$0x3F9A]  }
0x3d: {  	_ =	shalt  }
0x3e: {  	_ =	shalt  }
0x3f: {  	_ =	shalt  }
0x40: {  	_ =	shalt  }
0x41: {  	_ =	shalt  }
0x42: {  	_ =	shalt  }
0x43: {  	_ =	shalt  }
0x44: {  	_ =	shalt  }
0x45: {  	_ =	shalt  }
0x46: {  	_ =	shalt  }
0x47: {  	_ =	shalt  }
0x48: {  	_ =	shalt  }
0x49: {  	_ =	shalt  }
0x4a: {  	_ =	shalt  }
0x4b: {  	_ =	shalt  }
0x4c: {  	_ =	shalt  }
0x4d: {  	_ =	shalt  }
0x4e: {  	_ =	shalt  }
0x4f: {  	_ =	shalt  }
0x50: {  	_ =	shalt  }
0x51: {  	_ =	shalt  }
0x52: {  	_ =	shalt  }
0x53: {  	_ =	shalt  }
0x54: {  	_ =	shalt  }
0x55: {  	_ =	shalt  }
0x56: {  	_ =	shalt  }
0x57: {  	_ =	shalt  }
0x58: {  	_ =	shalt  }
0x59: {  	_ =	shalt  }
0x5a: {  	_ =	shalt  }
0x5b: {  	_ =	shalt  }
0x5c: {  	_ =	shalt  }
0x5d: {  	_ =	shalt  }
0x5e: {  	_ =	shalt  }
0x5f: {  	_ =	shalt  }
0x60: {  	_ =	shalt  }
0x61: {  	_ =	shalt  }
0x62: {  	_ =	shalt  }
0x63: {  	_ =	shalt  }
0x64: {  	_ =	shalt  }
0x65: {  	_ =	shalt  }
0x66: {  	_ =	shalt  }
0x67: {  	_ =	shalt  }
0x68: {  	_ =	shalt  }
0x69: {  	_ =	shalt  }
0x6a: {  	_ =	shalt  }
0x6b: {  	_ =	shalt  }
0x6c: {  	_ =	shalt  }
0x6d: {  	_ =	shalt  }
0x6e: {  	_ =	shalt  }
0x6f: {  	_ =	shalt  }
0x70: {  	_ =	shalt  }
0x71: {  	_ =	shalt  }
0x72: {  	_ =	shalt  }
0x73: {  	_ =	shalt  }
0x74: {  	_ =	shalt  }
0x75: {  	_ =	shalt  }
0x76: {  	_ =	shalt  }
0x77: {  	_ =	shalt  }
0x78: {  	_ =	shalt  }
0x79: {  	_ =	shalt  }
0x7a: {  	_ =	shalt  }
0x7b: {  	_ =	shalt  }
0x7c: {  	_ =	shalt  }
0x7d: {  	_ =	shalt  }
0x7e: {  	_ =	shalt  }
0x7f: {  	_ =	shalt  }
0x80: {  	_ =	shalt  }
0x81: {  	_ =	shalt  }
0x82: {  	_ =	shalt  }
0x83: {  	_ =	shalt  }
0x84: {  	_ =	shalt  }
0x85: {  	_ =	shalt  }
0x86: {  	_ =	shalt  }
0x87: {  	_ =	shalt  }
.Lfunc_end0:
.L_simem_size_0:
called_computation.2_lowered:
.L_overlay_start_0:
0x88: {  	s2 =	sld [smem:$0x3FD9]  }
0x89: {  	s3 =	sld [smem:$0x3FFE];
	_ =	sdelay $0x1  }
0x8a: {  	s1 =	srdreg.scid  }
0x8b: {  	s0 =	sand.u32 $0x1, s1  }
0x8c: {  	s16 =	sshll.u32 s0, $0xA;
	s2 =	sadd.s32 s3, s2  }
0x8d: {  	s2 =	sadd.s32 s2, s16  }
0x8e: {  	[smem:$0x3FA6] =	sst s2  }
0x8f: {  	_ = 	snop  }
0x90: {  	(tm) =	ssettm $0x1  }
0x91: {  	s17 =	sld [smem:$0x3FFB];
	_ =	sdelay $0x3  }
0x92: {  	_ =	strace s17  }
0x93: {  	s2 =	sld [smem:$0x3FFC];
	_ =	sdelay $0x3  }
0x94: {  	_ =	strace s2  }
0x95: {  	s2 =	sld [smem:$0x3FFD];
	_ =	sdelay $0x3  }
0x96: {  	_ =	strace s2  }
0x97: {  	_ =	strace $0x8FFFFFFF  }
0x98: {  	s18 =	sld [smem:$0x3FDB];
	_ =	sdelay $0x1  }
0x99: {  	s19 =	simm.s32 $_scs_section_size  }
0x9a: {  	s4 =	simm.s32 $_size__tile_overlayer_lowered;
	s5 =	simm.s32 $_tile_overlayer_lowered  }
0x9b: {  	s22 =	simm.s32 $0x1BFF;
	s21 =	sshll.u32 s5, $0x1;
	s2 =	sadd.s32 s19, s18  }
0x9c: {  	s6 =	simm.s32 $0x0;
	s20 =	sshll.u32 s4, $0x1;
	s4 =	sadd.s32 s21, s2  }
0x9d: {  	[timem:s6], [sflag:s22] =	dma.local [hbm:s4], s20  }
0x9e: {  	_ =	swait.ge [sflag:s22], s20  }
0x9f: {  	s3 =	ssub.s32 $0x0, s20;
	[sflag:s22] =	ssyncset.done $0x0  }
0xa0: {  	[sflag:s22] =	ssyncadd.s32 s3;
	_ =	sdelay $0x1  }
0xa1: {  	s23 =	simm.s32 $0x1B8B  }
0xa2: {  	_ =	swait.ge [sflag:s23], $0x1  }
0xa3: {  	[sflag:s23] =	ssyncset.done $0x0  }
0xa4: {  	s25 =	simm.s32 $0x1B8E;
	s24 =	sld [smem:$0x3FFE];
	[sflag:s23] =	ssyncadd.s32 $0xFFFFFFFF  }
0xa5: {  	s26 =	simm.s32 $execute0_lowered;
	[smem:$0x3FD2] =	sst s25  }
0xa6: {  	s4 =	sshll.u32 s26, $0x1;
	_ =	strace $0x8000004C;
	[dreg:$0x1] =	wrdreg $0xFFFFFFFF  }
0xa7: {  	s28 =	simm.s32 $_size_execute0_lowered;
	s2 =	sadd.s32 s2, s4;
	[dreg:$0x0] =	wrdreg $0x0  }
0xa8: {  	s4 =	sshll.u32 s28, $0x1;
	[dreg:$0x2] =	wrdreg s2  }
0xa9: {  	[dreg:$0x3] =	wrdreg s4  }
0xaa: {  	[dreg:$0x4] =	wrdreg $0xC0  }
0xab: {  	_ =	task [dreg:s6], $0x5FFFF  }
0xac: {  	[dreg:$0x1] =	wrdreg $0xFFFFFFFF  }
0xad: {  	[dreg:$0x0] =	wrdreg $0x60  }
0xae: {  	[dreg:$0x2] =	wrdreg s24  }
0xaf: {  	[dreg:$0x3] =	wrdreg $0xA8000  }
0xb0: {  	[dreg:$0x4] =	wrdreg $0x9  }
0xb1: {  	_ =	task.clear_ibuf [dreg:s6], $0x5FFFF;
	_ =	strace $0x9000004C  }
0xb2: {  	s29 =	simm.s32 $0x9;
	_ =	strace $0x8000004E  }
0xb3: {  	_ =	swait.ge [sflag:s29], $0x1  }
0xb4: {  	[sflag:s29] =	ssyncadd.s32 $0xFFFFFFFF  }
0xb5: {  	_ =	strace $0x9000004E  }
0xb6: {  	_ =	sfence  }
0xb7: {  	s30 =	sld [smem:$0x0];
	_ =	sdelay $0x2  }
0xb8: {  	s31 =	sshll.u32 s1, $0xD;
	s1 =	sshrl.u32 s1, $0x2  }
0xb9: {  	s3 =	sand.u32 $0x4000, s31;
	s1 =	sadd.s32 s1, s30  }
0xba: {  	s0 =	sor.u32 s3, s0;
	s1 =	sshll.u32 s1, $0x11  }
0xbb: {  	s0 =	sor.u32 s1, s0  }
0xbc: {  	s0 =	sadd.s32 $0x8F2B, s0  }
0xbd: {  	[sflag:s0] =	ssyncadd.remote.s32 $0x1  }
0xbe: {  	_ =	sfence.sel $0xFFFF  }
0xbf: {  	[dreg:$0x0] =	wrdreg $0xFFFFFFFF;
	(pc) =	sbr.abs _section_cstart, $3  }
0xc0: {  	[dreg:$0x1] =	wrdreg $0xFFFFFFFF  }
0xc1: {  	_ =	task.clear_ibuf [dreg:s6], $0x2FFFF;
	_ =	strace $0x9FFFFFFF  }
0xc2: {  	(tm) =	ssettm $0x7FFFFFFF  }
0xc3: {  	_ =	shalt  }
tec
execute0_lowered:
.L_overlay_start_1:
0x0: {  	(tag) =	ssettag $0x1  }
0x1: {  	s6 =	rddreg [dreg:$0x0]  }
0x2: {  	s0 =	srdreg.scid;
	s2 =	rddreg [dreg:$0x1];
	s3 =	simm.s32 $0x0  }
0x3: {  	s16 =	simm.s32 $0x5;
	s17 =	simm.s32 $0x1400;
	s18 =	simm.s32 $0x80  }
0x4: {  	s19 =	simm.s32 $0x2800;
	s20 =	simm.s32 $0x6800;
	s21 =	simm.s32 $0x1  }
0x5: {  	s22 =	simm.s32 $0x2;
	s23 =	simm.s32 $0x1480;
	s24 =	simm.s32 $0x3  }
0x6: {  	s25 =	simm.s32 $0x100;
	s5 =	sand.u32 $0x1, s0;
	s0 =	stileid.u32  }
0x7: {  	s28 =	simm.s32 $0x0;
	[smem:$0x7FF] =	sst s3;
	s8 =	smul.u32 $0x13C000, s5  }
0x8: {  	s4 =	sadd.s32 $0x1A800, s6;
	s1 =	sshll.u32 s5, $0x4;
	s9 =	smul.u32 $0x13C00, s0  }
0x9: {  	s26 =	smul.u32 $0x4F000, s0;
	s5 =	ssub.s32 $0x2, s5;
	s1 =	sor.u32 s0, s1  }
0xa: {  	s30 =	sshrl.u32 s5, $0x1;
	s7 =	smul.u32 $0x2800, s1;
	s1 =	rddreg [dreg:$0x2]  }
0xb: {  	_ =	strace $0x8000004D;
	s8 =	sadd.s32 s9, s8;
	s31 =	sshrl.u32 s26, $0x2  }
0xc: {  	s15 =	ssub.s32 s5, s30;
	s26 =	simm.s32 $0x4;
	s29 =	sshrl.u32 s8, $0x3  }
.Ltmp0:
0xd: {  	s15 =	smax.u32 s15, $0x1;
	s7 =	sshrl.u32 s7, $0x3;
	(pc) =	sbr.rel .LBB2_1-.Ltmp0, $4  }
0xe: {  	s14 =	sadd.s32 s29, s6;
	s13 =	sadd.s32 s7, s6;
	s6 =	sadd.s32 s31, s2  }
0xf: {  	s14 =	sadd.s32 $0x41A00, s14;
	s5 =	sadd.s32 $0x6800, s13;
	s7 =	sadd.s32 $0x10800, s13  }
0x10: {  	s8 =	sadd.s32 $0x4000, s6;
	s9 =	sadd.s32 $0x8000, s6;
	s10 =	sadd.s32 $0xC000, s6  }
0x11: {  	v0 =	vimm.f32 $0.0e+00;
	s11 =	sadd.s32 $0x10000, s6;
	s12 =	sadd.s32 $0x6A80, s13;
	s13 =	sadd.s32 $0x10A80, s13  }
.LBB2_9:
0x12: {  	_ =	swait.ge [sflag:s26], $0x4000  }
0x13: {  	s29 =	sshll.u32 s0, $0x6;
	s28 =	sadd.s32 $0x1, s28;
	[sflag:s26] =	ssyncset.done $0x0  }
0x14: {  	s30 =	sshrl.u32 s6, $0x3;
	p0 =	sne.s32 s28, s15;
	[sflag:s26] =	ssyncadd.s32 $0xFFFFC000  }
.Ltmp1:
0x15: {  	s29 =	sor.u32 $0x1C05, s29;
	[bflag:$0x0] =	sbarrier.arrive $0xFFFF;
	(pc) =	sbr.rel @!p0 .LBB2_10-.Ltmp1, $4  }
0x16: {  	[hbm:s14], [sflag:s29] =	dma.local [spmem:s30], $0x2780  }
0x17: {  	_ =	swait.ge [sflag:s16], $0x2780  }
0x18: {  	[sflag:s16] =	ssyncset.done $0x0  }
0x19: {  	[sflag:s16] =	ssyncadd.s32 $0xFFFFD880  }
.LBB2_1:
0x1a: {  	[tilespmem:s3], [sflag:$0x5] =	stream.linear.gather [hbm4b:s5+s3], $0x1400, $0x38;
	[tilespmem:$0x1E400] =	vst v63  }
0x1b: {  	_ =	swait.ge [sflag:s16], $0x1400  }
0x1c: {  	[sflag:s16] =	ssyncset.done $0x0  }
0x1d: {  	[sflag:s16] =	ssyncadd.s32 $0xFFFFEC00  }
0x1e: {  	[tilespmem:s17], [sflag:$0x5] =	stream.linear.gather [hbm4b:s7+s3], $0x1400, $0x38;
	[tilespmem:$0x1E400] =	vst v63  }
0x1f: {  	_ =	swait.ge [sflag:s16], $0x1400  }
0x20: {  	[sflag:s16] =	ssyncset.done $0x0  }
0x21: {  	s29 =	simm.s32 $0x0;
	s30 =	simm.s32 $0x200;
	[sflag:s16] =	ssyncadd.s32 $0xFFFFEC00  }
0x22: {  	[tilespmem:s19], [sflag:$0x1] =	stream.indirect.gather [hbm4b:s4+s18], $0x80, s3, s18, $0xb8;
	[tilespmem:$0x1E400] =	vst v63  }
.LBB2_2:
0x23: {  	p0 =	sne.s32 s30, $0xFE00;
	[tilespmem:s29+$0x6870] =	vst v0  }
0x24: {  	[tilespmem:s29+$0x6800] =	vst v0  }
0x25: {  	[tilespmem:s29+$0x6810] =	vst v0  }
.Ltmp2:
0x26: {  	[tilespmem:s29+$0x6820] =	vst v0;
	(pc) =	sbr.rel @p0 .LBB2_2-.Ltmp2, $4  }
0x27: {  	[tilespmem:s29+$0x6830] =	vst v0  }
0x28: {  	[tilespmem:s29+$0x6840] =	vst v0  }
0x29: {  	[tilespmem:s29+$0x6850] =	vst v0  }
0x2a: {  	[tilespmem:s29+$0x6860] =	vst v0;
	s29 =	sshra.s32 s30, $0x2;
	s30 =	sadd.s32 $0x200, s30  }
0x2b: {  	[tilespmem:s29+$0x6870] =	vst v0  }
0x2c: {  	[tilespmem:s29+$0x6800] =	vst v0  }
0x2d: {  	[tilespmem:s29+$0x6810] =	vst v0  }
0x2e: {  	[tilespmem:s29+$0x6820] =	vst v0  }
0x2f: {  	[tilespmem:s29+$0x6830] =	vst v0  }
0x30: {  	[tilespmem:s29+$0x6840] =	vst v0  }
0x31: {  	[tilespmem:s29+$0x6850] =	vst v0  }
0x32: {  	[tilespmem:s29+$0x6860] =	vst v0  }
0x33: {  	[spmem:s6] =	stream.linear.scatter [tilespmem:s20], [sflag:$0x5], $0x4000, $0x38;
	[tilespmem:$0x1E400] =	vst v63  }
0x34: {  	_ =	swait.ge [sflag:s16], $0x4000  }
0x35: {  	[sflag:s16] =	ssyncset.done $0x0  }
0x36: {  	[sflag:s16] =	ssyncadd.s32 $0xFFFFC000  }
0x37: {  	[spmem:s8] =	stream.linear.scatter [tilespmem:s20], [sflag:$0x5], $0x4000, $0x38;
	[tilespmem:$0x1E400] =	vst v63  }
0x38: {  	_ =	swait.ge [sflag:s16], $0x4000  }
0x39: {  	[sflag:s16] =	ssyncset.done $0x0  }
0x3a: {  	[sflag:s16] =	ssyncadd.s32 $0xFFFFC000  }
0x3b: {  	[spmem:s9] =	stream.linear.scatter [tilespmem:s20], [sflag:$0x5], $0x4000, $0x38;
	[tilespmem:$0x1E400] =	vst v63  }
0x3c: {  	_ =	swait.ge [sflag:s16], $0x4000  }
0x3d: {  	[sflag:s16] =	ssyncset.done $0x0  }
0x3e: {  	[sflag:s16] =	ssyncadd.s32 $0xFFFFC000  }
0x3f: {  	[spmem:s10] =	stream.linear.scatter [tilespmem:s20], [sflag:$0x5], $0x4000, $0x38;
	[tilespmem:$0x1E400] =	vst v63  }
0x40: {  	_ =	swait.ge [sflag:s16], $0x4000  }
0x41: {  	[sflag:s16] =	ssyncset.done $0x0  }
0x42: {  	[sflag:s16] =	ssyncadd.s32 $0xFFFFC000  }
0x43: {  	[spmem:s11] =	stream.linear.scatter [tilespmem:s20], [sflag:$0x5], $0x3C00, $0x38;
	[tilespmem:$0x1E400] =	vst v63  }
0x44: {  	_ =	swait.ge [sflag:s16], $0x3C00  }
0x45: {  	[sflag:s16] =	ssyncset.done $0x0  }
0x46: {  	[sflag:s16] =	ssyncadd.s32 $0xFFFFC400  }
0x47: {  	[bflag:$0x0] =	sbarrier.arrive $0xFFFF  }
0x48: {  	_ =	swait.ge [sflag:s21], $0x4000  }
0x49: {  	[sflag:s21] =	ssyncset.done $0x0  }
0x4a: {  	[sflag:s21] =	ssyncadd.s32 $0xFFFFC000  }
0x4b: {  	[spmem:s2] =	stream.indirect.scatter.add.f32 [tilespmem:s19], [sflag:$0x3], $0x80, s17, s18, $0xb8;
	[tilespmem:$0x1E400] =	vst v63  }
0x4c: {  	_ = 	snop  }
0x4d: {  	[tilespmem:s20], [sflag:$0x2] =	stream.indirect.gather [hbm4b:s4+s18], $0x80, s18, s18, $0xb8;
	[tilespmem:$0x1E400] =	vst v63  }
0x4e: {  	_ =	swait.ge [sflag:s22], $0x4000  }
0x4f: {  	[sflag:s22] =	ssyncset.done $0x0  }
0x50: {  	[sflag:s22] =	ssyncadd.s32 $0xFFFFC000  }
0x51: {  	[spmem:s2] =	stream.indirect.scatter.add.f32 [tilespmem:s20], [sflag:$0x4], $0x80, s23, s18, $0xb8;
	[tilespmem:$0x1E400] =	vst v63  }
0x52: {  	_ =	swait.ge [sflag:s24], $0x4000  }
0x53: {  	[sflag:s24] =	ssyncset.done $0x0  }
0x54: {  	s29 =	simm.s32 $0xFFFFB800;
	[sflag:s24] =	ssyncadd.s32 $0xFFFFC000  }
0x55: {  	[tilespmem:s19], [sflag:$0x1] =	stream.indirect.gather [hbm4b:s4+s18], $0x80, s25, s18, $0xb8;
	[tilespmem:$0x1E400] =	vst v63  }
.LBB2_4:
0x56: {  	_ =	swait.ge [sflag:s21], $0x4000  }
0x57: {  	s30 =	sshra.s32 s29, $0x2;
	[sflag:s21] =	ssyncset.done $0x0  }
0x58: {  	s31 =	sadd.s32 $0x2700, s30;
	[sflag:s21] =	ssyncadd.s32 $0xFFFFC000  }
0x59: {  	[spmem:s2] =	stream.indirect.scatter.add.f32 [tilespmem:s19], [sflag:$0x3], $0x80, s31, s18, $0xb8;
	[tilespmem:$0x1E400] =	vst v63  }
0x5a: {  	_ =	swait.ge [sflag:s26], $0x4000  }
0x5b: {  	[sflag:s26] =	ssyncset.done $0x0  }
0x5c: {  	s31 =	sadd.s32 $0x1380, s30;
	[sflag:s26] =	ssyncadd.s32 $0xFFFFC000  }
0x5d: {  	[tilespmem:s20], [sflag:$0x2] =	stream.indirect.gather [hbm4b:s4+s18], $0x80, s31, s18, $0xb8;
	[tilespmem:$0x1E400] =	vst v63  }
0x5e: {  	_ =	swait.ge [sflag:s22], $0x4000  }
0x5f: {  	p0 =	seq.s32 s29, $0x0;
	[sflag:s22] =	ssyncset.done $0x0  }
.Ltmp3:
0x60: {  	s31 =	sadd.s32 $0x2780, s30;
	[sflag:s22] =	ssyncadd.s32 $0xFFFFC000;
	(pc) =	sbr.rel @p0 .LBB2_6-.Ltmp3, $4  }
0x61: {  	[spmem:s2] =	stream.indirect.scatter.add.f32 [tilespmem:s20], [sflag:$0x4], $0x80, s31, s18, $0xb8;
	[tilespmem:$0x1E400] =	vst v63  }
0x62: {  	_ =	swait.ge [sflag:s24], $0x4000  }
0x63: {  	[sflag:s24] =	ssyncset.done $0x0  }
0x64: {  	[sflag:s24] =	ssyncadd.s32 $0xFFFFC000  }
.Ltmp4:
0x65: {  	(pc) =	sbr.rel .LBB2_4-.Ltmp4, $3  }
0x66: {  	_ =	sdelay $0x1  }
0x67: {  	s30 =	sadd.s32 $0x1400, s30;
	s29 =	sadd.s32 $0x400, s29  }
0x68: {  	[tilespmem:s19], [sflag:$0x1] =	stream.indirect.gather [hbm4b:s4+s18], $0x80, s30, s18, $0xb8;
	[tilespmem:$0x1E400] =	vst v63  }
.LBB2_6:
0x69: {  	_ =	swait.ge [sflag:s26], $0x4000  }
0x6a: {  	[sflag:s26] =	ssyncset.done $0x0  }
0x6b: {  	[sflag:s26] =	ssyncadd.s32 $0xFFFFC000  }
0x6c: {  	[tilespmem:s3], [sflag:$0x5] =	stream.linear.gather [hbm4b:s12+s3], $0x1400, $0x38;
	[tilespmem:$0x1E400] =	vst v63  }
0x6d: {  	_ =	swait.ge [sflag:s16], $0x1400  }
0x6e: {  	[sflag:s16] =	ssyncset.done $0x0  }
0x6f: {  	[sflag:s16] =	ssyncadd.s32 $0xFFFFEC00  }
0x70: {  	[tilespmem:s17], [sflag:$0x5] =	stream.linear.gather [hbm4b:s13+s3], $0x1400, $0x38;
	[tilespmem:$0x1E400] =	vst v63  }
0x71: {  	_ =	swait.ge [sflag:s16], $0x1400  }
0x72: {  	[sflag:s16] =	ssyncset.done $0x0  }
0x73: {  	[sflag:s16] =	ssyncadd.s32 $0xFFFFEC00  }
0x74: {  	[tilespmem:s19], [sflag:$0x1] =	stream.indirect.gather [hbm4b:s4+s18], $0x80, s3, s18, $0xb8;
	[tilespmem:$0x1E400] =	vst v63  }
0x75: {  	_ =	swait.ge [sflag:s21], $0x4000  }
0x76: {  	[sflag:s21] =	ssyncset.done $0x0  }
0x77: {  	[sflag:s21] =	ssyncadd.s32 $0xFFFFC000  }
0x78: {  	[spmem:s2] =	stream.indirect.scatter.add.f32 [tilespmem:s19], [sflag:$0x3], $0x80, s17, s18, $0xb8;
	[tilespmem:$0x1E400] =	vst v63  }
0x79: {  	_ = 	snop  }
0x7a: {  	[tilespmem:s20], [sflag:$0x2] =	stream.indirect.gather [hbm4b:s4+s18], $0x80, s18, s18, $0xb8;
	[tilespmem:$0x1E400] =	vst v63  }
0x7b: {  	_ =	swait.ge [sflag:s22], $0x4000  }
0x7c: {  	[sflag:s22] =	ssyncset.done $0x0  }
0x7d: {  	[sflag:s22] =	ssyncadd.s32 $0xFFFFC000  }
0x7e: {  	[spmem:s2] =	stream.indirect.scatter.add.f32 [tilespmem:s20], [sflag:$0x4], $0x80, s23, s18, $0xb8;
	[tilespmem:$0x1E400] =	vst v63  }
0x7f: {  	_ =	swait.ge [sflag:s24], $0x4000  }
0x80: {  	[sflag:s24] =	ssyncset.done $0x0  }
0x81: {  	s29 =	simm.s32 $0xFFFFB800;
	[sflag:s24] =	ssyncadd.s32 $0xFFFFC000  }
0x82: {  	[tilespmem:s19], [sflag:$0x1] =	stream.indirect.gather [hbm4b:s4+s18], $0x80, s25, s18, $0xb8;
	[tilespmem:$0x1E400] =	vst v63  }
.LBB2_7:
0x83: {  	_ =	swait.ge [sflag:s21], $0x4000  }
0x84: {  	s30 =	sshra.s32 s29, $0x2;
	[sflag:s21] =	ssyncset.done $0x0  }
0x85: {  	s31 =	sadd.s32 $0x2700, s30;
	[sflag:s21] =	ssyncadd.s32 $0xFFFFC000  }
0x86: {  	[spmem:s2] =	stream.indirect.scatter.add.f32 [tilespmem:s19], [sflag:$0x3], $0x80, s31, s18, $0xb8;
	[tilespmem:$0x1E400] =	vst v63  }
0x87: {  	_ =	swait.ge [sflag:s26], $0x4000  }
0x88: {  	[sflag:s26] =	ssyncset.done $0x0  }
0x89: {  	s31 =	sadd.s32 $0x1380, s30;
	[sflag:s26] =	ssyncadd.s32 $0xFFFFC000  }
0x8a: {  	[tilespmem:s20], [sflag:$0x2] =	stream.indirect.gather [hbm4b:s4+s18], $0x80, s31, s18, $0xb8;
	[tilespmem:$0x1E400] =	vst v63  }
0x8b: {  	_ =	swait.ge [sflag:s22], $0x4000  }
0x8c: {  	p0 =	seq.s32 s29, $0x0;
	[sflag:s22] =	ssyncset.done $0x0  }
.Ltmp5:
0x8d: {  	s31 =	sadd.s32 $0x2780, s30;
	[sflag:s22] =	ssyncadd.s32 $0xFFFFC000;
	(pc) =	sbr.rel @p0 .LBB2_9-.Ltmp5, $4  }
0x8e: {  	[spmem:s2] =	stream.indirect.scatter.add.f32 [tilespmem:s20], [sflag:$0x4], $0x80, s31, s18, $0xb8;
	[tilespmem:$0x1E400] =	vst v63  }
0x8f: {  	_ =	swait.ge [sflag:s24], $0x4000  }
0x90: {  	[sflag:s24] =	ssyncset.done $0x0  }
0x91: {  	[sflag:s24] =	ssyncadd.s32 $0xFFFFC000  }
.Ltmp6:
0x92: {  	(pc) =	sbr.rel .LBB2_7-.Ltmp6, $3  }
0x93: {  	_ =	sdelay $0x1  }
0x94: {  	s30 =	sadd.s32 $0x1400, s30;
	s29 =	sadd.s32 $0x400, s29  }
0x95: {  	[tilespmem:s19], [sflag:$0x1] =	stream.indirect.gather [hbm4b:s4+s18], $0x80, s30, s18, $0xb8;
	[tilespmem:$0x1E400] =	vst v63  }
.LBB2_10:
0x96: {  	_ =	sfence.sel $0x180000  }
0x97: {  	[bflag:$0x0] =	sbarrier.arrive $0xFFFF  }
0x98: {  	p0 =	sne.s32 s0, $0x0;
	_ =	strace $0x9000004D  }
0x99: {  	s0 =	sadd.s32 @!p0 $0x100000, s1;
	[bflag:$0x2] =	sbarrier.arrive $0xFFFF  }
0x9a: {  	[sflag:s0] =	ssyncadd.tile.s32 @!p0 $0x1;
	_ =	shalt  }
.Lfunc_end2:
_tile_overlayer_lowered:
.L_overlay_start_2:
0x9b: {  	(tag) =	ssettag $0x2  }
0x9c: {  	s0 =	rddreg [dreg:$0x0];
	s2 =	stileid.u32  }
0x9d: {  	s1 =	rddreg [dreg:$0x1];
	p0 =	sne.s32 s2, $0x0  }
0x9e: {  	s3 =	rddreg [dreg:$0x2];
	[bflag:$0x3] =	sbarrier.arrive $0xFFFF;
	s2 =	simm.s32 @!p0 $0x1C05  }
0x9f: {  	[timem:s3], [sflag:s2] =	dma.local @!p0 [hbm:s0], s1  }
0xa0: {  	s0 =	simm.s32 @!p0 $0x5  }
0xa1: {  	_ =	swait.ge @!p0 [sflag:s0], s1  }
0xa2: {  	s1 =	ssub.s32 @!p0 $0x0, s1;
	[sflag:s0] =	ssyncset.done @!p0 $0x0  }
0xa3: {  	[sflag:s0] =	ssyncadd.s32 @!p0 s1  }
0xa4: {  	[bflag:$0x3] =	sbarrier.arrive $0xFFFF  }
0xa5: {  	_ =	shalt  }

// kernel: kernel.8.cloned.1.call-start
scs
__scs_entry_jumppad:
0x0: {  	(pc) =	sbr.rel $0x88, $3  }
0x1: {  	(tag) =	ssettag $0x0;
	lr =	simm.s32 $0x1  }
0x2: {  	[smem:$0x3F7F] =	sst lr;
	_ =	strace $0xD0000000  }
0x3: {  	_ = 	snop  }
0x4: {  	_ = 	snop  }
0x5: {  	_ = 	snop  }
0x6: {  	_ = 	snop  }
0x7: {  	_ = 	snop  }
__scs_overlays_trampoline_lowered:
0x8: {  	[smem:$0x3F8E] =	sst s0  }
0x9: {  	[smem:$0x3F8F] =	sst s1  }
0xa: {  	[smem:$0x3F90] =	sst s2  }
0xb: {  	[smem:$0x3F91] =	sst s3  }
0xc: {  	[smem:$0x3F92] =	sst s4  }
0xd: {  	[smem:$0x3F93] =	sst s5  }
0xe: {  	[smem:$0x3F94] =	sst s6  }
0xf: {  	[smem:$0x3F95] =	sst s7  }
0x10: {  	[smem:$0x3F96] =	sst s8  }
0x11: {  	[smem:$0x3F97] =	sst s9;
	s0 =	simm.s32 @!p0 $0x0  }
0x12: {  	s1 =	sld [smem:$0x3F7D];
	s0 =	simm.s32 @p0 $0x1  }
0x13: {  	[smem:$0x3F98] =	sst s0;
	s0 =	simm.s32 @!p1 $0x0  }
0x14: {  	s2 =	sld [smem:$0x3F7C];
	s0 =	simm.s32 @p1 $0x1  }
0x15: {  	[smem:$0x3F99] =	sst s0;
	s0 =	simm.s32 @!p2 $0x0  }
0x16: {  	s3 =	sld [smem:$0x3FDB];
	s0 =	simm.s32 @p2 $0x1  }
0x17: {  	s4 =	simm.s32 $0x1BF5;
	[smem:$0x3F9B] =	sst s0  }
0x18: {  	s0 =	sld [smem:$0x3F7E];
	_ =	swait.ge [sflag:s4], $0x0  }
0x19: {  	s7 =	sld [smem:$0x3F7F]  }
0x1a: {  	s8 =	sadd.s32 $0xFFFFE003, lr  }
0x1b: {  	s9 =	sadd.s32 $0xFFFFFEF7, lr;
	s5 =	simm.s32 $0xFFFFFFFF;
	p2 =	slt.u32 s8, $0xFFFFF086  }
0x1c: {  	p1 =	slt.u32 s9, $0xF7A;
	s5 =	simm.s32 @!p2 $0x0  }
0x1d: {  	s5 =	simm.s32 @p1 $0x1;
	p0 =	seq.s32 s7, s2  }
0x1e: {  	s7 =	smul.u32 @!p0 $0xF7A, s2;
	p2 =	seq.s32 @!p0 s5, $0x0  }
0x1f: {  	s9 =	smul.u32 $0xF7A, s1;
	s8 =	simm.s32 @!p0 $0x1BF5;
	p2 =	por !p2, p0  }
0x20: {  	[sflag:s8] =	ssyncset.s32 @!p0 $0xFFFFF086;
	s6 =	sadd.s32 @!p0 s3, s7;
	s7 =	simm.s32 @!p0 $0x108  }
0x21: {  	s3 =	sadd.s32 s3, s9;
	s6 =	sadd.s32 @!p0 $0x88, s6;
	s7 =	simm.s32 @p2 $0x1082  }
0x22: {  	[simem:s7], [sflag:s8] =	dma.local @!p0 [hbm:s6], $0xF7A  }
0x23: {  	s9 =	sor.u32 $0xD0000000, s2;
	s6 =	simm.s32 $0x108;
	_ =	swait.ge @!p0 [sflag:s8], $0x0  }
0x24: {  	s3 =	sadd.s32 $0x88, s3;
	s6 =	simm.s32 @!p1 $0x1082;
	[sflag:s4] =	ssyncset.s32 $0xFFFFF086  }
0x25: {  	[simem:s6], [sflag:s4] =	dma.local [hbm:s3], $0xF7A  }
0x26: {  	[smem:$0x3F7F] =	sst s1;
	(tag) =	ssettag s2;
	_ =	strace s9  }
0x27: {  	s1 =	sld [smem:$0x3F8F]  }
0x28: {  	s2 =	sld [smem:$0x3F90]  }
0x29: {  	s4 =	sld [smem:$0x3F92]  }
0x2a: {  	p0 =	seq.s32 s5, $0x0;
	s5 =	sld [smem:$0x3F93]  }
0x2b: {  	s6 =	sld [smem:$0x3F94]  }
0x2c: {  	s7 =	sld [smem:$0x3F95]  }
0x2d: {  	s3 =	simm.s32 $0x108;
	s8 =	sld [smem:$0x3F96]  }
0x2e: {  	s3 =	simm.s32 @!p0 $0x1082;
	s9 =	sld [smem:$0x3F97]  }
0x2f: {  	lr =	sadd.s32 s0, s3;
	s0 =	sld [smem:$0x3F8E]  }
0x30: {  	s3 =	sld [smem:$0x3F91]  }
0x31: {  	[smem:$0x3F9A] =	sst s10  }
0x32: {  	s10 =	sld [smem:$0x3F98];
	_ =	sdelay $0x3  }
0x33: {  	p0 =	seq.s32 s10, $0x1;
	s10 =	sld [smem:$0x3F9A];
	_ =	sdelay $0x3  }
0x34: {  	[smem:$0x3F9A] =	sst s10  }
0x35: {  	s10 =	sld [smem:$0x3F99];
	_ =	sdelay $0x3  }
0x36: {  	p1 =	seq.s32 s10, $0x1;
	s10 =	sld [smem:$0x3F9A];
	_ =	sdelay $0x3  }
0x37: {  	[smem:$0x3F9A] =	sst s10  }
0x38: {  	s10 =	sld [smem:$0x3F9B]  }
0x39: {  	_ = 	snop;
	(pc) =	sbr.ind lr, $3  }
0x3a: {  	_ = 	snop  }
0x3b: {  	_ = 	snop  }
0x3c: {  	p2 =	seq.s32 s10, $0x1;
	s10 =	sld [smem:$0x3F9A]  }
0x3d: {  	_ =	shalt  }
0x3e: {  	_ =	shalt  }
0x3f: {  	_ =	shalt  }
0x40: {  	_ =	shalt  }
0x41: {  	_ =	shalt  }
0x42: {  	_ =	shalt  }
0x43: {  	_ =	shalt  }
0x44: {  	_ =	shalt  }
0x45: {  	_ =	shalt  }
0x46: {  	_ =	shalt  }
0x47: {  	_ =	shalt  }
0x48: {  	_ =	shalt  }
0x49: {  	_ =	shalt  }
0x4a: {  	_ =	shalt  }
0x4b: {  	_ =	shalt  }
0x4c: {  	_ =	shalt  }
0x4d: {  	_ =	shalt  }
0x4e: {  	_ =	shalt  }
0x4f: {  	_ =	shalt  }
0x50: {  	_ =	shalt  }
0x51: {  	_ =	shalt  }
0x52: {  	_ =	shalt  }
0x53: {  	_ =	shalt  }
0x54: {  	_ =	shalt  }
0x55: {  	_ =	shalt  }
0x56: {  	_ =	shalt  }
0x57: {  	_ =	shalt  }
0x58: {  	_ =	shalt  }
0x59: {  	_ =	shalt  }
0x5a: {  	_ =	shalt  }
0x5b: {  	_ =	shalt  }
0x5c: {  	_ =	shalt  }
0x5d: {  	_ =	shalt  }
0x5e: {  	_ =	shalt  }
0x5f: {  	_ =	shalt  }
0x60: {  	_ =	shalt  }
0x61: {  	_ =	shalt  }
0x62: {  	_ =	shalt  }
0x63: {  	_ =	shalt  }
0x64: {  	_ =	shalt  }
0x65: {  	_ =	shalt  }
0x66: {  	_ =	shalt  }
0x67: {  	_ =	shalt  }
0x68: {  	_ =	shalt  }
0x69: {  	_ =	shalt  }
0x6a: {  	_ =	shalt  }
0x6b: {  	_ =	shalt  }
0x6c: {  	_ =	shalt  }
0x6d: {  	_ =	shalt  }
0x6e: {  	_ =	shalt  }
0x6f: {  	_ =	shalt  }
0x70: {  	_ =	shalt  }
0x71: {  	_ =	shalt  }
0x72: {  	_ =	shalt  }
0x73: {  	_ =	shalt  }
0x74: {  	_ =	shalt  }
0x75: {  	_ =	shalt  }
0x76: {  	_ =	shalt  }
0x77: {  	_ =	shalt  }
0x78: {  	_ =	shalt  }
0x79: {  	_ =	shalt  }
0x7a: {  	_ =	shalt  }
0x7b: {  	_ =	shalt  }
0x7c: {  	_ =	shalt  }
0x7d: {  	_ =	shalt  }
0x7e: {  	_ =	shalt  }
0x7f: {  	_ =	shalt  }
0x80: {  	_ =	shalt  }
0x81: {  	_ =	shalt  }
0x82: {  	_ =	shalt  }
0x83: {  	_ =	shalt  }
0x84: {  	_ =	shalt  }
0x85: {  	_ =	shalt  }
0x86: {  	_ =	shalt  }
0x87: {  	_ =	shalt  }
.Lfunc_end0:
.L_simem_size_0:
called_computation_lowered:
.L_overlay_start_0:
0x88: {  	s2 =	sld [smem:$0x3FD9]  }
0x89: {  	s3 =	sld [smem:$0x3FFE];
	_ =	sdelay $0x1  }
0x8a: {  	s1 =	srdreg.scid  }
0x8b: {  	s0 =	sand.u32 $0x1, s1  }
0x8c: {  	s17 =	sshll.u32 s0, $0xA;
	s2 =	sadd.s32 s3, s2  }
0x8d: {  	s2 =	sadd.s32 s2, s17  }
0x8e: {  	[smem:$0x3FA6] =	sst s2  }
0x8f: {  	_ = 	snop  }
0x90: {  	s2 =	sld [smem:$0x3FC9];
	(tm) =	ssettm $0x1  }
0x91: {  	s18 =	sld [smem:$0x3FFB];
	_ =	sdelay $0x3  }
0x92: {  	_ =	strace s18  }
0x93: {  	s3 =	sld [smem:$0x3FFC];
	_ =	sdelay $0x3  }
0x94: {  	_ =	strace s3  }
0x95: {  	s3 =	sld [smem:$0x3FFD];
	_ =	sdelay $0x3  }
0x96: {  	_ =	strace s3  }
0x97: {  	_ =	strace $0x8FFFFFFF  }
0x98: {  	s19 =	sld [smem:$0x3FDB];
	_ =	sdelay $0x1  }
0x99: {  	s4 =	simm.s32 $_scs_section_size  }
0x9a: {  	s5 =	simm.s32 $_size__tile_overlayer_lowered;
	s6 =	simm.s32 $_tile_overlayer_lowered  }
0x9b: {  	s22 =	simm.s32 $0x1BFF;
	s21 =	sshll.u32 s6, $0x1;
	s3 =	sadd.s32 s4, s19  }
0x9c: {  	s7 =	simm.s32 $0x0;
	s20 =	sshll.u32 s5, $0x1;
	s5 =	sadd.s32 s21, s3  }
0x9d: {  	[timem:s7], [sflag:s22] =	dma.local [hbm:s5], s20  }
0x9e: {  	_ =	swait.ge [sflag:s22], s20  }
0x9f: {  	s4 =	ssub.s32 $0x0, s20;
	[sflag:s22] =	ssyncset.done $0x0  }
0xa0: {  	[sflag:s22] =	ssyncadd.s32 s4;
	_ =	sdelay $0x1  }
0xa1: {  	s23 =	simm.s32 $0x1B8B  }
0xa2: {  	_ =	swait.ge [sflag:s23], $0x1  }
0xa3: {  	[sflag:s23] =	ssyncset.done $0x0  }
0xa4: {  	s25 =	simm.s32 $0x1B8E;
	s24 =	sld [smem:$0x3FFE];
	[sflag:s23] =	ssyncadd.s32 $0xFFFFFFFF  }
0xa5: {  	s26 =	simm.s32 $execute0_lowered;
	[smem:$0x3FD2] =	sst s25  }
0xa6: {  	s5 =	sshll.u32 s26, $0x1;
	_ =	strace $0x80000046;
	[dreg:$0x1] =	wrdreg $0xFFFFFFFF  }
0xa7: {  	s28 =	simm.s32 $_size_execute0_lowered;
	s3 =	sadd.s32 s3, s5;
	[dreg:$0x0] =	wrdreg $0x0  }
0xa8: {  	s5 =	sshll.u32 s28, $0x1;
	[dreg:$0x2] =	wrdreg s3  }
0xa9: {  	[dreg:$0x3] =	wrdreg s5  }
0xaa: {  	[dreg:$0x4] =	wrdreg $0xC0  }
0xab: {  	_ =	task [dreg:s7], $0x5FFFF  }
0xac: {  	[dreg:$0x1] =	wrdreg $0xFFFFFFFF  }
0xad: {  	[dreg:$0x0] =	wrdreg $0x60  }
0xae: {  	[dreg:$0x2] =	wrdreg s2  }
0xaf: {  	[dreg:$0x3] =	wrdreg s24  }
0xb0: {  	[dreg:$0x4] =	wrdreg $0xA8000  }
0xb1: {  	[dreg:$0x5] =	wrdreg $0x9  }
0xb2: {  	_ =	task.clear_ibuf [dreg:s7], $0x6FFFF;
	_ =	strace $0x90000046  }
0xb3: {  	s29 =	simm.s32 $0x9;
	_ =	strace $0x80000048  }
0xb4: {  	_ =	swait.ge [sflag:s29], $0x1  }
0xb5: {  	[sflag:s29] =	ssyncadd.s32 $0xFFFFFFFF  }
0xb6: {  	_ =	strace $0x90000048  }
0xb7: {  	_ =	sfence  }
0xb8: {  	s30 =	sld [smem:$0x0];
	_ =	sdelay $0x2  }
0xb9: {  	s31 =	sshll.u32 s1, $0xD;
	s1 =	sshrl.u32 s1, $0x2  }
0xba: {  	s3 =	sand.u32 $0x4000, s31;
	s1 =	sadd.s32 s1, s30  }
0xbb: {  	s0 =	sor.u32 s3, s0;
	s1 =	sshll.u32 s1, $0x11  }
0xbc: {  	s0 =	sor.u32 s1, s0  }
0xbd: {  	s0 =	sadd.s32 $0x8F2B, s0  }
0xbe: {  	[sflag:s0] =	ssyncadd.remote.s32 $0x1  }
0xbf: {  	_ =	sfence.sel $0xFFFF  }
0xc0: {  	[dreg:$0x0] =	wrdreg $0xFFFFFFFF;
	(pc) =	sbr.abs _section_cstart, $3  }
0xc1: {  	[dreg:$0x1] =	wrdreg $0xFFFFFFFF  }
0xc2: {  	_ =	task.clear_ibuf [dreg:s7], $0x2FFFF;
	_ =	strace $0x9FFFFFFF  }
0xc3: {  	(tm) =	ssettm $0x7FFFFFFF  }
tec
execute0_lowered:
.L_overlay_start_1:
0x0: {  	(tag) =	ssettag $0x1  }
0x1: {  	s1 =	rddreg [dreg:$0x0]  }
0x2: {  	s6 =	rddreg [dreg:$0x1]  }
0x3: {  	s0 =	srdreg.scid;
	s3 =	rddreg [dreg:$0x2]  }
0x4: {  	s4 =	simm.s32 $0x0;
	s16 =	simm.s32 $0x5;
	s17 =	simm.s32 $0x1400  }
0x5: {  	s18 =	simm.s32 $0x80;
	s19 =	simm.s32 $0x2800;
	s20 =	simm.s32 $0x6800  }
0x6: {  	s21 =	simm.s32 $0x1;
	s22 =	simm.s32 $0x2;
	s23 =	simm.s32 $0x1480  }
0x7: {  	s24 =	simm.s32 $0x3;
	s25 =	simm.s32 $0x100;
	s5 =	sand.u32 $0x1, s0  }
0x8: {  	s28 =	simm.s32 $0x0;
	s0 =	stileid.u32;
	s8 =	smul.u32 $0x13C000, s5  }
0x9: {  	[smem:$0x7FF] =	sst s4;
	s2 =	sshll.u32 s5, $0x4;
	s9 =	smul.u32 $0x13C00, s0  }
0xa: {  	s26 =	smul.u32 $0x4F000, s0;
	s5 =	ssub.s32 $0x2, s5;
	s2 =	sor.u32 s0, s2  }
0xb: {  	s30 =	sshrl.u32 s5, $0x1;
	s7 =	smul.u32 $0x2800, s2;
	s2 =	rddreg [dreg:$0x3]  }
0xc: {  	_ =	strace $0x80000047;
	s8 =	sadd.s32 s9, s8;
	s31 =	sshrl.u32 s26, $0x2  }
0xd: {  	s15 =	ssub.s32 s5, s30;
	s26 =	simm.s32 $0x4;
	s29 =	sshrl.u32 s8, $0x3  }
.Ltmp0:
0xe: {  	s15 =	smax.u32 s15, $0x1;
	s7 =	sshrl.u32 s7, $0x3;
	(pc) =	sbr.rel .LBB2_1-.Ltmp0, $4  }
0xf: {  	s14 =	sadd.s32 s29, s6;
	s13 =	sadd.s32 s7, s6;
	s6 =	sadd.s32 s31, s3  }
0x10: {  	s14 =	sadd.s32 $0x1A800, s14;
	s5 =	sadd.s32 $0x6800, s13;
	s7 =	sadd.s32 $0x10800, s13  }
0x11: {  	s8 =	sadd.s32 $0x4000, s6;
	s9 =	sadd.s32 $0x8000, s6;
	s10 =	sadd.s32 $0xC000, s6  }
0x12: {  	v0 =	vimm.f32 $0.0e+00;
	s11 =	sadd.s32 $0x10000, s6;
	s12 =	sadd.s32 $0x6A80, s13;
	s13 =	sadd.s32 $0x10A80, s13  }
.LBB2_9:
0x13: {  	_ =	swait.ge [sflag:s26], $0x4000  }
0x14: {  	s29 =	sshll.u32 s0, $0x6;
	s28 =	sadd.s32 $0x1, s28;
	[sflag:s26] =	ssyncset.done $0x0  }
0x15: {  	s30 =	sshrl.u32 s6, $0x3;
	p0 =	sne.s32 s28, s15;
	[sflag:s26] =	ssyncadd.s32 $0xFFFFC000  }
.Ltmp1:
0x16: {  	s29 =	sor.u32 $0x1C05, s29;
	[bflag:$0x0] =	sbarrier.arrive $0xFFFF;
	(pc) =	sbr.rel @!p0 .LBB2_10-.Ltmp1, $4  }
0x17: {  	[hbm:s14], [sflag:s29] =	dma.local [spmem:s30], $0x2780  }
0x18: {  	_ =	swait.ge [sflag:s16], $0x2780  }
0x19: {  	[sflag:s16] =	ssyncset.done $0x0  }
0x1a: {  	[sflag:s16] =	ssyncadd.s32 $0xFFFFD880  }
.LBB2_1:
0x1b: {  	[tilespmem:s4], [sflag:$0x5] =	stream.linear.gather [hbm4b:s5+s4], $0x1400, $0x38;
	[tilespmem:$0x1E400] =	vst v63  }
0x1c: {  	_ =	swait.ge [sflag:s16], $0x1400  }
0x1d: {  	[sflag:s16] =	ssyncset.done $0x0  }
0x1e: {  	[sflag:s16] =	ssyncadd.s32 $0xFFFFEC00  }
0x1f: {  	[tilespmem:s17], [sflag:$0x5] =	stream.linear.gather [hbm4b:s7+s4], $0x1400, $0x38;
	[tilespmem:$0x1E400] =	vst v63  }
0x20: {  	_ =	swait.ge [sflag:s16], $0x1400  }
0x21: {  	[sflag:s16] =	ssyncset.done $0x0  }
0x22: {  	s29 =	simm.s32 $0x0;
	s30 =	simm.s32 $0x200;
	[sflag:s16] =	ssyncadd.s32 $0xFFFFEC00  }
0x23: {  	[tilespmem:s19], [sflag:$0x1] =	stream.indirect.gather [hbm4b:s1+s18], $0x80, s4, s18, $0xb8;
	[tilespmem:$0x1E400] =	vst v63  }
.LBB2_2:
0x24: {  	p0 =	sne.s32 s30, $0xFE00;
	[tilespmem:s29+$0x6870] =	vst v0  }
0x25: {  	[tilespmem:s29+$0x6800] =	vst v0  }
0x26: {  	[tilespmem:s29+$0x6810] =	vst v0  }
.Ltmp2:
0x27: {  	[tilespmem:s29+$0x6820] =	vst v0;
	(pc) =	sbr.rel @p0 .LBB2_2-.Ltmp2, $4  }
0x28: {  	[tilespmem:s29+$0x6830] =	vst v0  }
0x29: {  	[tilespmem:s29+$0x6840] =	vst v0  }
0x2a: {  	[tilespmem:s29+$0x6850] =	vst v0  }
0x2b: {  	[tilespmem:s29+$0x6860] =	vst v0;
	s29 =	sshra.s32 s30, $0x2;
	s30 =	sadd.s32 $0x200, s30  }
0x2c: {  	[tilespmem:s29+$0x6870] =	vst v0  }
0x2d: {  	[tilespmem:s29+$0x6800] =	vst v0  }
0x2e: {  	[tilespmem:s29+$0x6810] =	vst v0  }
0x2f: {  	[tilespmem:s29+$0x6820] =	vst v0  }
0x30: {  	[tilespmem:s29+$0x6830] =	vst v0  }
0x31: {  	[tilespmem:s29+$0x6840] =	vst v0  }
0x32: {  	[tilespmem:s29+$0x6850] =	vst v0  }
0x33: {  	[tilespmem:s29+$0x6860] =	vst v0  }
0x34: {  	[spmem:s6] =	stream.linear.scatter [tilespmem:s20], [sflag:$0x5], $0x4000, $0x38;
	[tilespmem:$0x1E400] =	vst v63  }
0x35: {  	_ =	swait.ge [sflag:s16], $0x4000  }
0x36: {  	[sflag:s16] =	ssyncset.done $0x0  }
0x37: {  	[sflag:s16] =	ssyncadd.s32 $0xFFFFC000  }
0x38: {  	[spmem:s8] =	stream.linear.scatter [tilespmem:s20], [sflag:$0x5], $0x4000, $0x38;
	[tilespmem:$0x1E400] =	vst v63  }
0x39: {  	_ =	swait.ge [sflag:s16], $0x4000  }
0x3a: {  	[sflag:s16] =	ssyncset.done $0x0  }
0x3b: {  	[sflag:s16] =	ssyncadd.s32 $0xFFFFC000  }
0x3c: {  	[spmem:s9] =	stream.linear.scatter [tilespmem:s20], [sflag:$0x5], $0x4000, $0x38;
	[tilespmem:$0x1E400] =	vst v63  }
0x3d: {  	_ =	swait.ge [sflag:s16], $0x4000  }
0x3e: {  	[sflag:s16] =	ssyncset.done $0x0  }
0x3f: {  	[sflag:s16] =	ssyncadd.s32 $0xFFFFC000  }
0x40: {  	[spmem:s10] =	stream.linear.scatter [tilespmem:s20], [sflag:$0x5], $0x4000, $0x38;
	[tilespmem:$0x1E400] =	vst v63  }
0x41: {  	_ =	swait.ge [sflag:s16], $0x4000  }
0x42: {  	[sflag:s16] =	ssyncset.done $0x0  }
0x43: {  	[sflag:s16] =	ssyncadd.s32 $0xFFFFC000  }
0x44: {  	[spmem:s11] =	stream.linear.scatter [tilespmem:s20], [sflag:$0x5], $0x3C00, $0x38;
	[tilespmem:$0x1E400] =	vst v63  }
0x45: {  	_ =	swait.ge [sflag:s16], $0x3C00  }
0x46: {  	[sflag:s16] =	ssyncset.done $0x0  }
0x47: {  	[sflag:s16] =	ssyncadd.s32 $0xFFFFC400  }
0x48: {  	[bflag:$0x0] =	sbarrier.arrive $0xFFFF  }
0x49: {  	_ =	swait.ge [sflag:s21], $0x4000  }
0x4a: {  	[sflag:s21] =	ssyncset.done $0x0  }
0x4b: {  	[sflag:s21] =	ssyncadd.s32 $0xFFFFC000  }
0x4c: {  	[spmem:s3] =	stream.indirect.scatter.add.f32 [tilespmem:s19], [sflag:$0x3], $0x80, s17, s18, $0xb8;
	[tilespmem:$0x1E400] =	vst v63  }
0x4d: {  	_ = 	snop  }
0x4e: {  	[tilespmem:s20], [sflag:$0x2] =	stream.indirect.gather [hbm4b:s1+s18], $0x80, s18, s18, $0xb8;
	[tilespmem:$0x1E400] =	vst v63  }
0x4f: {  	_ =	swait.ge [sflag:s22], $0x4000  }
0x50: {  	[sflag:s22] =	ssyncset.done $0x0  }
0x51: {  	[sflag:s22] =	ssyncadd.s32 $0xFFFFC000  }
0x52: {  	[spmem:s3] =	stream.indirect.scatter.add.f32 [tilespmem:s20], [sflag:$0x4], $0x80, s23, s18, $0xb8;
	[tilespmem:$0x1E400] =	vst v63  }
0x53: {  	_ =	swait.ge [sflag:s24], $0x4000  }
0x54: {  	[sflag:s24] =	ssyncset.done $0x0  }
0x55: {  	s29 =	simm.s32 $0xFFFFB800;
	[sflag:s24] =	ssyncadd.s32 $0xFFFFC000  }
0x56: {  	[tilespmem:s19], [sflag:$0x1] =	stream.indirect.gather [hbm4b:s1+s18], $0x80, s25, s18, $0xb8;
	[tilespmem:$0x1E400] =	vst v63  }
.LBB2_4:
0x57: {  	_ =	swait.ge [sflag:s21], $0x4000  }
0x58: {  	s30 =	sshra.s32 s29, $0x2;
	[sflag:s21] =	ssyncset.done $0x0  }
0x59: {  	s31 =	sadd.s32 $0x2700, s30;
	[sflag:s21] =	ssyncadd.s32 $0xFFFFC000  }
0x5a: {  	[spmem:s3] =	stream.indirect.scatter.add.f32 [tilespmem:s19], [sflag:$0x3], $0x80, s31, s18, $0xb8;
	[tilespmem:$0x1E400] =	vst v63  }
0x5b: {  	_ =	swait.ge [sflag:s26], $0x4000  }
0x5c: {  	[sflag:s26] =	ssyncset.done $0x0  }
0x5d: {  	s31 =	sadd.s32 $0x1380, s30;
	[sflag:s26] =	ssyncadd.s32 $0xFFFFC000  }
0x5e: {  	[tilespmem:s20], [sflag:$0x2] =	stream.indirect.gather [hbm4b:s1+s18], $0x80, s31, s18, $0xb8;
	[tilespmem:$0x1E400] =	vst v63  }
0x5f: {  	_ =	swait.ge [sflag:s22], $0x4000  }
0x60: {  	p0 =	seq.s32 s29, $0x0;
	[sflag:s22] =	ssyncset.done $0x0  }
.Ltmp3:
0x61: {  	s31 =	sadd.s32 $0x2780, s30;
	[sflag:s22] =	ssyncadd.s32 $0xFFFFC000;
	(pc) =	sbr.rel @p0 .LBB2_6-.Ltmp3, $4  }
0x62: {  	[spmem:s3] =	stream.indirect.scatter.add.f32 [tilespmem:s20], [sflag:$0x4], $0x80, s31, s18, $0xb8;
	[tilespmem:$0x1E400] =	vst v63  }
0x63: {  	_ =	swait.ge [sflag:s24], $0x4000  }
0x64: {  	[sflag:s24] =	ssyncset.done $0x0  }
0x65: {  	[sflag:s24] =	ssyncadd.s32 $0xFFFFC000  }
.Ltmp4:
0x66: {  	(pc) =	sbr.rel .LBB2_4-.Ltmp4, $3  }
0x67: {  	_ =	sdelay $0x1  }
0x68: {  	s30 =	sadd.s32 $0x1400, s30;
	s29 =	sadd.s32 $0x400, s29  }
0x69: {  	[tilespmem:s19], [sflag:$0x1] =	stream.indirect.gather [hbm4b:s1+s18], $0x80, s30, s18, $0xb8;
	[tilespmem:$0x1E400] =	vst v63  }
.LBB2_6:
0x6a: {  	_ =	swait.ge [sflag:s26], $0x4000  }
0x6b: {  	[sflag:s26] =	ssyncset.done $0x0  }
0x6c: {  	[sflag:s26] =	ssyncadd.s32 $0xFFFFC000  }
0x6d: {  	[tilespmem:s4], [sflag:$0x5] =	stream.linear.gather [hbm4b:s12+s4], $0x1400, $0x38;
	[tilespmem:$0x1E400] =	vst v63  }
0x6e: {  	_ =	swait.ge [sflag:s16], $0x1400  }
0x6f: {  	[sflag:s16] =	ssyncset.done $0x0  }
0x70: {  	[sflag:s16] =	ssyncadd.s32 $0xFFFFEC00  }
0x71: {  	[tilespmem:s17], [sflag:$0x5] =	stream.linear.gather [hbm4b:s13+s4], $0x1400, $0x38;
	[tilespmem:$0x1E400] =	vst v63  }
0x72: {  	_ =	swait.ge [sflag:s16], $0x1400  }
0x73: {  	[sflag:s16] =	ssyncset.done $0x0  }
0x74: {  	[sflag:s16] =	ssyncadd.s32 $0xFFFFEC00  }
0x75: {  	[tilespmem:s19], [sflag:$0x1] =	stream.indirect.gather [hbm4b:s1+s18], $0x80, s4, s18, $0xb8;
	[tilespmem:$0x1E400] =	vst v63  }
0x76: {  	_ =	swait.ge [sflag:s21], $0x4000  }
0x77: {  	[sflag:s21] =	ssyncset.done $0x0  }
0x78: {  	[sflag:s21] =	ssyncadd.s32 $0xFFFFC000  }
0x79: {  	[spmem:s3] =	stream.indirect.scatter.add.f32 [tilespmem:s19], [sflag:$0x3], $0x80, s17, s18, $0xb8;
	[tilespmem:$0x1E400] =	vst v63  }
0x7a: {  	_ = 	snop  }
0x7b: {  	[tilespmem:s20], [sflag:$0x2] =	stream.indirect.gather [hbm4b:s1+s18], $0x80, s18, s18, $0xb8;
	[tilespmem:$0x1E400] =	vst v63  }
0x7c: {  	_ =	swait.ge [sflag:s22], $0x4000  }
0x7d: {  	[sflag:s22] =	ssyncset.done $0x0  }
0x7e: {  	[sflag:s22] =	ssyncadd.s32 $0xFFFFC000  }
0x7f: {  	[spmem:s3] =	stream.indirect.scatter.add.f32 [tilespmem:s20], [sflag:$0x4], $0x80, s23, s18, $0xb8;
	[tilespmem:$0x1E400] =	vst v63  }
0x80: {  	_ =	swait.ge [sflag:s24], $0x4000  }
0x81: {  	[sflag:s24] =	ssyncset.done $0x0  }
0x82: {  	s29 =	simm.s32 $0xFFFFB800;
	[sflag:s24] =	ssyncadd.s32 $0xFFFFC000  }
0x83: {  	[tilespmem:s19], [sflag:$0x1] =	stream.indirect.gather [hbm4b:s1+s18], $0x80, s25, s18, $0xb8;
	[tilespmem:$0x1E400] =	vst v63  }
.LBB2_7:
0x84: {  	_ =	swait.ge [sflag:s21], $0x4000  }
0x85: {  	s30 =	sshra.s32 s29, $0x2;
	[sflag:s21] =	ssyncset.done $0x0  }
0x86: {  	s31 =	sadd.s32 $0x2700, s30;
	[sflag:s21] =	ssyncadd.s32 $0xFFFFC000  }
0x87: {  	[spmem:s3] =	stream.indirect.scatter.add.f32 [tilespmem:s19], [sflag:$0x3], $0x80, s31, s18, $0xb8;
	[tilespmem:$0x1E400] =	vst v63  }
0x88: {  	_ =	swait.ge [sflag:s26], $0x4000  }
0x89: {  	[sflag:s26] =	ssyncset.done $0x0  }
0x8a: {  	s31 =	sadd.s32 $0x1380, s30;
	[sflag:s26] =	ssyncadd.s32 $0xFFFFC000  }
0x8b: {  	[tilespmem:s20], [sflag:$0x2] =	stream.indirect.gather [hbm4b:s1+s18], $0x80, s31, s18, $0xb8;
	[tilespmem:$0x1E400] =	vst v63  }
0x8c: {  	_ =	swait.ge [sflag:s22], $0x4000  }
0x8d: {  	p0 =	seq.s32 s29, $0x0;
	[sflag:s22] =	ssyncset.done $0x0  }
.Ltmp5:
0x8e: {  	s31 =	sadd.s32 $0x2780, s30;
	[sflag:s22] =	ssyncadd.s32 $0xFFFFC000;
	(pc) =	sbr.rel @p0 .LBB2_9-.Ltmp5, $4  }
0x8f: {  	[spmem:s3] =	stream.indirect.scatter.add.f32 [tilespmem:s20], [sflag:$0x4], $0x80, s31, s18, $0xb8;
	[tilespmem:$0x1E400] =	vst v63  }
0x90: {  	_ =	swait.ge [sflag:s24], $0x4000  }
0x91: {  	[sflag:s24] =	ssyncset.done $0x0  }
0x92: {  	[sflag:s24] =	ssyncadd.s32 $0xFFFFC000  }
.Ltmp6:
0x93: {  	(pc) =	sbr.rel .LBB2_7-.Ltmp6, $3  }
0x94: {  	_ =	sdelay $0x1  }
0x95: {  	s30 =	sadd.s32 $0x1400, s30;
	s29 =	sadd.s32 $0x400, s29  }
0x96: {  	[tilespmem:s19], [sflag:$0x1] =	stream.indirect.gather [hbm4b:s1+s18], $0x80, s30, s18, $0xb8;
	[tilespmem:$0x1E400] =	vst v63  }
.LBB2_10:
0x97: {  	_ =	sfence.sel $0x180000  }
0x98: {  	[bflag:$0x0] =	sbarrier.arrive $0xFFFF  }
0x99: {  	p0 =	sne.s32 s0, $0x0;
	_ =	strace $0x90000047  }
0x9a: {  	s0 =	sadd.s32 @!p0 $0x100000, s2;
	[bflag:$0x2] =	sbarrier.arrive $0xFFFF  }
0x9b: {  	[sflag:s0] =	ssyncadd.tile.s32 @!p0 $0x1;
	_ =	shalt  }
.Lfunc_end2:
_tile_overlayer_lowered:
.L_overlay_start_2:
0x9c: {  	(tag) =	ssettag $0x2  }
0x9d: {  	s0 =	rddreg [dreg:$0x0];
	s2 =	stileid.u32  }
0x9e: {  	s1 =	rddreg [dreg:$0x1];
	p0 =	sne.s32 s2, $0x0  }
0x9f: {  	s3 =	rddreg [dreg:$0x2];
	[bflag:$0x3] =	sbarrier.arrive $0xFFFF;
	s2 =	simm.s32 @!p0 $0x1C05  }
0xa0: {  	[timem:s3], [sflag:s2] =	dma.local @!p0 [hbm:s0], s1  }
0xa1: {  	s0 =	simm.s32 @!p0 $0x5  }
0xa2: {  	_ =	swait.ge @!p0 [sflag:s0], s1  }
0xa3: {  	s1 =	ssub.s32 @!p0 $0x0, s1;
	[sflag:s0] =	ssyncset.done @!p0 $0x0  }
0xa4: {  	[sflag:s0] =	ssyncadd.s32 @!p0 s1  }
0xa5: {  	[bflag:$0x3] =	sbarrier.arrive $0xFFFF  }
0xa6: {  	_ =	shalt  }

</sc_bundles>
